<compile_context>
chip_gen: v7x
topology: tpu7x:2x2x1
jax: 0.10.2.dev20260603
libtpu: 0.0.44.dev20260713+nightly
codegen_flags: <defaults>
</compile_context>

<pallas_src>
import functools

import jax
import jax.numpy as jnp
from jax import lax
from jax.experimental import pallas as pl
from jax.experimental.pallas import tpu as pltpu
from jax.experimental.pallas import tpu_sc as plsc

B, L, D, V = 1024, 20, 128, 100000
ALPHA = 0.2
SUB = 8
R = SUB * L
STEPS = 4
SPS = B // STEPS
NSUB = SPS // SUB
RPS = SPS * L
BL = B * L

_NC = 2
_NS = 16
_NW = _NC * _NS
_B_PER_W = BL // _NW
_CHUNK = 128
_NCHUNK = _B_PER_W // _CHUNK


def _sc_gather(idx, table):
    mesh = plsc.VectorSubcoreMesh(core_axis_name="c", subcore_axis_name="s")

    @functools.partial(
        pl.kernel,
        mesh=mesh,
        out_type=jax.ShapeDtypeStruct((BL, D), jnp.float32),
        scratch_types=[
            pltpu.VMEM((_B_PER_W,), jnp.int32),
            pltpu.VMEM((_B_PER_W, D), jnp.float32),
            pltpu.SemaphoreType.DMA,
        ],
    )
    def gather_kernel(idx_hbm, table_hbm, out_hbm, idx_v, rows_v, sem):
        wid = lax.axis_index("s") * _NC + lax.axis_index("c")
        base = wid * _B_PER_W
        pltpu.sync_copy(idx_hbm.at[pl.ds(base, _B_PER_W)], idx_v)
        copies = []
        for j in range(_NCHUNK):
            copies.append(
                pltpu.async_copy(
                    table_hbm.at[idx_v.at[pl.ds(j * _CHUNK, _CHUNK)]],
                    rows_v.at[pl.ds(j * _CHUNK, _CHUNK)],
                    sem,
                )
            )
        for cp in copies:
            cp.wait()
        pltpu.sync_copy(rows_v, out_hbm.at[pl.ds(base, _B_PER_W)])

    return gather_kernel(idx, table)


def _tc_body(h_ref, adj_ref, a_ref, tile_ref, cross_ref, o_ref,
             hnb_scr, code_scr):
    a = a_ref[...].astype(jnp.bfloat16)
    tile = tile_ref[...]
    cross = cross_ref[...]

    h = h_ref[...]
    ss = jnp.sum(h * h, axis=1, keepdims=True)
    hn = h / jnp.maximum(jnp.sqrt(ss), 1e-12)
    hnb = hn.astype(jnp.bfloat16)
    hnb_scr[...] = hnb
    adjf = adj_ref[...].reshape(RPS, L).astype(jnp.float32)
    code_scr[...] = lax.dot_general(adjf, tile[0:L, :], (((1,), (0,)), ((), ())),
                                    preferred_element_type=jnp.float32)

    def sub_block(s, _):
        base = pl.multiple_of(s * R, R)
        sbase = pl.multiple_of(s * SUB, SUB)
        hnp = hnb_scr[pl.ds(base, R), :]
        codef = code_scr[pl.ds(base, R), :] + cross
        pre = jnp.where(codef >= 99.5, -600.0, -300.0)
        for k in range(4):
            hk = hnp * a[k : k + 1, :]
            pk = lax.dot_general(hk, hnp, (((1,), (1,)), ((), ())),
                                 preferred_element_type=jnp.float32)
            pre = jnp.where(codef == (k + 1), pk, pre)
        alph = jnp.where(pre >= 0, pre, ALPHA * pre)
        ex = jnp.exp(alph)
        den = jnp.sum(ex, axis=1, keepdims=True)
        p = (ex / den).astype(jnp.bfloat16)
        res = lax.dot_general(
            p, hnp, (((1,), (0,)), ((), ())), preferred_element_type=jnp.float32)
        o_ref[:, pl.ds(sbase, SUB), :] = res.reshape(SUB, L, D).transpose(1, 0, 2)
        return 0

    lax.fori_loop(0, NSUB, sub_block, 0, unroll=True)


def _tc_attention(h_raw, adj, a_mat, tile_c, cross_c):
    return pl.pallas_call(
        _tc_body,
        grid=(STEPS,),
        in_specs=[
            pl.BlockSpec((RPS, D), lambda i: (i, 0)),
            pl.BlockSpec((SPS, L, L), lambda i: (i, 0, 0)),
            pl.BlockSpec((8, D), lambda i: (0, 0)),
            pl.BlockSpec((24, R), lambda i: (0, 0)),
            pl.BlockSpec((R, R), lambda i: (0, 0)),
        ],
        out_specs=pl.BlockSpec((L, SPS, D), lambda i: (0, i, 0)),
        out_shape=jax.ShapeDtypeStruct((L, B, D), jnp.float32),
        scratch_shapes=[
            pltpu.VMEM((RPS, D), jnp.bfloat16),
            pltpu.VMEM((RPS, R), jnp.float32),
        ],
    )(h_raw, adj, a_mat, tile_c, cross_c)


def _constants():
    j = jnp.arange(24)[:, None]
    c = jnp.arange(R)[None, :]
    tile_c = (c % L == j).astype(jnp.float32)
    rs = jnp.arange(R)[:, None] // L
    cs = jnp.arange(R)[None, :] // L
    cross_c = jnp.where(rs == cs, 0.0, 100.0).astype(jnp.float32)
    return tile_c, cross_c


def kernel(inputs, adj, mask_item, item, embedding, a_0, a_1, a_2, a_3):
    idx = inputs.reshape(BL).astype(jnp.int32)
    h_raw = _sc_gather(idx, embedding)
    a_mat = jnp.concatenate(
        [a_0.T, a_1.T, a_2.T, a_3.T, jnp.zeros((4, D), jnp.float32)], axis=0)
    tile_c, cross_c = _constants()
    out = _tc_attention(h_raw, adj, a_mat, tile_c, cross_c)
    return jnp.transpose(out, (1, 0, 2))

# --- scband reference (transcript-rebuilt; emitter-appended) ---
"""Pipeline reference for scband-dmignn-58969900974790 (READ-ONLY COPY).

The authoritative reference and input builder live on the scoring server;
editing this copy changes nothing except your own understanding.
"""

import jax, jax.numpy as jnp
import numpy as np

B, L, D, V = 1024, 20, 128, 100000
ALPHA = 0.2

def _normalize(x, eps=1e-12):
    n = jnp.sqrt(jnp.sum(x * x, axis=-1, keepdims=True))
    return x / jnp.maximum(n, eps)

def _leaky(x, a=ALPHA):
    return jnp.where(x >= 0, x, a * x)

def setup_inputs(seed: int = 0):
    key = jax.random.key(seed)
    ks = jax.random.split(key, 8)
    stdv = 1.0 / np.sqrt(D)
    inputs = jax.random.randint(ks[0], (B, L), 0, V)
    adj = jax.random.randint(ks[1], (B, L, L), 0, 5)
    mask_item = jnp.ones((B, L), dtype=bool)
    item = jax.random.randint(ks[2], (B, L), 0, V)
    embedding = jax.random.uniform(ks[3], (V, D), minval=-stdv, maxval=stdv, dtype=jnp.float32)
    a_0 = jax.random.uniform(ks[4], (D, 1), minval=-stdv, maxval=stdv, dtype=jnp.float32)
    a_1 = jax.random.uniform(ks[5], (D, 1), minval=-stdv, maxval=stdv, dtype=jnp.float32)
    a_2 = jax.random.uniform(ks[6], (D, 1), minval=-stdv, maxval=stdv, dtype=jnp.float32)
    a_3 = jax.random.uniform(ks[7], (D, 1), minval=-stdv, maxval=stdv, dtype=jnp.float32)
    return {"inputs": inputs, "adj": adj, "mask_item": mask_item, "item": item,
            "embedding": embedding, "a_0": a_0, "a_1": a_1, "a_2": a_2, "a_3": a_3}

def reference(inputs, adj, mask_item, item, embedding, a_0, a_1, a_2, a_3):
    # h = self.embedding(inputs); F.normalize(h, p=2, dim=-1)
    h = jnp.take(embedding, inputs, axis=0)
    h = _normalize(h)
    # LocalAggregator (GCE-GNN): pairwise elementwise products
    # a_input[b,i,j,:] = h[b,i,:] * h[b,j,:]
    a_input = h[:, :, None, :] * h[:, None, :, :]
    e_0 = _leaky(jnp.matmul(a_input, a_0))[..., 0]
    e_1 = _leaky(jnp.matmul(a_input, a_1))[..., 0]
    e_2 = _leaky(jnp.matmul(a_input, a_2))[..., 0]
    e_3 = _leaky(jnp.matmul(a_input, a_3))[..., 0]
    mask = jnp.full_like(e_0, -9e15)
    alph = jnp.where(adj == 1, e_0, mask)
    alph = jnp.where(adj == 2, e_1, alph)
    alph = jnp.where(adj == 3, e_2, alph)
    alph = jnp.where(adj == 4, e_3, alph)
    alph = jax.nn.softmax(alph, axis=-1)
    output = jnp.matmul(alph, h)
    # dropout_local = 0.0 (eval semantics) -> identity
    return output

if __name__ == "__main__":
    import jax
    _d = setup_inputs()
    print(jax.jit(kernel)(*tuple(_d.values())))

</pallas_src>

<mosaic_0001>
#map = affine_map<(d0, d1) -> (0)>
#map1 = affine_map<(d0, d1) -> (0, 0)>
module attributes {stable_mosaic.version = 14 : i64} {
  func.func @gather_kernel(%arg0: i32, %arg1: i32, %arg2: memref<20480xi32, #tpu.memory_space<hbm>>, %arg3: memref<100000x128xf32, #tpu.memory_space<hbm>>, %arg4: memref<20480x128xf32, #tpu.memory_space<hbm>>, %arg5: memref<640xi32, #tpu.memory_space<vmem>>, %arg6: memref<640x128xf32, #tpu.memory_space<vmem>>, %arg7: memref<!tpu.dma_semaphore, #tpu.memory_space<semaphore_mem>>) attributes {dimension_semantics = [#tpu.dimension_semantics<core_parallel>, #tpu.dimension_semantics<subcore_parallel>], iteration_bounds = array<i64: 2, 16>, scalar_prefetch = 0 : i64, scratch_operands = 3 : i64, tpu.core_type = #tpu.core_type<sc_vector_subcore>, window_params = [{transform_indices = #map}, {transform_indices = #map1}, {transform_indices = #map1}]} {
    %mul3A = arith.constant 2 : i32
    %mul3A_0 = arith.muli %arg1, %mul3A : i32
    %add3A = arith.addi %mul3A_0, %arg0 : i32
    %mul3A_1 = arith.constant 640 : i32
    %mul3A_2 = arith.muli %add3A, %mul3A_1 : i32
    "tpu.region"() ({
      %run_scoped3A = tpu.sem_alloc : memref<!tpu.dma_semaphore, #tpu.memory_space<semaphore_mem>>
      %dma_start3A_81 = tpu.memref_slice %arg2[%mul3A_2] : memref<20480xi32, #tpu.memory_space<hbm>> -> memref<640xi32, #tpu.memory_space<hbm>>
      %dma_start3A_82 = tpu.memref_slice %arg2[%mul3A_2] : memref<20480xi32, #tpu.memory_space<hbm>> -> memref<640xi32, #tpu.memory_space<hbm>>
      tpu.enqueue_dma source(%dma_start3A_82 : memref<640xi32, #tpu.memory_space<hbm>>) target(%arg5 : memref<640xi32, #tpu.memory_space<vmem>>) target_semaphore(%run_scoped3A : memref<!tpu.dma_semaphore, #tpu.memory_space<semaphore_mem>>)
      %dma_wait3A_83 = tpu.memref_slice %arg2[%mul3A_2] : memref<20480xi32, #tpu.memory_space<hbm>> -> memref<640xi32, #tpu.memory_space<hbm>>
      %dma_wait3A_84 = tpu.memref_slice %arg2[%mul3A_2] : memref<20480xi32, #tpu.memory_space<hbm>> -> memref<640xi32, #tpu.memory_space<hbm>>
      tpu.wait_dma2 semaphore(%run_scoped3A : memref<!tpu.dma_semaphore, #tpu.memory_space<semaphore_mem>>) src(%dma_wait3A_84 : memref<640xi32, #tpu.memory_space<hbm>>) dst(%arg5 : memref<640xi32, #tpu.memory_space<vmem>>)
      tpu.yield
    }) : () -> ()
    %dma_start3A = arith.constant 0 : i32
    %dma_start3A_3 = arith.constant 0 : i32
    %dma_start3A_4 = tpu.memref_slice %arg6[%dma_start3A, %dma_start3A_3] : memref<640x128xf32, #tpu.memory_space<vmem>> -> memref<128x128xf32, #tpu.memory_space<vmem>>
    %dma_start3A_5 = arith.constant 0 : i32
    %dma_start3A_6 = tpu.memref_slice %arg5[%dma_start3A_5] : memref<640xi32, #tpu.memory_space<vmem>> -> memref<128xi32, #tpu.memory_space<vmem>>
    %dma_start3A_7 = arith.constant 0 : i32
    %dma_start3A_8 = arith.constant 0 : i32
    %dma_start3A_9 = tpu.memref_slice %arg3[%dma_start3A_7, %dma_start3A_8] : memref<100000x128xf32, #tpu.memory_space<hbm>> -> memref<100000x128xf32, #tpu.memory_space<hbm>>
    tpu.enqueue_indirect_dma source(%dma_start3A_9 : memref<100000x128xf32, #tpu.memory_space<hbm>>) target(%dma_start3A_4 : memref<128x128xf32, #tpu.memory_space<vmem>>) offsets(%dma_start3A_6 : memref<128xi32, #tpu.memory_space<vmem>>) semaphore(%arg7 : memref<!tpu.dma_semaphore, #tpu.memory_space<semaphore_mem>>)
    %dma_start3A_10 = arith.constant 128 : i32
    %dma_start3A_11 = arith.constant 0 : i32
    %dma_start3A_12 = tpu.memref_slice %arg6[%dma_start3A_10, %dma_start3A_11] : memref<640x128xf32, #tpu.memory_space<vmem>> -> memref<128x128xf32, #tpu.memory_space<vmem>>
    %dma_start3A_13 = arith.constant 128 : i32
    %dma_start3A_14 = tpu.memref_slice %arg5[%dma_start3A_13] : memref<640xi32, #tpu.memory_space<vmem>> -> memref<128xi32, #tpu.memory_space<vmem>>
    %dma_start3A_15 = arith.constant 0 : i32
    %dma_start3A_16 = arith.constant 0 : i32
    %dma_start3A_17 = tpu.memref_slice %arg3[%dma_start3A_15, %dma_start3A_16] : memref<100000x128xf32, #tpu.memory_space<hbm>> -> memref<100000x128xf32, #tpu.memory_space<hbm>>
    tpu.enqueue_indirect_dma source(%dma_start3A_17 : memref<100000x128xf32, #tpu.memory_space<hbm>>) target(%dma_start3A_12 : memref<128x128xf32, #tpu.memory_space<vmem>>) offsets(%dma_start3A_14 : memref<128xi32, #tpu.memory_space<vmem>>) semaphore(%arg7 : memref<!tpu.dma_semaphore, #tpu.memory_space<semaphore_mem>>)
    %dma_start3A_18 = arith.constant 256 : i32
    %dma_start3A_19 = arith.constant 0 : i32
    %dma_start3A_20 = tpu.memref_slice %arg6[%dma_start3A_18, %dma_start3A_19] : memref<640x128xf32, #tpu.memory_space<vmem>> -> memref<128x128xf32, #tpu.memory_space<vmem>>
    %dma_start3A_21 = arith.constant 256 : i32
    %dma_start3A_22 = tpu.memref_slice %arg5[%dma_start3A_21] : memref<640xi32, #tpu.memory_space<vmem>> -> memref<128xi32, #tpu.memory_space<vmem>>
    %dma_start3A_23 = arith.constant 0 : i32
    %dma_start3A_24 = arith.constant 0 : i32
    %dma_start3A_25 = tpu.memref_slice %arg3[%dma_start3A_23, %dma_start3A_24] : memref<100000x128xf32, #tpu.memory_space<hbm>> -> memref<100000x128xf32, #tpu.memory_space<hbm>>
    tpu.enqueue_indirect_dma source(%dma_start3A_25 : memref<100000x128xf32, #tpu.memory_space<hbm>>) target(%dma_start3A_20 : memref<128x128xf32, #tpu.memory_space<vmem>>) offsets(%dma_start3A_22 : memref<128xi32, #tpu.memory_space<vmem>>) semaphore(%arg7 : memref<!tpu.dma_semaphore, #tpu.memory_space<semaphore_mem>>)
    %dma_start3A_26 = arith.constant 384 : i32
    %dma_start3A_27 = arith.constant 0 : i32
    %dma_start3A_28 = tpu.memref_slice %arg6[%dma_start3A_26, %dma_start3A_27] : memref<640x128xf32, #tpu.memory_space<vmem>> -> memref<128x128xf32, #tpu.memory_space<vmem>>
    %dma_start3A_29 = arith.constant 384 : i32
    %dma_start3A_30 = tpu.memref_slice %arg5[%dma_start3A_29] : memref<640xi32, #tpu.memory_space<vmem>> -> memref<128xi32, #tpu.memory_space<vmem>>
    %dma_start3A_31 = arith.constant 0 : i32
    %dma_start3A_32 = arith.constant 0 : i32
    %dma_start3A_33 = tpu.memref_slice %arg3[%dma_start3A_31, %dma_start3A_32] : memref<100000x128xf32, #tpu.memory_space<hbm>> -> memref<100000x128xf32, #tpu.memory_space<hbm>>
    tpu.enqueue_indirect_dma source(%dma_start3A_33 : memref<100000x128xf32, #tpu.memory_space<hbm>>) target(%dma_start3A_28 : memref<128x128xf32, #tpu.memory_space<vmem>>) offsets(%dma_start3A_30 : memref<128xi32, #tpu.memory_space<vmem>>) semaphore(%arg7 : memref<!tpu.dma_semaphore, #tpu.memory_space<semaphore_mem>>)
    %dma_start3A_34 = arith.constant 512 : i32
    %dma_start3A_35 = arith.constant 0 : i32
    %dma_start3A_36 = tpu.memref_slice %arg6[%dma_start3A_34, %dma_start3A_35] : memref<640x128xf32, #tpu.memory_space<vmem>> -> memref<128x128xf32, #tpu.memory_space<vmem>>
    %dma_start3A_37 = arith.constant 512 : i32
    %dma_start3A_38 = tpu.memref_slice %arg5[%dma_start3A_37] : memref<640xi32, #tpu.memory_space<vmem>> -> memref<128xi32, #tpu.memory_space<vmem>>
    %dma_start3A_39 = arith.constant 0 : i32
    %dma_start3A_40 = arith.constant 0 : i32
    %dma_start3A_41 = tpu.memref_slice %arg3[%dma_start3A_39, %dma_start3A_40] : memref<100000x128xf32, #tpu.memory_space<hbm>> -> memref<100000x128xf32, #tpu.memory_space<hbm>>
    tpu.enqueue_indirect_dma source(%dma_start3A_41 : memref<100000x128xf32, #tpu.memory_space<hbm>>) target(%dma_start3A_36 : memref<128x128xf32, #tpu.memory_space<vmem>>) offsets(%dma_start3A_38 : memref<128xi32, #tpu.memory_space<vmem>>) semaphore(%arg7 : memref<!tpu.dma_semaphore, #tpu.memory_space<semaphore_mem>>)
    %dma_wait3A = arith.constant 0 : i32
    %dma_wait3A_42 = arith.constant 0 : i32
    %dma_wait3A_43 = tpu.memref_slice %arg6[%dma_wait3A, %dma_wait3A_42] : memref<640x128xf32, #tpu.memory_space<vmem>> -> memref<128x128xf32, #tpu.memory_space<vmem>>
    %dma_wait3A_44 = arith.constant 0 : i32
    %dma_wait3A_45 = tpu.memref_slice %arg5[%dma_wait3A_44] : memref<640xi32, #tpu.memory_space<vmem>> -> memref<128xi32, #tpu.memory_space<vmem>>
    %dma_wait3A_46 = arith.constant 0 : i32
    %dma_wait3A_47 = arith.constant 0 : i32
    %dma_wait3A_48 = tpu.memref_slice %arg3[%dma_wait3A_46, %dma_wait3A_47] : memref<100000x128xf32, #tpu.memory_space<hbm>> -> memref<100000x128xf32, #tpu.memory_space<hbm>>
    tpu.wait_indirect_dma semaphore(%arg7 : memref<!tpu.dma_semaphore, #tpu.memory_space<semaphore_mem>>) src(%dma_wait3A_48 : memref<100000x128xf32, #tpu.memory_space<hbm>>) dst(%dma_wait3A_43 : memref<128x128xf32, #tpu.memory_space<vmem>>)
    %dma_wait3A_49 = arith.constant 128 : i32
    %dma_wait3A_50 = arith.constant 0 : i32
    %dma_wait3A_51 = tpu.memref_slice %arg6[%dma_wait3A_49, %dma_wait3A_50] : memref<640x128xf32, #tpu.memory_space<vmem>> -> memref<128x128xf32, #tpu.memory_space<vmem>>
    %dma_wait3A_52 = arith.constant 128 : i32
    %dma_wait3A_53 = tpu.memref_slice %arg5[%dma_wait3A_52] : memref<640xi32, #tpu.memory_space<vmem>> -> memref<128xi32, #tpu.memory_space<vmem>>
    %dma_wait3A_54 = arith.constant 0 : i32
    %dma_wait3A_55 = arith.constant 0 : i32
    %dma_wait3A_56 = tpu.memref_slice %arg3[%dma_wait3A_54, %dma_wait3A_55] : memref<100000x128xf32, #tpu.memory_space<hbm>> -> memref<100000x128xf32, #tpu.memory_space<hbm>>
    tpu.wait_indirect_dma semaphore(%arg7 : memref<!tpu.dma_semaphore, #tpu.memory_space<semaphore_mem>>) src(%dma_wait3A_56 : memref<100000x128xf32, #tpu.memory_space<hbm>>) dst(%dma_wait3A_51 : memref<128x128xf32, #tpu.memory_space<vmem>>)
    %dma_wait3A_57 = arith.constant 256 : i32
    %dma_wait3A_58 = arith.constant 0 : i32
    %dma_wait3A_59 = tpu.memref_slice %arg6[%dma_wait3A_57, %dma_wait3A_58] : memref<640x128xf32, #tpu.memory_space<vmem>> -> memref<128x128xf32, #tpu.memory_space<vmem>>
    %dma_wait3A_60 = arith.constant 256 : i32
    %dma_wait3A_61 = tpu.memref_slice %arg5[%dma_wait3A_60] : memref<640xi32, #tpu.memory_space<vmem>> -> memref<128xi32, #tpu.memory_space<vmem>>
    %dma_wait3A_62 = arith.constant 0 : i32
    %dma_wait3A_63 = arith.constant 0 : i32
    %dma_wait3A_64 = tpu.memref_slice %arg3[%dma_wait3A_62, %dma_wait3A_63] : memref<100000x128xf32, #tpu.memory_space<hbm>> -> memref<100000x128xf32, #tpu.memory_space<hbm>>
    tpu.wait_indirect_dma semaphore(%arg7 : memref<!tpu.dma_semaphore, #tpu.memory_space<semaphore_mem>>) src(%dma_wait3A_64 : memref<100000x128xf32, #tpu.memory_space<hbm>>) dst(%dma_wait3A_59 : memref<128x128xf32, #tpu.memory_space<vmem>>)
    %dma_wait3A_65 = arith.constant 384 : i32
    %dma_wait3A_66 = arith.constant 0 : i32
    %dma_wait3A_67 = tpu.memref_slice %arg6[%dma_wait3A_65, %dma_wait3A_66] : memref<640x128xf32, #tpu.memory_space<vmem>> -> memref<128x128xf32, #tpu.memory_space<vmem>>
    %dma_wait3A_68 = arith.constant 384 : i32
    %dma_wait3A_69 = tpu.memref_slice %arg5[%dma_wait3A_68] : memref<640xi32, #tpu.memory_space<vmem>> -> memref<128xi32, #tpu.memory_space<vmem>>
    %dma_wait3A_70 = arith.constant 0 : i32
    %dma_wait3A_71 = arith.constant 0 : i32
    %dma_wait3A_72 = tpu.memref_slice %arg3[%dma_wait3A_70, %dma_wait3A_71] : memref<100000x128xf32, #tpu.memory_space<hbm>> -> memref<100000x128xf32, #tpu.memory_space<hbm>>
    tpu.wait_indirect_dma semaphore(%arg7 : memref<!tpu.dma_semaphore, #tpu.memory_space<semaphore_mem>>) src(%dma_wait3A_72 : memref<100000x128xf32, #tpu.memory_space<hbm>>) dst(%dma_wait3A_67 : memref<128x128xf32, #tpu.memory_space<vmem>>)
    %dma_wait3A_73 = arith.constant 512 : i32
    %dma_wait3A_74 = arith.constant 0 : i32
    %dma_wait3A_75 = tpu.memref_slice %arg6[%dma_wait3A_73, %dma_wait3A_74] : memref<640x128xf32, #tpu.memory_space<vmem>> -> memref<128x128xf32, #tpu.memory_space<vmem>>
    %dma_wait3A_76 = arith.constant 512 : i32
    %dma_wait3A_77 = tpu.memref_slice %arg5[%dma_wait3A_76] : memref<640xi32, #tpu.memory_space<vmem>> -> memref<128xi32, #tpu.memory_space<vmem>>
    %dma_wait3A_78 = arith.constant 0 : i32
    %dma_wait3A_79 = arith.constant 0 : i32
    %dma_wait3A_80 = tpu.memref_slice %arg3[%dma_wait3A_78, %dma_wait3A_79] : memref<100000x128xf32, #tpu.memory_space<hbm>> -> memref<100000x128xf32, #tpu.memory_space<hbm>>
    tpu.wait_indirect_dma semaphore(%arg7 : memref<!tpu.dma_semaphore, #tpu.memory_space<semaphore_mem>>) src(%dma_wait3A_80 : memref<100000x128xf32, #tpu.memory_space<hbm>>) dst(%dma_wait3A_75 : memref<128x128xf32, #tpu.memory_space<vmem>>)
    "tpu.region"() ({
      %run_scoped3A = tpu.sem_alloc : memref<!tpu.dma_semaphore, #tpu.memory_space<semaphore_mem>>
      %dma_start3A_81 = arith.constant 0 : i32
      %dma_start3A_82 = tpu.memref_slice %arg4[%mul3A_2, %dma_start3A_81] : memref<20480x128xf32, #tpu.memory_space<hbm>> -> memref<640x128xf32, #tpu.memory_space<hbm>>
      %dma_start3A_83 = arith.constant 0 : i32
      %dma_start3A_84 = tpu.memref_slice %arg4[%mul3A_2, %dma_start3A_83] : memref<20480x128xf32, #tpu.memory_space<hbm>> -> memref<640x128xf32, #tpu.memory_space<hbm>>
      tpu.enqueue_dma source(%arg6 : memref<640x128xf32, #tpu.memory_space<vmem>>) target(%dma_start3A_84 : memref<640x128xf32, #tpu.memory_space<hbm>>) target_semaphore(%run_scoped3A : memref<!tpu.dma_semaphore, #tpu.memory_space<semaphore_mem>>)
      %dma_wait3A_85 = arith.constant 0 : i32
      %dma_wait3A_86 = tpu.memref_slice %arg4[%mul3A_2, %dma_wait3A_85] : memref<20480x128xf32, #tpu.memory_space<hbm>> -> memref<640x128xf32, #tpu.memory_space<hbm>>
      %dma_wait3A_87 = arith.constant 0 : i32
      %dma_wait3A_88 = tpu.memref_slice %arg4[%mul3A_2, %dma_wait3A_87] : memref<20480x128xf32, #tpu.memory_space<hbm>> -> memref<640x128xf32, #tpu.memory_space<hbm>>
      tpu.wait_dma2 semaphore(%run_scoped3A : memref<!tpu.dma_semaphore, #tpu.memory_space<semaphore_mem>>) src(%arg6 : memref<640x128xf32, #tpu.memory_space<vmem>>) dst(%dma_wait3A_88 : memref<640x128xf32, #tpu.memory_space<hbm>>)
      tpu.yield
    }) : () -> ()
    return
  }
}

module attributes {stable_mosaic.version = 14 : i64} {
  func.func @_tc_body(%arg0: i32, %arg1: memref<5120x128xf32, #tpu.memory_space<vmem>>, %arg2: memref<256x20x20xi32, #tpu.memory_space<vmem>>, %arg3: memref<8x128xf32, #tpu.memory_space<vmem>>, %arg4: memref<24x160xf32, #tpu.memory_space<vmem>>, %arg5: memref<160x160xf32, #tpu.memory_space<vmem>>, %arg6: memref<20x256x128xf32, #tpu.memory_space<vmem>>, %arg7: memref<5120x128xbf16, #tpu.memory_space<vmem>>, %arg8: memref<5120x160xf32, #tpu.memory_space<vmem>>) attributes {dimension_semantics = [#tpu.dimension_semantics<arbitrary>], iteration_bounds = array<i64: 4>, scalar_prefetch = 0 : i64, scratch_operands = 2 : i64, tpu.core_type = #tpu.core_type<tc>, window_params = [{transform_indices = @transform_0, window_bounds = array<i64: 5120, 128>}, {transform_indices = @transform_1, window_bounds = array<i64: 256, 20, 20>}, {pipeline_mode = #tpu.pipeline_mode<synchronous>, transform_indices = @transform_2, window_bounds = array<i64: 8, 128>}, {pipeline_mode = #tpu.pipeline_mode<synchronous>, transform_indices = @transform_3, window_bounds = array<i64: 24, 160>}, {pipeline_mode = #tpu.pipeline_mode<synchronous>, transform_indices = @transform_4, window_bounds = array<i64: 160, 160>}, {transform_indices = @transform_5, window_bounds = array<i64: 20, 256, 128>}]} {
    %get3A = arith.constant 0 : index
    %get3A_0 = arith.constant 0 : index
    %get3A_1 = vector.load %arg3[%get3A, %get3A_0] : memref<8x128xf32, #tpu.memory_space<vmem>>, vector<8x128xf32>
    %convert_element_type3A = arith.truncf %get3A_1 : vector<8x128xf32> to vector<8x128xbf16>
    %get3A_2 = arith.constant 0 : index
    %get3A_3 = arith.constant 0 : index
    %get3A_4 = vector.load %arg4[%get3A_2, %get3A_3] : memref<24x160xf32, #tpu.memory_space<vmem>>, vector<24x160xf32>
    %get3A_5 = arith.constant 0 : index
    %get3A_6 = arith.constant 0 : index
    %get3A_7 = vector.load %arg5[%get3A_5, %get3A_6] : memref<160x160xf32, #tpu.memory_space<vmem>>, vector<160x160xf32>
    %get3A_8 = arith.constant 0 : index
    %get3A_9 = arith.constant 0 : index
    %get3A_10 = vector.load %arg1[%get3A_8, %get3A_9] : memref<5120x128xf32, #tpu.memory_space<vmem>>, vector<5120x128xf32>
    %mul3A = arith.mulf %get3A_10, %get3A_10 : vector<5120x128xf32>
    %reduce_sum3A = arith.constant dense<0.000000e+00> : vector<5120xf32>
    %reduce_sum3A_11 = vector.multi_reduction <add>, %mul3A, %reduce_sum3A [1] : vector<5120x128xf32> to vector<5120xf32>
    %broadcast_in_dim3A = vector.shape_cast %reduce_sum3A_11 : vector<5120xf32> to vector<5120x1xf32>
    %sqrt3A = math.sqrt %broadcast_in_dim3A : vector<5120x1xf32>
    %max3A = arith.constant 9.99999996E-13 : f32
    %max3A_12 = vector.broadcast %max3A : f32 to vector<5120x1xf32>
    %max3A_13 = arith.maximumf %sqrt3A, %max3A_12 : vector<5120x1xf32>
    %div3A = vector.broadcast %max3A_13 : vector<5120x1xf32> to vector<5120x128xf32>
    %div3A_14 = arith.divf %get3A_10, %div3A : vector<5120x128xf32>
    %convert_element_type3A_15 = arith.truncf %div3A_14 : vector<5120x128xf32> to vector<5120x128xbf16>
    %swap3A = arith.constant 0 : index
    %swap3A_16 = arith.constant 0 : index
    %swap3A_17 = vector.load %arg7[%swap3A, %swap3A_16] : memref<5120x128xbf16, #tpu.memory_space<vmem>>, vector<5120x128xbf16>
    tpu.vector_store %arg7[%swap3A, %swap3A_16], %convert_element_type3A_15 {strides = array<i32>} : memref<5120x128xbf16, #tpu.memory_space<vmem>>, vector<5120x128xbf16>,
    %get3A_18 = arith.constant 0 : index
    %get3A_19 = arith.constant 0 : index
    %get3A_20 = arith.constant 0 : index
    %get3A_21 = vector.load %arg2[%get3A_18, %get3A_19, %get3A_20] : memref<256x20x20xi32, #tpu.memory_space<vmem>>, vector<256x20x20xi32>
    %reshape3A = vector.shape_cast %get3A_21 : vector<256x20x20xi32> to vector<5120x20xi32>
    %convert_element_type3A_22 = arith.sitofp %reshape3A : vector<5120x20xi32> to vector<5120x20xf32>
    %slice3A = vector.extract_strided_slice %get3A_4 {offsets = [0, 0], sizes = [20, 160], strides = [1, 1]} : vector<24x160xf32> to vector<20x160xf32>
    %dot_general3A = arith.constant dense<0.000000e+00> : vector<5120x160xf32>
    %dot_general3A_23 = tpu.matmul %convert_element_type3A_22, %slice3A, %dot_general3A {dimension_numbers = #tpu.dot_dimension_numbers<[1], [0], [0], [1], [0, 0, 1, 1], [], []>, transpose_lhs_hint = false} : vector<5120x20xf32>, vector<20x160xf32>, vector<5120x160xf32> -> vector<5120x160xf32>
    %swap3A_24 = arith.constant 0 : index
    %swap3A_25 = arith.constant 0 : index
    %swap3A_26 = vector.load %arg8[%swap3A_24, %swap3A_25] : memref<5120x160xf32, #tpu.memory_space<vmem>>, vector<5120x160xf32>
    tpu.vector_store %arg8[%swap3A_24, %swap3A_25], %dot_general3A_23 {strides = array<i32>} : memref<5120x160xf32, #tpu.memory_space<vmem>>, vector<5120x160xf32>,
    %scan3A = arith.constant 0 : i32
    %mul3A_27 = arith.constant 160 : i32
    %mul3A_28 = arith.muli %scan3A, %mul3A_27 : i32
    %multiple_of3A = tpu.assume_multiple %mul3A_28, 160 : i32
    %mul3A_29 = arith.constant 8 : i32
    %mul3A_30 = arith.muli %scan3A, %mul3A_29 : i32
    %multiple_of3A_31 = tpu.assume_multiple %mul3A_30, 8 : i32
    %get3A_32 = arith.index_cast %multiple_of3A : i32 to index
    %get3A_33 = arith.constant 0 : index
    %get3A_34 = vector.load %arg7[%get3A_32, %get3A_33] : memref<5120x128xbf16, #tpu.memory_space<vmem>>, vector<160x128xbf16>
    %get3A_35 = arith.index_cast %multiple_of3A : i32 to index
    %get3A_36 = arith.constant 0 : index
    %get3A_37 = vector.load %arg8[%get3A_35, %get3A_36] : memref<5120x160xf32, #tpu.memory_space<vmem>>, vector<160x160xf32>
    %add3A = arith.addf %get3A_37, %get3A_7 : vector<160x160xf32>
    %ge3A = arith.constant 9.950000e+01 : f32
    %ge3A_38 = vector.broadcast %ge3A : f32 to vector<160x160xf32>
    %ge3A_39 = arith.cmpf oge, %add3A, %ge3A_38 : vector<160x160xf32>
    %jit3A = arith.constant -6.000000e+02 : f32
    %jit3A_40 = arith.constant -3.000000e+02 : f32
    %broadcast_in_dim3A_41 = vector.broadcast %jit3A : f32 to vector<160x160xf32>
    %broadcast_in_dim3A_42 = vector.broadcast %jit3A_40 : f32 to vector<160x160xf32>
    %select_n3A = arith.select %ge3A_39, %broadcast_in_dim3A_41, %broadcast_in_dim3A_42 : vector<160x160xi1>, vector<160x160xf32>
    %slice3A_43 = vector.extract_strided_slice %convert_element_type3A {offsets = [0, 0], sizes = [1, 128], strides = [1, 1]} : vector<8x128xbf16> to vector<1x128xbf16>
    %mul3A_44 = vector.broadcast %slice3A_43 : vector<1x128xbf16> to vector<160x128xbf16>
    %mul3A_45 = arith.mulf %get3A_34, %mul3A_44 : vector<160x128xbf16>
    %dot_general3A_46 = arith.constant dense<0.000000e+00> : vector<160x160xf32>
    %dot_general3A_47 = tpu.matmul %mul3A_45, %get3A_34, %dot_general3A_46 {dimension_numbers = #tpu.dot_dimension_numbers<[1], [1], [0], [0], [0, 0, 1, 0], [], []>, transpose_lhs_hint = false} : vector<160x128xbf16>, vector<160x128xbf16>, vector<160x160xf32> -> vector<160x160xf32>
    %eq3A = arith.constant 1.000000e+00 : f32
    %eq3A_48 = vector.broadcast %eq3A : f32 to vector<160x160xf32>
    %eq3A_49 = arith.cmpf oeq, %add3A, %eq3A_48 : vector<160x160xf32>
    %select_n3A_50 = arith.select %eq3A_49, %dot_general3A_47, %select_n3A : vector<160x160xi1>, vector<160x160xf32>
    %slice3A_51 = vector.extract_strided_slice %convert_element_type3A {offsets = [1, 0], sizes = [1, 128], strides = [1, 1]} : vector<8x128xbf16> to vector<1x128xbf16>
    %mul3A_52 = vector.broadcast %slice3A_51 : vector<1x128xbf16> to vector<160x128xbf16>
    %mul3A_53 = arith.mulf %get3A_34, %mul3A_52 : vector<160x128xbf16>
    %dot_general3A_54 = arith.constant dense<0.000000e+00> : vector<160x160xf32>
    %dot_general3A_55 = tpu.matmul %mul3A_53, %get3A_34, %dot_general3A_54 {dimension_numbers = #tpu.dot_dimension_numbers<[1], [1], [0], [0], [0, 0, 1, 0], [], []>, transpose_lhs_hint = false} : vector<160x128xbf16>, vector<160x128xbf16>, vector<160x160xf32> -> vector<160x160xf32>
    %eq3A_56 = arith.constant 2.000000e+00 : f32
    %eq3A_57 = vector.broadcast %eq3A_56 : f32 to vector<160x160xf32>
    %eq3A_58 = arith.cmpf oeq, %add3A, %eq3A_57 : vector<160x160xf32>
    %select_n3A_59 = arith.select %eq3A_58, %dot_general3A_55, %select_n3A_50 : vector<160x160xi1>, vector<160x160xf32>
    %slice3A_60 = vector.extract_strided_slice %convert_element_type3A {offsets = [2, 0], sizes = [1, 128], strides = [1, 1]} : vector<8x128xbf16> to vector<1x128xbf16>
    %mul3A_61 = vector.broadcast %slice3A_60 : vector<1x128xbf16> to vector<160x128xbf16>
    %mul3A_62 = arith.mulf %get3A_34, %mul3A_61 : vector<160x128xbf16>
    %dot_general3A_63 = arith.constant dense<0.000000e+00> : vector<160x160xf32>
    %dot_general3A_64 = tpu.matmul %mul3A_62, %get3A_34, %dot_general3A_63 {dimension_numbers = #tpu.dot_dimension_numbers<[1], [1], [0], [0], [0, 0, 1, 0], [], []>, transpose_lhs_hint = false} : vector<160x128xbf16>, vector<160x128xbf16>, vector<160x160xf32> -> vector<160x160xf32>
    %eq3A_65 = arith.constant 3.000000e+00 : f32
    %eq3A_66 = vector.broadcast %eq3A_65 : f32 to vector<160x160xf32>
    %eq3A_67 = arith.cmpf oeq, %add3A, %eq3A_66 : vector<160x160xf32>
    %select_n3A_68 = arith.select %eq3A_67, %dot_general3A_64, %select_n3A_59 : vector<160x160xi1>, vector<160x160xf32>
    %slice3A_69 = vector.extract_strided_slice %convert_element_type3A {offsets = [3, 0], sizes = [1, 128], strides = [1, 1]} : vector<8x128xbf16> to vector<1x128xbf16>
    %mul3A_70 = vector.broadcast %slice3A_69 : vector<1x128xbf16> to vector<160x128xbf16>
    %mul3A_71 = arith.mulf %get3A_34, %mul3A_70 : vector<160x128xbf16>
    %dot_general3A_72 = arith.constant dense<0.000000e+00> : vector<160x160xf32>
    %dot_general3A_73 = tpu.matmul %mul3A_71, %get3A_34, %dot_general3A_72 {dimension_numbers = #tpu.dot_dimension_numbers<[1], [1], [0], [0], [0, 0, 1, 0], [], []>, transpose_lhs_hint = false} : vector<160x128xbf16>, vector<160x128xbf16>, vector<160x160xf32> -> vector<160x160xf32>
    %eq3A_74 = arith.constant 4.000000e+00 : f32
    %eq3A_75 = vector.broadcast %eq3A_74 : f32 to vector<160x160xf32>
    %eq3A_76 = arith.cmpf oeq, %add3A, %eq3A_75 : vector<160x160xf32>
    %select_n3A_77 = arith.select %eq3A_76, %dot_general3A_73, %select_n3A_68 : vector<160x160xi1>, vector<160x160xf32>
    %ge3A_78 = arith.constant 0.000000e+00 : f32
    %ge3A_79 = vector.broadcast %ge3A_78 : f32 to vector<160x160xf32>
    %ge3A_80 = arith.cmpf oge, %select_n3A_77, %ge3A_79 : vector<160x160xf32>
    %mul3A_81 = arith.constant 2.000000e-01 : f32
    %mul3A_82 = vector.broadcast %mul3A_81 : f32 to vector<160x160xf32>
    %mul3A_83 = arith.mulf %mul3A_82, %select_n3A_77 : vector<160x160xf32>
    %select_n3A_84 = arith.select %ge3A_80, %select_n3A_77, %mul3A_83 : vector<160x160xi1>, vector<160x160xf32>
    %exp3A = math.exp %select_n3A_84 : vector<160x160xf32>
    %reduce_sum3A_85 = arith.constant dense<0.000000e+00> : vector<160xf32>
    %reduce_sum3A_86 = vector.multi_reduction <add>, %exp3A, %reduce_sum3A_85 [1] : vector<160x160xf32> to vector<160xf32>
    %broadcast_in_dim3A_87 = vector.shape_cast %reduce_sum3A_86 : vector<160xf32> to vector<160x1xf32>
    %div3A_88 = vector.broadcast %broadcast_in_dim3A_87 : vector<160x1xf32> to vector<160x160xf32>
    %div3A_89 = arith.divf %exp3A, %div3A_88 : vector<160x160xf32>
    %convert_element_type3A_90 = arith.truncf %div3A_89 : vector<160x160xf32> to vector<160x160xbf16>
    %dot_general3A_91 = arith.constant dense<0.000000e+00> : vector<160x128xf32>
    %dot_general3A_92 = tpu.matmul %convert_element_type3A_90, %get3A_34, %dot_general3A_91 {dimension_numbers = #tpu.dot_dimension_numbers<[1], [0], [0], [1], [0, 0, 1, 1], [], []>, transpose_lhs_hint = false} : vector<160x160xbf16>, vector<160x128xbf16>, vector<160x128xf32> -> vector<160x128xf32>
    %reshape3A_93 = vector.shape_cast %dot_general3A_92 : vector<160x128xf32> to vector<8x20x128xf32>
    %transpose3A = tpu.transpose %reshape3A_93, [1, 0, 2] : vector<8x20x128xf32> -> vector<20x8x128xf32>
    %swap3A_94 = arith.constant 0 : index
    %swap3A_95 = arith.index_cast %multiple_of3A_31 : i32 to index
    %swap3A_96 = arith.constant 0 : index
    %swap3A_97 = vector.load %arg6[%swap3A_94, %swap3A_95, %swap3A_96] : memref<20x256x128xf32, #tpu.memory_space<vmem>>, vector<20x8x128xf32>
    tpu.vector_store %arg6[%swap3A_94, %swap3A_95, %swap3A_96], %transpose3A {strides = array<i32>} : memref<20x256x128xf32, #tpu.memory_space<vmem>>, vector<20x8x128xf32>,
    %scan3A_98 = arith.constant 1 : i32
    %mul3A_99 = arith.constant 160 : i32
    %mul3A_100 = arith.muli %scan3A_98, %mul3A_99 : i32
    %multiple_of3A_101 = tpu.assume_multiple %mul3A_100, 160 : i32
    %mul3A_102 = arith.constant 8 : i32
    %mul3A_103 = arith.muli %scan3A_98, %mul3A_102 : i32
    %multiple_of3A_104 = tpu.assume_multiple %mul3A_103, 8 : i32
    %get3A_105 = arith.index_cast %multiple_of3A_101 : i32 to index
    %get3A_106 = arith.constant 0 : index
    %get3A_107 = vector.load %arg7[%get3A_105, %get3A_106] : memref<5120x128xbf16, #tpu.memory_space<vmem>>, vector<160x128xbf16>
    %get3A_108 = arith.index_cast %multiple_of3A_101 : i32 to index
    %get3A_109 = arith.constant 0 : index
    %get3A_110 = vector.load %arg8[%get3A_108, %get3A_109] : memref<5120x160xf32, #tpu.memory_space<vmem>>, vector<160x160xf32>
    %add3A_111 = arith.addf %get3A_110, %get3A_7 : vector<160x160xf32>
    %ge3A_112 = arith.constant 9.950000e+01 : f32
    %ge3A_113 = vector.broadcast %ge3A_112 : f32 to vector<160x160xf32>
    %ge3A_114 = arith.cmpf oge, %add3A_111, %ge3A_113 : vector<160x160xf32>
    %jit3A_115 = arith.constant -6.000000e+02 : f32
    %jit3A_116 = arith.constant -3.000000e+02 : f32
    %broadcast_in_dim3A_117 = vector.broadcast %jit3A_115 : f32 to vector<160x160xf32>
    %broadcast_in_dim3A_118 = vector.broadcast %jit3A_116 : f32 to vector<160x160xf32>
    %select_n3A_119 = arith.select %ge3A_114, %broadcast_in_dim3A_117, %broadcast_in_dim3A_118 : vector<160x160xi1>, vector<160x160xf32>
    %slice3A_120 = vector.extract_strided_slice %convert_element_type3A {offsets = [0, 0], sizes = [1, 128], strides = [1, 1]} : vector<8x128xbf16> to vector<1x128xbf16>
    %mul3A_121 = vector.broadcast %slice3A_120 : vector<1x128xbf16> to vector<160x128xbf16>
    %mul3A_122 = arith.mulf %get3A_107, %mul3A_121 : vector<160x128xbf16>
    %dot_general3A_123 = arith.constant dense<0.000000e+00> : vector<160x160xf32>
    %dot_general3A_124 = tpu.matmul %mul3A_122, %get3A_107, %dot_general3A_123 {dimension_numbers = #tpu.dot_dimension_numbers<[1], [1], [0], [0], [0, 0, 1, 0], [], []>, transpose_lhs_hint = false} : vector<160x128xbf16>, vector<160x128xbf16>, vector<160x160xf32> -> vector<160x160xf32>
    %eq3A_125 = arith.constant 1.000000e+00 : f32
    %eq3A_126 = vector.broadcast %eq3A_125 : f32 to vector<160x160xf32>
    %eq3A_127 = arith.cmpf oeq, %add3A_111, %eq3A_126 : vector<160x160xf32>
    %select_n3A_128 = arith.select %eq3A_127, %dot_general3A_124, %select_n3A_119 : vector<160x160xi1>, vector<160x160xf32>
    %slice3A_129 = vector.extract_strided_slice %convert_element_type3A {offsets = [1, 0], sizes = [1, 128], strides = [1, 1]} : vector<8x128xbf16> to vector<1x128xbf16>
    %mul3A_130 = vector.broadcast %slice3A_129 : vector<1x128xbf16> to vector<160x128xbf16>
    %mul3A_131 = arith.mulf %get3A_107, %mul3A_130 : vector<160x128xbf16>
    %dot_general3A_132 = arith.constant dense<0.000000e+00> : vector<160x160xf32>
    %dot_general3A_133 = tpu.matmul %mul3A_131, %get3A_107, %dot_general3A_132 {dimension_numbers = #tpu.dot_dimension_numbers<[1], [1], [0], [0], [0, 0, 1, 0], [], []>, transpose_lhs_hint = false} : vector<160x128xbf16>, vector<160x128xbf16>, vector<160x160xf32> -> vector<160x160xf32>
    %eq3A_134 = arith.constant 2.000000e+00 : f32
    %eq3A_135 = vector.broadcast %eq3A_134 : f32 to vector<160x160xf32>
    %eq3A_136 = arith.cmpf oeq, %add3A_111, %eq3A_135 : vector<160x160xf32>
    %select_n3A_137 = arith.select %eq3A_136, %dot_general3A_133, %select_n3A_128 : vector<160x160xi1>, vector<160x160xf32>
    %slice3A_138 = vector.extract_strided_slice %convert_element_type3A {offsets = [2, 0], sizes = [1, 128], strides = [1, 1]} : vector<8x128xbf16> to vector<1x128xbf16>
    %mul3A_139 = vector.broadcast %slice3A_138 : vector<1x128xbf16> to vector<160x128xbf16>
    %mul3A_140 = arith.mulf %get3A_107, %mul3A_139 : vector<160x128xbf16>
    %dot_general3A_141 = arith.constant dense<0.000000e+00> : vector<160x160xf32>
    %dot_general3A_142 = tpu.matmul %mul3A_140, %get3A_107, %dot_general3A_141 {dimension_numbers = #tpu.dot_dimension_numbers<[1], [1], [0], [0], [0, 0, 1, 0], [], []>, transpose_lhs_hint = false} : vector<160x128xbf16>, vector<160x128xbf16>, vector<160x160xf32> -> vector<160x160xf32>
    %eq3A_143 = arith.constant 3.000000e+00 : f32
    %eq3A_144 = vector.broadcast %eq3A_143 : f32 to vector<160x160xf32>
    %eq3A_145 = arith.cmpf oeq, %add3A_111, %eq3A_144 : vector<160x160xf32>
    %select_n3A_146 = arith.select %eq3A_145, %dot_general3A_142, %select_n3A_137 : vector<160x160xi1>, vector<160x160xf32>
    %slice3A_147 = vector.extract_strided_slice %convert_element_type3A {offsets = [3, 0], sizes = [1, 128], strides = [1, 1]} : vector<8x128xbf16> to vector<1x128xbf16>
    %mul3A_148 = vector.broadcast %slice3A_147 : vector<1x128xbf16> to vector<160x128xbf16>
    %mul3A_149 = arith.mulf %get3A_107, %mul3A_148 : vector<160x128xbf16>
    %dot_general3A_150 = arith.constant dense<0.000000e+00> : vector<160x160xf32>
    %dot_general3A_151 = tpu.matmul %mul3A_149, %get3A_107, %dot_general3A_150 {dimension_numbers = #tpu.dot_dimension_numbers<[1], [1], [0], [0], [0, 0, 1, 0], [], []>, transpose_lhs_hint = false} : vector<160x128xbf16>, vector<160x128xbf16>, vector<160x160xf32> -> vector<160x160xf32>
    %eq3A_152 = arith.constant 4.000000e+00 : f32
    %eq3A_153 = vector.broadcast %eq3A_152 : f32 to vector<160x160xf32>
    %eq3A_154 = arith.cmpf oeq, %add3A_111, %eq3A_153 : vector<160x160xf32>
    %select_n3A_155 = arith.select %eq3A_154, %dot_general3A_151, %select_n3A_146 : vector<160x160xi1>, vector<160x160xf32>
    %ge3A_156 = arith.constant 0.000000e+00 : f32
    %ge3A_157 = vector.broadcast %ge3A_156 : f32 to vector<160x160xf32>
    %ge3A_158 = arith.cmpf oge, %select_n3A_155, %ge3A_157 : vector<160x160xf32>
    %mul3A_159 = arith.constant 2.000000e-01 : f32
    %mul3A_160 = vector.broadcast %mul3A_159 : f32 to vector<160x160xf32>
    %mul3A_161 = arith.mulf %mul3A_160, %select_n3A_155 : vector<160x160xf32>
    %select_n3A_162 = arith.select %ge3A_158, %select_n3A_155, %mul3A_161 : vector<160x160xi1>, vector<160x160xf32>
    %exp3A_163 = math.exp %select_n3A_162 : vector<160x160xf32>
    %reduce_sum3A_164 = arith.constant dense<0.000000e+00> : vector<160xf32>
    %reduce_sum3A_165 = vector.multi_reduction <add>, %exp3A_163, %reduce_sum3A_164 [1] : vector<160x160xf32> to vector<160xf32>
    %broadcast_in_dim3A_166 = vector.shape_cast %reduce_sum3A_165 : vector<160xf32> to vector<160x1xf32>
    %div3A_167 = vector.broadcast %broadcast_in_dim3A_166 : vector<160x1xf32> to vector<160x160xf32>
    %div3A_168 = arith.divf %exp3A_163, %div3A_167 : vector<160x160xf32>
    %convert_element_type3A_169 = arith.truncf %div3A_168 : vector<160x160xf32> to vector<160x160xbf16>
    %dot_general3A_170 = arith.constant dense<0.000000e+00> : vector<160x128xf32>
    %dot_general3A_171 = tpu.matmul %convert_element_type3A_169, %get3A_107, %dot_general3A_170 {dimension_numbers = #tpu.dot_dimension_numbers<[1], [0], [0], [1], [0, 0, 1, 1], [], []>, transpose_lhs_hint = false} : vector<160x160xbf16>, vector<160x128xbf16>, vector<160x128xf32> -> vector<160x128xf32>
    %reshape3A_172 = vector.shape_cast %dot_general3A_171 : vector<160x128xf32> to vector<8x20x128xf32>
    %transpose3A_173 = tpu.transpose %reshape3A_172, [1, 0, 2] : vector<8x20x128xf32> -> vector<20x8x128xf32>
    %swap3A_174 = arith.constant 0 : index
    %swap3A_175 = arith.index_cast %multiple_of3A_104 : i32 to index
    %swap3A_176 = arith.constant 0 : index
    %swap3A_177 = vector.load %arg6[%swap3A_174, %swap3A_175, %swap3A_176] : memref<20x256x128xf32, #tpu.memory_space<vmem>>, vector<20x8x128xf32>
    tpu.vector_store %arg6[%swap3A_174, %swap3A_175, %swap3A_176], %transpose3A_173 {strides = array<i32>} : memref<20x256x128xf32, #tpu.memory_space<vmem>>, vector<20x8x128xf32>,
    %scan3A_178 = arith.constant 2 : i32
    %mul3A_179 = arith.constant 160 : i32
    %mul3A_180 = arith.muli %scan3A_178, %mul3A_179 : i32
    %multiple_of3A_181 = tpu.assume_multiple %mul3A_180, 160 : i32
    %mul3A_182 = arith.constant 8 : i32
    %mul3A_183 = arith.muli %scan3A_178, %mul3A_182 : i32
    %multiple_of3A_184 = tpu.assume_multiple %mul3A_183, 8 : i32
    %get3A_185 = arith.index_cast %multiple_of3A_181 : i32 to index
    %get3A_186 = arith.constant 0 : index
    %get3A_187 = vector.load %arg7[%get3A_185, %get3A_186] : memref<5120x128xbf16, #tpu.memory_space<vmem>>, vector<160x128xbf16>
    %get3A_188 = arith.index_cast %multiple_of3A_181 : i32 to index
    %get3A_189 = arith.constant 0 : index
    %get3A_190 = vector.load %arg8[%get3A_188, %get3A_189] : memref<5120x160xf32, #tpu.memory_space<vmem>>, vector<160x160xf32>
    %add3A_191 = arith.addf %get3A_190, %get3A_7 : vector<160x160xf32>
    %ge3A_192 = arith.constant 9.950000e+01 : f32
    %ge3A_193 = vector.broadcast %ge3A_192 : f32 to vector<160x160xf32>
    %ge3A_194 = arith.cmpf oge, %add3A_191, %ge3A_193 : vector<160x160xf32>
    %jit3A_195 = arith.constant -6.000000e+02 : f32
    %jit3A_196 = arith.constant -3.000000e+02 : f32
    %broadcast_in_dim3A_197 = vector.broadcast %jit3A_195 : f32 to vector<160x160xf32>
    %broadcast_in_dim3A_198 = vector.broadcast %jit3A_196 : f32 to vector<160x160xf32>
    %select_n3A_199 = arith.select %ge3A_194, %broadcast_in_dim3A_197, %broadcast_in_dim3A_198 : vector<160x160xi1>, vector<160x160xf32>
    %slice3A_200 = vector.extract_strided_slice %convert_element_type3A {offsets = [0, 0], sizes = [1, 128], strides = [1, 1]} : vector<8x128xbf16> to vector<1x128xbf16>
    %mul3A_201 = vector.broadcast %slice3A_200 : vector<1x128xbf16> to vector<160x128xbf16>
    %mul3A_202 = arith.mulf %get3A_187, %mul3A_201 : vector<160x128xbf16>
    %dot_general3A_203 = arith.constant dense<0.000000e+00> : vector<160x160xf32>
    %dot_general3A_204 = tpu.matmul %mul3A_202, %get3A_187, %dot_general3A_203 {dimension_numbers = #tpu.dot_dimension_numbers<[1], [1], [0], [0], [0, 0, 1, 0], [], []>, transpose_lhs_hint = false} : vector<160x128xbf16>, vector<160x128xbf16>, vector<160x160xf32> -> vector<160x160xf32>
    %eq3A_205 = arith.constant 1.000000e+00 : f32
    %eq3A_206 = vector.broadcast %eq3A_205 : f32 to vector<160x160xf32>
    %eq3A_207 = arith.cmpf oeq, %add3A_191, %eq3A_206 : vector<160x160xf32>
    %select_n3A_208 = arith.select %eq3A_207, %dot_general3A_204, %select_n3A_199 : vector<160x160xi1>, vector<160x160xf32>
    %slice3A_209 = vector.extract_strided_slice %convert_element_type3A {offsets = [1, 0], sizes = [1, 128], strides = [1, 1]} : vector<8x128xbf16> to vector<1x128xbf16>
    %mul3A_210 = vector.broadcast %slice3A_209 : vector<1x128xbf16> to vector<160x128xbf16>
    %mul3A_211 = arith.mulf %get3A_187, %mul3A_210 : vector<160x128xbf16>
    %dot_general3A_212 = arith.constant dense<0.000000e+00> : vector<160x160xf32>
    %dot_general3A_213 = tpu.matmul %mul3A_211, %get3A_187, %dot_general3A_212 {dimension_numbers = #tpu.dot_dimension_numbers<[1], [1], [0], [0], [0, 0, 1, 0], [], []>, transpose_lhs_hint = false} : vector<160x128xbf16>, vector<160x128xbf16>, vector<160x160xf32> -> vector<160x160xf32>
    %eq3A_214 = arith.constant 2.000000e+00 : f32
    %eq3A_215 = vector.broadcast %eq3A_214 : f32 to vector<160x160xf32>
    %eq3A_216 = arith.cmpf oeq, %add3A_191, %eq3A_215 : vector<160x160xf32>
    %select_n3A_217 = arith.select %eq3A_216, %dot_general3A_213, %select_n3A_208 : vector<160x160xi1>, vector<160x160xf32>
    %slice3A_218 = vector.extract_strided_slice %convert_element_type3A {offsets = [2, 0], sizes = [1, 128], strides = [1, 1]} : vector<8x128xbf16> to vector<1x128xbf16>
    %mul3A_219 = vector.broadcast %slice3A_218 : vector<1x128xbf16> to vector<160x128xbf16>
    %mul3A_220 = arith.mulf %get3A_187, %mul3A_219 : vector<160x128xbf16>
    %dot_general3A_221 = arith.constant dense<0.000000e+00> : vector<160x160xf32>
    %dot_general3A_222 = tpu.matmul %mul3A_220, %get3A_187, %dot_general3A_221 {dimension_numbers = #tpu.dot_dimension_numbers<[1], [1], [0], [0], [0, 0, 1, 0], [], []>, transpose_lhs_hint = false} : vector<160x128xbf16>, vector<160x128xbf16>, vector<160x160xf32> -> vector<160x160xf32>
    %eq3A_223 = arith.constant 3.000000e+00 : f32
    %eq3A_224 = vector.broadcast %eq3A_223 : f32 to vector<160x160xf32>
    %eq3A_225 = arith.cmpf oeq, %add3A_191, %eq3A_224 : vector<160x160xf32>
    %select_n3A_226 = arith.select %eq3A_225, %dot_general3A_222, %select_n3A_217 : vector<160x160xi1>, vector<160x160xf32>
    %slice3A_227 = vector.extract_strided_slice %convert_element_type3A {offsets = [3, 0], sizes = [1, 128], strides = [1, 1]} : vector<8x128xbf16> to vector<1x128xbf16>
    %mul3A_228 = vector.broadcast %slice3A_227 : vector<1x128xbf16> to vector<160x128xbf16>
    %mul3A_229 = arith.mulf %get3A_187, %mul3A_228 : vector<160x128xbf16>
    %dot_general3A_230 = arith.constant dense<0.000000e+00> : vector<160x160xf32>
    %dot_general3A_231 = tpu.matmul %mul3A_229, %get3A_187, %dot_general3A_230 {dimension_numbers = #tpu.dot_dimension_numbers<[1], [1], [0], [0], [0, 0, 1, 0], [], []>, transpose_lhs_hint = false} : vector<160x128xbf16>, vector<160x128xbf16>, vector<160x160xf32> -> vector<160x160xf32>
    %eq3A_232 = arith.constant 4.000000e+00 : f32
    %eq3A_233 = vector.broadcast %eq3A_232 : f32 to vector<160x160xf32>
    %eq3A_234 = arith.cmpf oeq, %add3A_191, %eq3A_233 : vector<160x160xf32>
    %select_n3A_235 = arith.select %eq3A_234, %dot_general3A_231, %select_n3A_226 : vector<160x160xi1>, vector<160x160xf32>
    %ge3A_236 = arith.constant 0.000000e+00 : f32
    %ge3A_237 = vector.broadcast %ge3A_236 : f32 to vector<160x160xf32>
    %ge3A_238 = arith.cmpf oge, %select_n3A_235, %ge3A_237 : vector<160x160xf32>
    %mul3A_239 = arith.constant 2.000000e-01 : f32
    %mul3A_240 = vector.broadcast %mul3A_239 : f32 to vector<160x160xf32>
    %mul3A_241 = arith.mulf %mul3A_240, %select_n3A_235 : vector<160x160xf32>
    %select_n3A_242 = arith.select %ge3A_238, %select_n3A_235, %mul3A_241 : vector<160x160xi1>, vector<160x160xf32>
    %exp3A_243 = math.exp %select_n3A_242 : vector<160x160xf32>
    %reduce_sum3A_244 = arith.constant dense<0.000000e+00> : vector<160xf32>
    %reduce_sum3A_245 = vector.multi_reduction <add>, %exp3A_243, %reduce_sum3A_244 [1] : vector<160x160xf32> to vector<160xf32>
    %broadcast_in_dim3A_246 = vector.shape_cast %reduce_sum3A_245 : vector<160xf32> to vector<160x1xf32>
    %div3A_247 = vector.broadcast %broadcast_in_dim3A_246 : vector<160x1xf32> to vector<160x160xf32>
    %div3A_248 = arith.divf %exp3A_243, %div3A_247 : vector<160x160xf32>
    %convert_element_type3A_249 = arith.truncf %div3A_248 : vector<160x160xf32> to vector<160x160xbf16>
    %dot_general3A_250 = arith.constant dense<0.000000e+00> : vector<160x128xf32>
    %dot_general3A_251 = tpu.matmul %convert_element_type3A_249, %get3A_187, %dot_general3A_250 {dimension_numbers = #tpu.dot_dimension_numbers<[1], [0], [0], [1], [0, 0, 1, 1], [], []>, transpose_lhs_hint = false} : vector<160x160xbf16>, vector<160x128xbf16>, vector<160x128xf32> -> vector<160x128xf32>
    %reshape3A_252 = vector.shape_cast %dot_general3A_251 : vector<160x128xf32> to vector<8x20x128xf32>
    %transpose3A_253 = tpu.transpose %reshape3A_252, [1, 0, 2] : vector<8x20x128xf32> -> vector<20x8x128xf32>
    %swap3A_254 = arith.constant 0 : index
    %swap3A_255 = arith.index_cast %multiple_of3A_184 : i32 to index
    %swap3A_256 = arith.constant 0 : index
    %swap3A_257 = vector.load %arg6[%swap3A_254, %swap3A_255, %swap3A_256] : memref<20x256x128xf32, #tpu.memory_space<vmem>>, vector<20x8x128xf32>
    tpu.vector_store %arg6[%swap3A_254, %swap3A_255, %swap3A_256], %transpose3A_253 {strides = array<i32>} : memref<20x256x128xf32, #tpu.memory_space<vmem>>, vector<20x8x128xf32>,
    %scan3A_258 = arith.constant 3 : i32
    %mul3A_259 = arith.constant 160 : i32
    %mul3A_260 = arith.muli %scan3A_258, %mul3A_259 : i32
    %multiple_of3A_261 = tpu.assume_multiple %mul3A_260, 160 : i32
    %mul3A_262 = arith.constant 8 : i32
    %mul3A_263 = arith.muli %scan3A_258, %mul3A_262 : i32
    %multiple_of3A_264 = tpu.assume_multiple %mul3A_263, 8 : i32
    %get3A_265 = arith.index_cast %multiple_of3A_261 : i32 to index
    %get3A_266 = arith.constant 0 : index
    %get3A_267 = vector.load %arg7[%get3A_265, %get3A_266] : memref<5120x128xbf16, #tpu.memory_space<vmem>>, vector<160x128xbf16>
    %get3A_268 = arith.index_cast %multiple_of3A_261 : i32 to index
    %get3A_269 = arith.constant 0 : index
    %get3A_270 = vector.load %arg8[%get3A_268, %get3A_269] : memref<5120x160xf32, #tpu.memory_space<vmem>>, vector<160x160xf32>
    %add3A_271 = arith.addf %get3A_270, %get3A_7 : vector<160x160xf32>
    %ge3A_272 = arith.constant 9.950000e+01 : f32
    %ge3A_273 = vector.broadcast %ge3A_272 : f32 to vector<160x160xf32>
    %ge3A_274 = arith.cmpf oge, %add3A_271, %ge3A_273 : vector<160x160xf32>
    %jit3A_275 = arith.constant -6.000000e+02 : f32
    %jit3A_276 = arith.constant -3.000000e+02 : f32
    %broadcast_in_dim3A_277 = vector.broadcast %jit3A_275 : f32 to vector<160x160xf32>
    %broadcast_in_dim3A_278 = vector.broadcast %jit3A_276 : f32 to vector<160x160xf32>
    %select_n3A_279 = arith.select %ge3A_274, %broadcast_in_dim3A_277, %broadcast_in_dim3A_278 : vector<160x160xi1>, vector<160x160xf32>
    %slice3A_280 = vector.extract_strided_slice %convert_element_type3A {offsets = [0, 0], sizes = [1, 128], strides = [1, 1]} : vector<8x128xbf16> to vector<1x128xbf16>
    %mul3A_281 = vector.broadcast %slice3A_280 : vector<1x128xbf16> to vector<160x128xbf16>
    %mul3A_282 = arith.mulf %get3A_267, %mul3A_281 : vector<160x128xbf16>
    %dot_general3A_283 = arith.constant dense<0.000000e+00> : vector<160x160xf32>
    %dot_general3A_284 = tpu.matmul %mul3A_282, %get3A_267, %dot_general3A_283 {dimension_numbers = #tpu.dot_dimension_numbers<[1], [1], [0], [0], [0, 0, 1, 0], [], []>, transpose_lhs_hint = false} : vector<160x128xbf16>, vector<160x128xbf16>, vector<160x160xf32> -> vector<160x160xf32>
    %eq3A_285 = arith.constant 1.000000e+00 : f32
    %eq3A_286 = vector.broadcast %eq3A_285 : f32 to vector<160x160xf32>
    %eq3A_287 = arith.cmpf oeq, %add3A_271, %eq3A_286 : vector<160x160xf32>
    %select_n3A_288 = arith.select %eq3A_287, %dot_general3A_284, %select_n3A_279 : vector<160x160xi1>, vector<160x160xf32>
    %slice3A_289 = vector.extract_strided_slice %convert_element_type3A {offsets = [1, 0], sizes = [1, 128], strides = [1, 1]} : vector<8x128xbf16> to vector<1x128xbf16>
    %mul3A_290 = vector.broadcast %slice3A_289 : vector<1x128xbf16> to vector<160x128xbf16>
    %mul3A_291 = arith.mulf %get3A_267, %mul3A_290 : vector<160x128xbf16>
    %dot_general3A_292 = arith.constant dense<0.000000e+00> : vector<160x160xf32>
    %dot_general3A_293 = tpu.matmul %mul3A_291, %get3A_267, %dot_general3A_292 {dimension_numbers = #tpu.dot_dimension_numbers<[1], [1], [0], [0], [0, 0, 1, 0], [], []>, transpose_lhs_hint = false} : vector<160x128xbf16>, vector<160x128xbf16>, vector<160x160xf32> -> vector<160x160xf32>
    %eq3A_294 = arith.constant 2.000000e+00 : f32
    %eq3A_295 = vector.broadcast %eq3A_294 : f32 to vector<160x160xf32>
    %eq3A_296 = arith.cmpf oeq, %add3A_271, %eq3A_295 : vector<160x160xf32>
    %select_n3A_297 = arith.select %eq3A_296, %dot_general3A_293, %select_n3A_288 : vector<160x160xi1>, vector<160x160xf32>
    %slice3A_298 = vector.extract_strided_slice %convert_element_type3A {offsets = [2, 0], sizes = [1, 128], strides = [1, 1]} : vector<8x128xbf16> to vector<1x128xbf16>
    %mul3A_299 = vector.broadcast %slice3A_298 : vector<1x128xbf16> to vector<160x128xbf16>
    %mul3A_300 = arith.mulf %get3A_267, %mul3A_299 : vector<160x128xbf16>
    %dot_general3A_301 = arith.constant dense<0.000000e+00> : vector<160x160xf32>
    %dot_general3A_302 = tpu.matmul %mul3A_300, %get3A_267, %dot_general3A_301 {dimension_numbers = #tpu.dot_dimension_numbers<[1], [1], [0], [0], [0, 0, 1, 0], [], []>, transpose_lhs_hint = false} : vector<160x128xbf16>, vector<160x128xbf16>, vector<160x160xf32> -> vector<160x160xf32>
    %eq3A_303 = arith.constant 3.000000e+00 : f32
    %eq3A_304 = vector.broadcast %eq3A_303 : f32 to vector<160x160xf32>
    %eq3A_305 = arith.cmpf oeq, %add3A_271, %eq3A_304 : vector<160x160xf32>
    %select_n3A_306 = arith.select %eq3A_305, %dot_general3A_302, %select_n3A_297 : vector<160x160xi1>, vector<160x160xf32>
    %slice3A_307 = vector.extract_strided_slice %convert_element_type3A {offsets = [3, 0], sizes = [1, 128], strides = [1, 1]} : vector<8x128xbf16> to vector<1x128xbf16>
    %mul3A_308 = vector.broadcast %slice3A_307 : vector<1x128xbf16> to vector<160x128xbf16>
    %mul3A_309 = arith.mulf %get3A_267, %mul3A_308 : vector<160x128xbf16>
    %dot_general3A_310 = arith.constant dense<0.000000e+00> : vector<160x160xf32>
    %dot_general3A_311 = tpu.matmul %mul3A_309, %get3A_267, %dot_general3A_310 {dimension_numbers = #tpu.dot_dimension_numbers<[1], [1], [0], [0], [0, 0, 1, 0], [], []>, transpose_lhs_hint = false} : vector<160x128xbf16>, vector<160x128xbf16>, vector<160x160xf32> -> vector<160x160xf32>
    %eq3A_312 = arith.constant 4.000000e+00 : f32
    %eq3A_313 = vector.broadcast %eq3A_312 : f32 to vector<160x160xf32>
    %eq3A_314 = arith.cmpf oeq, %add3A_271, %eq3A_313 : vector<160x160xf32>
    %select_n3A_315 = arith.select %eq3A_314, %dot_general3A_311, %select_n3A_306 : vector<160x160xi1>, vector<160x160xf32>
    %ge3A_316 = arith.constant 0.000000e+00 : f32
    %ge3A_317 = vector.broadcast %ge3A_316 : f32 to vector<160x160xf32>
    %ge3A_318 = arith.cmpf oge, %select_n3A_315, %ge3A_317 : vector<160x160xf32>
    %mul3A_319 = arith.constant 2.000000e-01 : f32
    %mul3A_320 = vector.broadcast %mul3A_319 : f32 to vector<160x160xf32>
    %mul3A_321 = arith.mulf %mul3A_320, %select_n3A_315 : vector<160x160xf32>
    %select_n3A_322 = arith.select %ge3A_318, %select_n3A_315, %mul3A_321 : vector<160x160xi1>, vector<160x160xf32>
    %exp3A_323 = math.exp %select_n3A_322 : vector<160x160xf32>
    %reduce_sum3A_324 = arith.constant dense<0.000000e+00> : vector<160xf32>
    %reduce_sum3A_325 = vector.multi_reduction <add>, %exp3A_323, %reduce_sum3A_324 [1] : vector<160x160xf32> to vector<160xf32>
    %broadcast_in_dim3A_326 = vector.shape_cast %reduce_sum3A_325 : vector<160xf32> to vector<160x1xf32>
    %div3A_327 = vector.broadcast %broadcast_in_dim3A_326 : vector<160x1xf32> to vector<160x160xf32>
    %div3A_328 = arith.divf %exp3A_323, %div3A_327 : vector<160x160xf32>
    %convert_element_type3A_329 = arith.truncf %div3A_328 : vector<160x160xf32> to vector<160x160xbf16>
    %dot_general3A_330 = arith.constant dense<0.000000e+00> : vector<160x128xf32>
    %dot_general3A_331 = tpu.matmul %convert_element_type3A_329, %get3A_267, %dot_general3A_330 {dimension_numbers = #tpu.dot_dimension_numbers<[1], [0], [0], [1], [0, 0, 1, 1], [], []>, transpose_lhs_hint = false} : vector<160x160xbf16>, vector<160x128xbf16>, vector<160x128xf32> -> vector<160x128xf32>
    %reshape3A_332 = vector.shape_cast %dot_general3A_331 : vector<160x128xf32> to vector<8x20x128xf32>
    %transpose3A_333 = tpu.transpose %reshape3A_332, [1, 0, 2] : vector<8x20x128xf32> -> vector<20x8x128xf32>
    %swap3A_334 = arith.constant 0 : index
    %swap3A_335 = arith.index_cast %multiple_of3A_264 : i32 to index
    %swap3A_336 = arith.constant 0 : index
    %swap3A_337 = vector.load %arg6[%swap3A_334, %swap3A_335, %swap3A_336] : memref<20x256x128xf32, #tpu.memory_space<vmem>>, vector<20x8x128xf32>
    tpu.vector_store %arg6[%swap3A_334, %swap3A_335, %swap3A_336], %transpose3A_333 {strides = array<i32>} : memref<20x256x128xf32, #tpu.memory_space<vmem>>, vector<20x8x128xf32>,
    %scan3A_338 = arith.constant 4 : i32
    %mul3A_339 = arith.constant 160 : i32
    %mul3A_340 = arith.muli %scan3A_338, %mul3A_339 : i32
    %multiple_of3A_341 = tpu.assume_multiple %mul3A_340, 160 : i32
    %mul3A_342 = arith.constant 8 : i32
    %mul3A_343 = arith.muli %scan3A_338, %mul3A_342 : i32
    %multiple_of3A_344 = tpu.assume_multiple %mul3A_343, 8 : i32
    %get3A_345 = arith.index_cast %multiple_of3A_341 : i32 to index
    %get3A_346 = arith.constant 0 : index
    %get3A_347 = vector.load %arg7[%get3A_345, %get3A_346] : memref<5120x128xbf16, #tpu.memory_space<vmem>>, vector<160x128xbf16>
    %get3A_348 = arith.index_cast %multiple_of3A_341 : i32 to index
    %get3A_349 = arith.constant 0 : index
    %get3A_350 = vector.load %arg8[%get3A_348, %get3A_349] : memref<5120x160xf32, #tpu.memory_space<vmem>>, vector<160x160xf32>
    %add3A_351 = arith.addf %get3A_350, %get3A_7 : vector<160x160xf32>
    %ge3A_352 = arith.constant 9.950000e+01 : f32
    %ge3A_353 = vector.broadcast %ge3A_352 : f32 to vector<160x160xf32>
    %ge3A_354 = arith.cmpf oge, %add3A_351, %ge3A_353 : vector<160x160xf32>
    %jit3A_355 = arith.constant -6.000000e+02 : f32
    %jit3A_356 = arith.constant -3.000000e+02 : f32
    %broadcast_in_dim3A_357 = vector.broadcast %jit3A_355 : f32 to vector<160x160xf32>
    %broadcast_in_dim3A_358 = vector.broadcast %jit3A_356 : f32 to vector<160x160xf32>
    %select_n3A_359 = arith.select %ge3A_354, %broadcast_in_dim3A_357, %broadcast_in_dim3A_358 : vector<160x160xi1>, vector<160x160xf32>
    %slice3A_360 = vector.extract_strided_slice %convert_element_type3A {offsets = [0, 0], sizes = [1, 128], strides = [1, 1]} : vector<8x128xbf16> to vector<1x128xbf16>
    %mul3A_361 = vector.broadcast %slice3A_360 : vector<1x128xbf16> to vector<160x128xbf16>
    %mul3A_362 = arith.mulf %get3A_347, %mul3A_361 : vector<160x128xbf16>
    %dot_general3A_363 = arith.constant dense<0.000000e+00> : vector<160x160xf32>
    %dot_general3A_364 = tpu.matmul %mul3A_362, %get3A_347, %dot_general3A_363 {dimension_numbers = #tpu.dot_dimension_numbers<[1], [1], [0], [0], [0, 0, 1, 0], [], []>, transpose_lhs_hint = false} : vector<160x128xbf16>, vector<160x128xbf16>, vector<160x160xf32> -> vector<160x160xf32>
    %eq3A_365 = arith.constant 1.000000e+00 : f32
    %eq3A_366 = vector.broadcast %eq3A_365 : f32 to vector<160x160xf32>
    %eq3A_367 = arith.cmpf oeq, %add3A_351, %eq3A_366 : vector<160x160xf32>
    %select_n3A_368 = arith.select %eq3A_367, %dot_general3A_364, %select_n3A_359 : vector<160x160xi1>, vector<160x160xf32>
    %slice3A_369 = vector.extract_strided_slice %convert_element_type3A {offsets = [1, 0], sizes = [1, 128], strides = [1, 1]} : vector<8x128xbf16> to vector<1x128xbf16>
    %mul3A_370 = vector.broadcast %slice3A_369 : vector<1x128xbf16> to vector<160x128xbf16>
    %mul3A_371 = arith.mulf %get3A_347, %mul3A_370 : vector<160x128xbf16>
    %dot_general3A_372 = arith.constant dense<0.000000e+00> : vector<160x160xf32>
    %dot_general3A_373 = tpu.matmul %mul3A_371, %get3A_347, %dot_general3A_372 {dimension_numbers = #tpu.dot_dimension_numbers<[1], [1], [0], [0], [0, 0, 1, 0], [], []>, transpose_lhs_hint = false} : vector<160x128xbf16>, vector<160x128xbf16>, vector<160x160xf32> -> vector<160x160xf32>
    %eq3A_374 = arith.constant 2.000000e+00 : f32
    %eq3A_375 = vector.broadcast %eq3A_374 : f32 to vector<160x160xf32>
    %eq3A_376 = arith.cmpf oeq, %add3A_351, %eq3A_375 : vector<160x160xf32>
    %select_n3A_377 = arith.select %eq3A_376, %dot_general3A_373, %select_n3A_368 : vector<160x160xi1>, vector<160x160xf32>
    %slice3A_378 = vector.extract_strided_slice %convert_element_type3A {offsets = [2, 0], sizes = [1, 128], strides = [1, 1]} : vector<8x128xbf16> to vector<1x128xbf16>
    %mul3A_379 = vector.broadcast %slice3A_378 : vector<1x128xbf16> to vector<160x128xbf16>
    %mul3A_380 = arith.mulf %get3A_347, %mul3A_379 : vector<160x128xbf16>
    %dot_general3A_381 = arith.constant dense<0.000000e+00> : vector<160x160xf32>
    %dot_general3A_382 = tpu.matmul %mul3A_380, %get3A_347, %dot_general3A_381 {dimension_numbers = #tpu.dot_dimension_numbers<[1], [1], [0], [0], [0, 0, 1, 0], [], []>, transpose_lhs_hint = false} : vector<160x128xbf16>, vector<160x128xbf16>, vector<160x160xf32> -> vector<160x160xf32>
    %eq3A_383 = arith.constant 3.000000e+00 : f32
    %eq3A_384 = vector.broadcast %eq3A_383 : f32 to vector<160x160xf32>
    %eq3A_385 = arith.cmpf oeq, %add3A_351, %eq3A_384 : vector<160x160xf32>
    %select_n3A_386 = arith.select %eq3A_385, %dot_general3A_382, %select_n3A_377 : vector<160x160xi1>, vector<160x160xf32>
    %slice3A_387 = vector.extract_strided_slice %convert_element_type3A {offsets = [3, 0], sizes = [1, 128], strides = [1, 1]} : vector<8x128xbf16> to vector<1x128xbf16>
    %mul3A_388 = vector.broadcast %slice3A_387 : vector<1x128xbf16> to vector<160x128xbf16>
    %mul3A_389 = arith.mulf %get3A_347, %mul3A_388 : vector<160x128xbf16>
    %dot_general3A_390 = arith.constant dense<0.000000e+00> : vector<160x160xf32>
    %dot_general3A_391 = tpu.matmul %mul3A_389, %get3A_347, %dot_general3A_390 {dimension_numbers = #tpu.dot_dimension_numbers<[1], [1], [0], [0], [0, 0, 1, 0], [], []>, transpose_lhs_hint = false} : vector<160x128xbf16>, vector<160x128xbf16>, vector<160x160xf32> -> vector<160x160xf32>
    %eq3A_392 = arith.constant 4.000000e+00 : f32
    %eq3A_393 = vector.broadcast %eq3A_392 : f32 to vector<160x160xf32>
    %eq3A_394 = arith.cmpf oeq, %add3A_351, %eq3A_393 : vector<160x160xf32>
    %select_n3A_395 = arith.select %eq3A_394, %dot_general3A_391, %select_n3A_386 : vector<160x160xi1>, vector<160x160xf32>
    %ge3A_396 = arith.constant 0.000000e+00 : f32
    %ge3A_397 = vector.broadcast %ge3A_396 : f32 to vector<160x160xf32>
    %ge3A_398 = arith.cmpf oge, %select_n3A_395, %ge3A_397 : vector<160x160xf32>
    %mul3A_399 = arith.constant 2.000000e-01 : f32
    %mul3A_400 = vector.broadcast %mul3A_399 : f32 to vector<160x160xf32>
    %mul3A_401 = arith.mulf %mul3A_400, %select_n3A_395 : vector<160x160xf32>
    %select_n3A_402 = arith.select %ge3A_398, %select_n3A_395, %mul3A_401 : vector<160x160xi1>, vector<160x160xf32>
    %exp3A_403 = math.exp %select_n3A_402 : vector<160x160xf32>
    %reduce_sum3A_404 = arith.constant dense<0.000000e+00> : vector<160xf32>
    %reduce_sum3A_405 = vector.multi_reduction <add>, %exp3A_403, %reduce_sum3A_404 [1] : vector<160x160xf32> to vector<160xf32>
    %broadcast_in_dim3A_406 = vector.shape_cast %reduce_sum3A_405 : vector<160xf32> to vector<160x1xf32>
    %div3A_407 = vector.broadcast %broadcast_in_dim3A_406 : vector<160x1xf32> to vector<160x160xf32>
    %div3A_408 = arith.divf %exp3A_403, %div3A_407 : vector<160x160xf32>
    %convert_element_type3A_409 = arith.truncf %div3A_408 : vector<160x160xf32> to vector<160x160xbf16>
    %dot_general3A_410 = arith.constant dense<0.000000e+00> : vector<160x128xf32>
    %dot_general3A_411 = tpu.matmul %convert_element_type3A_409, %get3A_347, %dot_general3A_410 {dimension_numbers = #tpu.dot_dimension_numbers<[1], [0], [0], [1], [0, 0, 1, 1], [], []>, transpose_lhs_hint = false} : vector<160x160xbf16>, vector<160x128xbf16>, vector<160x128xf32> -> vector<160x128xf32>
    %reshape3A_412 = vector.shape_cast %dot_general3A_411 : vector<160x128xf32> to vector<8x20x128xf32>
    %transpose3A_413 = tpu.transpose %reshape3A_412, [1, 0, 2] : vector<8x20x128xf32> -> vector<20x8x128xf32>
    %swap3A_414 = arith.constant 0 : index
    %swap3A_415 = arith.index_cast %multiple_of3A_344 : i32 to index
    %swap3A_416 = arith.constant 0 : index
    %swap3A_417 = vector.load %arg6[%swap3A_414, %swap3A_415, %swap3A_416] : memref<20x256x128xf32, #tpu.memory_space<vmem>>, vector<20x8x128xf32>
    tpu.vector_store %arg6[%swap3A_414, %swap3A_415, %swap3A_416], %transpose3A_413 {strides = array<i32>} : memref<20x256x128xf32, #tpu.memory_space<vmem>>, vector<20x8x128xf32>,
    %scan3A_418 = arith.constant 5 : i32
    %mul3A_419 = arith.constant 160 : i32
    %mul3A_420 = arith.muli %scan3A_418, %mul3A_419 : i32
    %multiple_of3A_421 = tpu.assume_multiple %mul3A_420, 160 : i32
    %mul3A_422 = arith.constant 8 : i32
    %mul3A_423 = arith.muli %scan3A_418, %mul3A_422 : i32
    %multiple_of3A_424 = tpu.assume_multiple %mul3A_423, 8 : i32
    %get3A_425 = arith.index_cast %multiple_of3A_421 : i32 to index
    %get3A_426 = arith.constant 0 : index
    %get3A_427 = vector.load %arg7[%get3A_425, %get3A_426] : memref<5120x128xbf16, #tpu.memory_space<vmem>>, vector<160x128xbf16>
    %get3A_428 = arith.index_cast %multiple_of3A_421 : i32 to index
    %get3A_429 = arith.constant 0 : index
    %get3A_430 = vector.load %arg8[%get3A_428, %get3A_429] : memref<5120x160xf32, #tpu.memory_space<vmem>>, vector<160x160xf32>
    %add3A_431 = arith.addf %get3A_430, %get3A_7 : vector<160x160xf32>
    %ge3A_432 = arith.constant 9.950000e+01 : f32
    %ge3A_433 = vector.broadcast %ge3A_432 : f32 to vector<160x160xf32>
    %ge3A_434 = arith.cmpf oge, %add3A_431, %ge3A_433 : vector<160x160xf32>
    %jit3A_435 = arith.constant -6.000000e+02 : f32
    %jit3A_436 = arith.constant -3.000000e+02 : f32
    %broadcast_in_dim3A_437 = vector.broadcast %jit3A_435 : f32 to vector<160x160xf32>
    %broadcast_in_dim3A_438 = vector.broadcast %jit3A_436 : f32 to vector<160x160xf32>
    %select_n3A_439 = arith.select %ge3A_434, %broadcast_in_dim3A_437, %broadcast_in_dim3A_438 : vector<160x160xi1>, vector<160x160xf32>
    %slice3A_440 = vector.extract_strided_slice %convert_element_type3A {offsets = [0, 0], sizes = [1, 128], strides = [1, 1]} : vector<8x128xbf16> to vector<1x128xbf16>
    %mul3A_441 = vector.broadcast %slice3A_440 : vector<1x128xbf16> to vector<160x128xbf16>
    %mul3A_442 = arith.mulf %get3A_427, %mul3A_441 : vector<160x128xbf16>
    %dot_general3A_443 = arith.constant dense<0.000000e+00> : vector<160x160xf32>
    %dot_general3A_444 = tpu.matmul %mul3A_442, %get3A_427, %dot_general3A_443 {dimension_numbers = #tpu.dot_dimension_numbers<[1], [1], [0], [0], [0, 0, 1, 0], [], []>, transpose_lhs_hint = false} : vector<160x128xbf16>, vector<160x128xbf16>, vector<160x160xf32> -> vector<160x160xf32>
    %eq3A_445 = arith.constant 1.000000e+00 : f32
    %eq3A_446 = vector.broadcast %eq3A_445 : f32 to vector<160x160xf32>
    %eq3A_447 = arith.cmpf oeq, %add3A_431, %eq3A_446 : vector<160x160xf32>
    %select_n3A_448 = arith.select %eq3A_447, %dot_general3A_444, %select_n3A_439 : vector<160x160xi1>, vector<160x160xf32>
    %slice3A_449 = vector.extract_strided_slice %convert_element_type3A {offsets = [1, 0], sizes = [1, 128], strides = [1, 1]} : vector<8x128xbf16> to vector<1x128xbf16>
    %mul3A_450 = vector.broadcast %slice3A_449 : vector<1x128xbf16> to vector<160x128xbf16>
    %mul3A_451 = arith.mulf %get3A_427, %mul3A_450 : vector<160x128xbf16>
    %dot_general3A_452 = arith.constant dense<0.000000e+00> : vector<160x160xf32>
    %dot_general3A_453 = tpu.matmul %mul3A_451, %get3A_427, %dot_general3A_452 {dimension_numbers = #tpu.dot_dimension_numbers<[1], [1], [0], [0], [0, 0, 1, 0], [], []>, transpose_lhs_hint = false} : vector<160x128xbf16>, vector<160x128xbf16>, vector<160x160xf32> -> vector<160x160xf32>
    %eq3A_454 = arith.constant 2.000000e+00 : f32
    %eq3A_455 = vector.broadcast %eq3A_454 : f32 to vector<160x160xf32>
    %eq3A_456 = arith.cmpf oeq, %add3A_431, %eq3A_455 : vector<160x160xf32>
    %select_n3A_457 = arith.select %eq3A_456, %dot_general3A_453, %select_n3A_448 : vector<160x160xi1>, vector<160x160xf32>
    %slice3A_458 = vector.extract_strided_slice %convert_element_type3A {offsets = [2, 0], sizes = [1, 128], strides = [1, 1]} : vector<8x128xbf16> to vector<1x128xbf16>
    %mul3A_459 = vector.broadcast %slice3A_458 : vector<1x128xbf16> to vector<160x128xbf16>
    %mul3A_460 = arith.mulf %get3A_427, %mul3A_459 : vector<160x128xbf16>
    %dot_general3A_461 = arith.constant dense<0.000000e+00> : vector<160x160xf32>
    %dot_general3A_462 = tpu.matmul %mul3A_460, %get3A_427, %dot_general3A_461 {dimension_numbers = #tpu.dot_dimension_numbers<[1], [1], [0], [0], [0, 0, 1, 0], [], []>, transpose_lhs_hint = false} : vector<160x128xbf16>, vector<160x128xbf16>, vector<160x160xf32> -> vector<160x160xf32>
    %eq3A_463 = arith.constant 3.000000e+00 : f32
    %eq3A_464 = vector.broadcast %eq3A_463 : f32 to vector<160x160xf32>
    %eq3A_465 = arith.cmpf oeq, %add3A_431, %eq3A_464 : vector<160x160xf32>
    %select_n3A_466 = arith.select %eq3A_465, %dot_general3A_462, %select_n3A_457 : vector<160x160xi1>, vector<160x160xf32>
    %slice3A_467 = vector.extract_strided_slice %convert_element_type3A {offsets = [3, 0], sizes = [1, 128], strides = [1, 1]} : vector<8x128xbf16> to vector<1x128xbf16>
    %mul3A_468 = vector.broadcast %slice3A_467 : vector<1x128xbf16> to vector<160x128xbf16>
    %mul3A_469 = arith.mulf %get3A_427, %mul3A_468 : vector<160x128xbf16>
    %dot_general3A_470 = arith.constant dense<0.000000e+00> : vector<160x160xf32>
    %dot_general3A_471 = tpu.matmul %mul3A_469, %get3A_427, %dot_general3A_470 {dimension_numbers = #tpu.dot_dimension_numbers<[1], [1], [0], [0], [0, 0, 1, 0], [], []>, transpose_lhs_hint = false} : vector<160x128xbf16>, vector<160x128xbf16>, vector<160x160xf32> -> vector<160x160xf32>
    %eq3A_472 = arith.constant 4.000000e+00 : f32
    %eq3A_473 = vector.broadcast %eq3A_472 : f32 to vector<160x160xf32>
    %eq3A_474 = arith.cmpf oeq, %add3A_431, %eq3A_473 : vector<160x160xf32>
    %select_n3A_475 = arith.select %eq3A_474, %dot_general3A_471, %select_n3A_466 : vector<160x160xi1>, vector<160x160xf32>
    %ge3A_476 = arith.constant 0.000000e+00 : f32
    %ge3A_477 = vector.broadcast %ge3A_476 : f32 to vector<160x160xf32>
    %ge3A_478 = arith.cmpf oge, %select_n3A_475, %ge3A_477 : vector<160x160xf32>
    %mul3A_479 = arith.constant 2.000000e-01 : f32
    %mul3A_480 = vector.broadcast %mul3A_479 : f32 to vector<160x160xf32>
    %mul3A_481 = arith.mulf %mul3A_480, %select_n3A_475 : vector<160x160xf32>
    %select_n3A_482 = arith.select %ge3A_478, %select_n3A_475, %mul3A_481 : vector<160x160xi1>, vector<160x160xf32>
    %exp3A_483 = math.exp %select_n3A_482 : vector<160x160xf32>
    %reduce_sum3A_484 = arith.constant dense<0.000000e+00> : vector<160xf32>
    %reduce_sum3A_485 = vector.multi_reduction <add>, %exp3A_483, %reduce_sum3A_484 [1] : vector<160x160xf32> to vector<160xf32>
    %broadcast_in_dim3A_486 = vector.shape_cast %reduce_sum3A_485 : vector<160xf32> to vector<160x1xf32>
    %div3A_487 = vector.broadcast %broadcast_in_dim3A_486 : vector<160x1xf32> to vector<160x160xf32>
    %div3A_488 = arith.divf %exp3A_483, %div3A_487 : vector<160x160xf32>
    %convert_element_type3A_489 = arith.truncf %div3A_488 : vector<160x160xf32> to vector<160x160xbf16>
    %dot_general3A_490 = arith.constant dense<0.000000e+00> : vector<160x128xf32>
    %dot_general3A_491 = tpu.matmul %convert_element_type3A_489, %get3A_427, %dot_general3A_490 {dimension_numbers = #tpu.dot_dimension_numbers<[1], [0], [0], [1], [0, 0, 1, 1], [], []>, transpose_lhs_hint = false} : vector<160x160xbf16>, vector<160x128xbf16>, vector<160x128xf32> -> vector<160x128xf32>
    %reshape3A_492 = vector.shape_cast %dot_general3A_491 : vector<160x128xf32> to vector<8x20x128xf32>
    %transpose3A_493 = tpu.transpose %reshape3A_492, [1, 0, 2] : vector<8x20x128xf32> -> vector<20x8x128xf32>
    %swap3A_494 = arith.constant 0 : index
    %swap3A_495 = arith.index_cast %multiple_of3A_424 : i32 to index
    %swap3A_496 = arith.constant 0 : index
    %swap3A_497 = vector.load %arg6[%swap3A_494, %swap3A_495, %swap3A_496] : memref<20x256x128xf32, #tpu.memory_space<vmem>>, vector<20x8x128xf32>
    tpu.vector_store %arg6[%swap3A_494, %swap3A_495, %swap3A_496], %transpose3A_493 {strides = array<i32>} : memref<20x256x128xf32, #tpu.memory_space<vmem>>, vector<20x8x128xf32>,
    %scan3A_498 = arith.constant 6 : i32
    %mul3A_499 = arith.constant 160 : i32
    %mul3A_500 = arith.muli %scan3A_498, %mul3A_499 : i32
    %multiple_of3A_501 = tpu.assume_multiple %mul3A_500, 160 : i32
    %mul3A_502 = arith.constant 8 : i32
    %mul3A_503 = arith.muli %scan3A_498, %mul3A_502 : i32
    %multiple_of3A_504 = tpu.assume_multiple %mul3A_503, 8 : i32
    %get3A_505 = arith.index_cast %multiple_of3A_501 : i32 to index
    %get3A_506 = arith.constant 0 : index
    %get3A_507 = vector.load %arg7[%get3A_505, %get3A_506] : memref<5120x128xbf16, #tpu.memory_space<vmem>>, vector<160x128xbf16>
    %get3A_508 = arith.index_cast %multiple_of3A_501 : i32 to index
    %get3A_509 = arith.constant 0 : index
    %get3A_510 = vector.load %arg8[%get3A_508, %get3A_509] : memref<5120x160xf32, #tpu.memory_space<vmem>>, vector<160x160xf32>
    %add3A_511 = arith.addf %get3A_510, %get3A_7 : vector<160x160xf32>
    %ge3A_512 = arith.constant 9.950000e+01 : f32
    %ge3A_513 = vector.broadcast %ge3A_512 : f32 to vector<160x160xf32>
    %ge3A_514 = arith.cmpf oge, %add3A_511, %ge3A_513 : vector<160x160xf32>
    %jit3A_515 = arith.constant -6.000000e+02 : f32
    %jit3A_516 = arith.constant -3.000000e+02 : f32
    %broadcast_in_dim3A_517 = vector.broadcast %jit3A_515 : f32 to vector<160x160xf32>
    %broadcast_in_dim3A_518 = vector.broadcast %jit3A_516 : f32 to vector<160x160xf32>
    %select_n3A_519 = arith.select %ge3A_514, %broadcast_in_dim3A_517, %broadcast_in_dim3A_518 : vector<160x160xi1>, vector<160x160xf32>
    %slice3A_520 = vector.extract_strided_slice %convert_element_type3A {offsets = [0, 0], sizes = [1, 128], strides = [1, 1]} : vector<8x128xbf16> to vector<1x128xbf16>
    %mul3A_521 = vector.broadcast %slice3A_520 : vector<1x128xbf16> to vector<160x128xbf16>
    %mul3A_522 = arith.mulf %get3A_507, %mul3A_521 : vector<160x128xbf16>
    %dot_general3A_523 = arith.constant dense<0.000000e+00> : vector<160x160xf32>
    %dot_general3A_524 = tpu.matmul %mul3A_522, %get3A_507, %dot_general3A_523 {dimension_numbers = #tpu.dot_dimension_numbers<[1], [1], [0], [0], [0, 0, 1, 0], [], []>, transpose_lhs_hint = false} : vector<160x128xbf16>, vector<160x128xbf16>, vector<160x160xf32> -> vector<160x160xf32>
    %eq3A_525 = arith.constant 1.000000e+00 : f32
    %eq3A_526 = vector.broadcast %eq3A_525 : f32 to vector<160x160xf32>
    %eq3A_527 = arith.cmpf oeq, %add3A_511, %eq3A_526 : vector<160x160xf32>
    %select_n3A_528 = arith.select %eq3A_527, %dot_general3A_524, %select_n3A_519 : vector<160x160xi1>, vector<160x160xf32>
    %slice3A_529 = vector.extract_strided_slice %convert_element_type3A {offsets = [1, 0], sizes = [1, 128], strides = [1, 1]} : vector<8x128xbf16> to vector<1x128xbf16>
    %mul3A_530 = vector.broadcast %slice3A_529 : vector<1x128xbf16> to vector<160x128xbf16>
    %mul3A_531 = arith.mulf %get3A_507, %mul3A_530 : vector<160x128xbf16>
    %dot_general3A_532 = arith.constant dense<0.000000e+00> : vector<160x160xf32>
    %dot_general3A_533 = tpu.matmul %mul3A_531, %get3A_507, %dot_general3A_532 {dimension_numbers = #tpu.dot_dimension_numbers<[1], [1], [0], [0], [0, 0, 1, 0], [], []>, transpose_lhs_hint = false} : vector<160x128xbf16>, vector<160x128xbf16>, vector<160x160xf32> -> vector<160x160xf32>
    %eq3A_534 = arith.constant 2.000000e+00 : f32
    %eq3A_535 = vector.broadcast %eq3A_534 : f32 to vector<160x160xf32>
    %eq3A_536 = arith.cmpf oeq, %add3A_511, %eq3A_535 : vector<160x160xf32>
    %select_n3A_537 = arith.select %eq3A_536, %dot_general3A_533, %select_n3A_528 : vector<160x160xi1>, vector<160x160xf32>
    %slice3A_538 = vector.extract_strided_slice %convert_element_type3A {offsets = [2, 0], sizes = [1, 128], strides = [1, 1]} : vector<8x128xbf16> to vector<1x128xbf16>
    %mul3A_539 = vector.broadcast %slice3A_538 : vector<1x128xbf16> to vector<160x128xbf16>
    %mul3A_540 = arith.mulf %get3A_507, %mul3A_539 : vector<160x128xbf16>
    %dot_general3A_541 = arith.constant dense<0.000000e+00> : vector<160x160xf32>
    %dot_general3A_542 = tpu.matmul %mul3A_540, %get3A_507, %dot_general3A_541 {dimension_numbers = #tpu.dot_dimension_numbers<[1], [1], [0], [0], [0, 0, 1, 0], [], []>, transpose_lhs_hint = false} : vector<160x128xbf16>, vector<160x128xbf16>, vector<160x160xf32> -> vector<160x160xf32>
    %eq3A_543 = arith.constant 3.000000e+00 : f32
    %eq3A_544 = vector.broadcast %eq3A_543 : f32 to vector<160x160xf32>
    %eq3A_545 = arith.cmpf oeq, %add3A_511, %eq3A_544 : vector<160x160xf32>
    %select_n3A_546 = arith.select %eq3A_545, %dot_general3A_542, %select_n3A_537 : vector<160x160xi1>, vector<160x160xf32>
    %slice3A_547 = vector.extract_strided_slice %convert_element_type3A {offsets = [3, 0], sizes = [1, 128], strides = [1, 1]} : vector<8x128xbf16> to vector<1x128xbf16>
    %mul3A_548 = vector.broadcast %slice3A_547 : vector<1x128xbf16> to vector<160x128xbf16>
    %mul3A_549 = arith.mulf %get3A_507, %mul3A_548 : vector<160x128xbf16>
    %dot_general3A_550 = arith.constant dense<0.000000e+00> : vector<160x160xf32>
    %dot_general3A_551 = tpu.matmul %mul3A_549, %get3A_507, %dot_general3A_550 {dimension_numbers = #tpu.dot_dimension_numbers<[1], [1], [0], [0], [0, 0, 1, 0], [], []>, transpose_lhs_hint = false} : vector<160x128xbf16>, vector<160x128xbf16>, vector<160x160xf32> -> vector<160x160xf32>
    %eq3A_552 = arith.constant 4.000000e+00 : f32
    %eq3A_553 = vector.broadcast %eq3A_552 : f32 to vector<160x160xf32>
    %eq3A_554 = arith.cmpf oeq, %add3A_511, %eq3A_553 : vector<160x160xf32>
    %select_n3A_555 = arith.select %eq3A_554, %dot_general3A_551, %select_n3A_546 : vector<160x160xi1>, vector<160x160xf32>
    %ge3A_556 = arith.constant 0.000000e+00 : f32
    %ge3A_557 = vector.broadcast %ge3A_556 : f32 to vector<160x160xf32>
    %ge3A_558 = arith.cmpf oge, %select_n3A_555, %ge3A_557 : vector<160x160xf32>
    %mul3A_559 = arith.constant 2.000000e-01 : f32
    %mul3A_560 = vector.broadcast %mul3A_559 : f32 to vector<160x160xf32>
    %mul3A_561 = arith.mulf %mul3A_560, %select_n3A_555 : vector<160x160xf32>
    %select_n3A_562 = arith.select %ge3A_558, %select_n3A_555, %mul3A_561 : vector<160x160xi1>, vector<160x160xf32>
    %exp3A_563 = math.exp %select_n3A_562 : vector<160x160xf32>
    %reduce_sum3A_564 = arith.constant dense<0.000000e+00> : vector<160xf32>
    %reduce_sum3A_565 = vector.multi_reduction <add>, %exp3A_563, %reduce_sum3A_564 [1] : vector<160x160xf32> to vector<160xf32>
    %broadcast_in_dim3A_566 = vector.shape_cast %reduce_sum3A_565 : vector<160xf32> to vector<160x1xf32>
    %div3A_567 = vector.broadcast %broadcast_in_dim3A_566 : vector<160x1xf32> to vector<160x160xf32>
    %div3A_568 = arith.divf %exp3A_563, %div3A_567 : vector<160x160xf32>
    %convert_element_type3A_569 = arith.truncf %div3A_568 : vector<160x160xf32> to vector<160x160xbf16>
    %dot_general3A_570 = arith.constant dense<0.000000e+00> : vector<160x128xf32>
    %dot_general3A_571 = tpu.matmul %convert_element_type3A_569, %get3A_507, %dot_general3A_570 {dimension_numbers = #tpu.dot_dimension_numbers<[1], [0], [0], [1], [0, 0, 1, 1], [], []>, transpose_lhs_hint = false} : vector<160x160xbf16>, vector<160x128xbf16>, vector<160x128xf32> -> vector<160x128xf32>
    %reshape3A_572 = vector.shape_cast %dot_general3A_571 : vector<160x128xf32> to vector<8x20x128xf32>
    %transpose3A_573 = tpu.transpose %reshape3A_572, [1, 0, 2] : vector<8x20x128xf32> -> vector<20x8x128xf32>
    %swap3A_574 = arith.constant 0 : index
    %swap3A_575 = arith.index_cast %multiple_of3A_504 : i32 to index
    %swap3A_576 = arith.constant 0 : index
    %swap3A_577 = vector.load %arg6[%swap3A_574, %swap3A_575, %swap3A_576] : memref<20x256x128xf32, #tpu.memory_space<vmem>>, vector<20x8x128xf32>
    tpu.vector_store %arg6[%swap3A_574, %swap3A_575, %swap3A_576], %transpose3A_573 {strides = array<i32>} : memref<20x256x128xf32, #tpu.memory_space<vmem>>, vector<20x8x128xf32>,
    %scan3A_578 = arith.constant 7 : i32
    %mul3A_579 = arith.constant 160 : i32
    %mul3A_580 = arith.muli %scan3A_578, %mul3A_579 : i32
    %multiple_of3A_581 = tpu.assume_multiple %mul3A_580, 160 : i32
    %mul3A_582 = arith.constant 8 : i32
    %mul3A_583 = arith.muli %scan3A_578, %mul3A_582 : i32
    %multiple_of3A_584 = tpu.assume_multiple %mul3A_583, 8 : i32
    %get3A_585 = arith.index_cast %multiple_of3A_581 : i32 to index
    %get3A_586 = arith.constant 0 : index
    %get3A_587 = vector.load %arg7[%get3A_585, %get3A_586] : memref<5120x128xbf16, #tpu.memory_space<vmem>>, vector<160x128xbf16>
    %get3A_588 = arith.index_cast %multiple_of3A_581 : i32 to index
    %get3A_589 = arith.constant 0 : index
    %get3A_590 = vector.load %arg8[%get3A_588, %get3A_589] : memref<5120x160xf32, #tpu.memory_space<vmem>>, vector<160x160xf32>
    %add3A_591 = arith.addf %get3A_590, %get3A_7 : vector<160x160xf32>
    %ge3A_592 = arith.constant 9.950000e+01 : f32
    %ge3A_593 = vector.broadcast %ge3A_592 : f32 to vector<160x160xf32>
    %ge3A_594 = arith.cmpf oge, %add3A_591, %ge3A_593 : vector<160x160xf32>
    %jit3A_595 = arith.constant -6.000000e+02 : f32
    %jit3A_596 = arith.constant -3.000000e+02 : f32
    %broadcast_in_dim3A_597 = vector.broadcast %jit3A_595 : f32 to vector<160x160xf32>
    %broadcast_in_dim3A_598 = vector.broadcast %jit3A_596 : f32 to vector<160x160xf32>
    %select_n3A_599 = arith.select %ge3A_594, %broadcast_in_dim3A_597, %broadcast_in_dim3A_598 : vector<160x160xi1>, vector<160x160xf32>
    %slice3A_600 = vector.extract_strided_slice %convert_element_type3A {offsets = [0, 0], sizes = [1, 128], strides = [1, 1]} : vector<8x128xbf16> to vector<1x128xbf16>
    %mul3A_601 = vector.broadcast %slice3A_600 : vector<1x128xbf16> to vector<160x128xbf16>
    %mul3A_602 = arith.mulf %get3A_587, %mul3A_601 : vector<160x128xbf16>
    %dot_general3A_603 = arith.constant dense<0.000000e+00> : vector<160x160xf32>
    %dot_general3A_604 = tpu.matmul %mul3A_602, %get3A_587, %dot_general3A_603 {dimension_numbers = #tpu.dot_dimension_numbers<[1], [1], [0], [0], [0, 0, 1, 0], [], []>, transpose_lhs_hint = false} : vector<160x128xbf16>, vector<160x128xbf16>, vector<160x160xf32> -> vector<160x160xf32>
    %eq3A_605 = arith.constant 1.000000e+00 : f32
    %eq3A_606 = vector.broadcast %eq3A_605 : f32 to vector<160x160xf32>
    %eq3A_607 = arith.cmpf oeq, %add3A_591, %eq3A_606 : vector<160x160xf32>
    %select_n3A_608 = arith.select %eq3A_607, %dot_general3A_604, %select_n3A_599 : vector<160x160xi1>, vector<160x160xf32>
    %slice3A_609 = vector.extract_strided_slice %convert_element_type3A {offsets = [1, 0], sizes = [1, 128], strides = [1, 1]} : vector<8x128xbf16> to vector<1x128xbf16>
    %mul3A_610 = vector.broadcast %slice3A_609 : vector<1x128xbf16> to vector<160x128xbf16>
    %mul3A_611 = arith.mulf %get3A_587, %mul3A_610 : vector<160x128xbf16>
    %dot_general3A_612 = arith.constant dense<0.000000e+00> : vector<160x160xf32>
    %dot_general3A_613 = tpu.matmul %mul3A_611, %get3A_587, %dot_general3A_612 {dimension_numbers = #tpu.dot_dimension_numbers<[1], [1], [0], [0], [0, 0, 1, 0], [], []>, transpose_lhs_hint = false} : vector<160x128xbf16>, vector<160x128xbf16>, vector<160x160xf32> -> vector<160x160xf32>
    %eq3A_614 = arith.constant 2.000000e+00 : f32
    %eq3A_615 = vector.broadcast %eq3A_614 : f32 to vector<160x160xf32>
    %eq3A_616 = arith.cmpf oeq, %add3A_591, %eq3A_615 : vector<160x160xf32>
    %select_n3A_617 = arith.select %eq3A_616, %dot_general3A_613, %select_n3A_608 : vector<160x160xi1>, vector<160x160xf32>
    %slice3A_618 = vector.extract_strided_slice %convert_element_type3A {offsets = [2, 0], sizes = [1, 128], strides = [1, 1]} : vector<8x128xbf16> to vector<1x128xbf16>
    %mul3A_619 = vector.broadcast %slice3A_618 : vector<1x128xbf16> to vector<160x128xbf16>
    %mul3A_620 = arith.mulf %get3A_587, %mul3A_619 : vector<160x128xbf16>
    %dot_general3A_621 = arith.constant dense<0.000000e+00> : vector<160x160xf32>
    %dot_general3A_622 = tpu.matmul %mul3A_620, %get3A_587, %dot_general3A_621 {dimension_numbers = #tpu.dot_dimension_numbers<[1], [1], [0], [0], [0, 0, 1, 0], [], []>, transpose_lhs_hint = false} : vector<160x128xbf16>, vector<160x128xbf16>, vector<160x160xf32> -> vector<160x160xf32>
    %eq3A_623 = arith.constant 3.000000e+00 : f32
    %eq3A_624 = vector.broadcast %eq3A_623 : f32 to vector<160x160xf32>
    %eq3A_625 = arith.cmpf oeq, %add3A_591, %eq3A_624 : vector<160x160xf32>
    %select_n3A_626 = arith.select %eq3A_625, %dot_general3A_622, %select_n3A_617 : vector<160x160xi1>, vector<160x160xf32>
    %slice3A_627 = vector.extract_strided_slice %convert_element_type3A {offsets = [3, 0], sizes = [1, 128], strides = [1, 1]} : vector<8x128xbf16> to vector<1x128xbf16>
    %mul3A_628 = vector.broadcast %slice3A_627 : vector<1x128xbf16> to vector<160x128xbf16>
    %mul3A_629 = arith.mulf %get3A_587, %mul3A_628 : vector<160x128xbf16>
    %dot_general3A_630 = arith.constant dense<0.000000e+00> : vector<160x160xf32>
    %dot_general3A_631 = tpu.matmul %mul3A_629, %get3A_587, %dot_general3A_630 {dimension_numbers = #tpu.dot_dimension_numbers<[1], [1], [0], [0], [0, 0, 1, 0], [], []>, transpose_lhs_hint = false} : vector<160x128xbf16>, vector<160x128xbf16>, vector<160x160xf32> -> vector<160x160xf32>
    %eq3A_632 = arith.constant 4.000000e+00 : f32
    %eq3A_633 = vector.broadcast %eq3A_632 : f32 to vector<160x160xf32>
    %eq3A_634 = arith.cmpf oeq, %add3A_591, %eq3A_633 : vector<160x160xf32>
    %select_n3A_635 = arith.select %eq3A_634, %dot_general3A_631, %select_n3A_626 : vector<160x160xi1>, vector<160x160xf32>
    %ge3A_636 = arith.constant 0.000000e+00 : f32
    %ge3A_637 = vector.broadcast %ge3A_636 : f32 to vector<160x160xf32>
    %ge3A_638 = arith.cmpf oge, %select_n3A_635, %ge3A_637 : vector<160x160xf32>
    %mul3A_639 = arith.constant 2.000000e-01 : f32
    %mul3A_640 = vector.broadcast %mul3A_639 : f32 to vector<160x160xf32>
    %mul3A_641 = arith.mulf %mul3A_640, %select_n3A_635 : vector<160x160xf32>
    %select_n3A_642 = arith.select %ge3A_638, %select_n3A_635, %mul3A_641 : vector<160x160xi1>, vector<160x160xf32>
    %exp3A_643 = math.exp %select_n3A_642 : vector<160x160xf32>
    %reduce_sum3A_644 = arith.constant dense<0.000000e+00> : vector<160xf32>
    %reduce_sum3A_645 = vector.multi_reduction <add>, %exp3A_643, %reduce_sum3A_644 [1] : vector<160x160xf32> to vector<160xf32>
    %broadcast_in_dim3A_646 = vector.shape_cast %reduce_sum3A_645 : vector<160xf32> to vector<160x1xf32>
    %div3A_647 = vector.broadcast %broadcast_in_dim3A_646 : vector<160x1xf32> to vector<160x160xf32>
    %div3A_648 = arith.divf %exp3A_643, %div3A_647 : vector<160x160xf32>
    %convert_element_type3A_649 = arith.truncf %div3A_648 : vector<160x160xf32> to vector<160x160xbf16>
    %dot_general3A_650 = arith.constant dense<0.000000e+00> : vector<160x128xf32>
    %dot_general3A_651 = tpu.matmul %convert_element_type3A_649, %get3A_587, %dot_general3A_650 {dimension_numbers = #tpu.dot_dimension_numbers<[1], [0], [0], [1], [0, 0, 1, 1], [], []>, transpose_lhs_hint = false} : vector<160x160xbf16>, vector<160x128xbf16>, vector<160x128xf32> -> vector<160x128xf32>
    %reshape3A_652 = vector.shape_cast %dot_general3A_651 : vector<160x128xf32> to vector<8x20x128xf32>
    %transpose3A_653 = tpu.transpose %reshape3A_652, [1, 0, 2] : vector<8x20x128xf32> -> vector<20x8x128xf32>
    %swap3A_654 = arith.constant 0 : index
    %swap3A_655 = arith.index_cast %multiple_of3A_584 : i32 to index
    %swap3A_656 = arith.constant 0 : index
    %swap3A_657 = vector.load %arg6[%swap3A_654, %swap3A_655, %swap3A_656] : memref<20x256x128xf32, #tpu.memory_space<vmem>>, vector<20x8x128xf32>
    tpu.vector_store %arg6[%swap3A_654, %swap3A_655, %swap3A_656], %transpose3A_653 {strides = array<i32>} : memref<20x256x128xf32, #tpu.memory_space<vmem>>, vector<20x8x128xf32>,
    %scan3A_658 = arith.constant 8 : i32
    %mul3A_659 = arith.constant 160 : i32
    %mul3A_660 = arith.muli %scan3A_658, %mul3A_659 : i32
    %multiple_of3A_661 = tpu.assume_multiple %mul3A_660, 160 : i32
    %mul3A_662 = arith.constant 8 : i32
    %mul3A_663 = arith.muli %scan3A_658, %mul3A_662 : i32
    %multiple_of3A_664 = tpu.assume_multiple %mul3A_663, 8 : i32
    %get3A_665 = arith.index_cast %multiple_of3A_661 : i32 to index
    %get3A_666 = arith.constant 0 : index
    %get3A_667 = vector.load %arg7[%get3A_665, %get3A_666] : memref<5120x128xbf16, #tpu.memory_space<vmem>>, vector<160x128xbf16>
    %get3A_668 = arith.index_cast %multiple_of3A_661 : i32 to index
    %get3A_669 = arith.constant 0 : index
    %get3A_670 = vector.load %arg8[%get3A_668, %get3A_669] : memref<5120x160xf32, #tpu.memory_space<vmem>>, vector<160x160xf32>
    %add3A_671 = arith.addf %get3A_670, %get3A_7 : vector<160x160xf32>
    %ge3A_672 = arith.constant 9.950000e+01 : f32
    %ge3A_673 = vector.broadcast %ge3A_672 : f32 to vector<160x160xf32>
    %ge3A_674 = arith.cmpf oge, %add3A_671, %ge3A_673 : vector<160x160xf32>
    %jit3A_675 = arith.constant -6.000000e+02 : f32
    %jit3A_676 = arith.constant -3.000000e+02 : f32
    %broadcast_in_dim3A_677 = vector.broadcast %jit3A_675 : f32 to vector<160x160xf32>
    %broadcast_in_dim3A_678 = vector.broadcast %jit3A_676 : f32 to vector<160x160xf32>
    %select_n3A_679 = arith.select %ge3A_674, %broadcast_in_dim3A_677, %broadcast_in_dim3A_678 : vector<160x160xi1>, vector<160x160xf32>
    %slice3A_680 = vector.extract_strided_slice %convert_element_type3A {offsets = [0, 0], sizes = [1, 128], strides = [1, 1]} : vector<8x128xbf16> to vector<1x128xbf16>
    %mul3A_681 = vector.broadcast %slice3A_680 : vector<1x128xbf16> to vector<160x128xbf16>
    %mul3A_682 = arith.mulf %get3A_667, %mul3A_681 : vector<160x128xbf16>
    %dot_general3A_683 = arith.constant dense<0.000000e+00> : vector<160x160xf32>
    %dot_general3A_684 = tpu.matmul %mul3A_682, %get3A_667, %dot_general3A_683 {dimension_numbers = #tpu.dot_dimension_numbers<[1], [1], [0], [0], [0, 0, 1, 0], [], []>, transpose_lhs_hint = false} : vector<160x128xbf16>, vector<160x128xbf16>, vector<160x160xf32> -> vector<160x160xf32>
    %eq3A_685 = arith.constant 1.000000e+00 : f32
    %eq3A_686 = vector.broadcast %eq3A_685 : f32 to vector<160x160xf32>
    %eq3A_687 = arith.cmpf oeq, %add3A_671, %eq3A_686 : vector<160x160xf32>
    %select_n3A_688 = arith.select %eq3A_687, %dot_general3A_684, %select_n3A_679 : vector<160x160xi1>, vector<160x160xf32>
    %slice3A_689 = vector.extract_strided_slice %convert_element_type3A {offsets = [1, 0], sizes = [1, 128], strides = [1, 1]} : vector<8x128xbf16> to vector<1x128xbf16>
    %mul3A_690 = vector.broadcast %slice3A_689 : vector<1x128xbf16> to vector<160x128xbf16>
    %mul3A_691 = arith.mulf %get3A_667, %mul3A_690 : vector<160x128xbf16>
    %dot_general3A_692 = arith.constant dense<0.000000e+00> : vector<160x160xf32>
    %dot_general3A_693 = tpu.matmul %mul3A_691, %get3A_667, %dot_general3A_692 {dimension_numbers = #tpu.dot_dimension_numbers<[1], [1], [0], [0], [0, 0, 1, 0], [], []>, transpose_lhs_hint = false} : vector<160x128xbf16>, vector<160x128xbf16>, vector<160x160xf32> -> vector<160x160xf32>
    %eq3A_694 = arith.constant 2.000000e+00 : f32
    %eq3A_695 = vector.broadcast %eq3A_694 : f32 to vector<160x160xf32>
    %eq3A_696 = arith.cmpf oeq, %add3A_671, %eq3A_695 : vector<160x160xf32>
    %select_n3A_697 = arith.select %eq3A_696, %dot_general3A_693, %select_n3A_688 : vector<160x160xi1>, vector<160x160xf32>
    %slice3A_698 = vector.extract_strided_slice %convert_element_type3A {offsets = [2, 0], sizes = [1, 128], strides = [1, 1]} : vector<8x128xbf16> to vector<1x128xbf16>
    %mul3A_699 = vector.broadcast %slice3A_698 : vector<1x128xbf16> to vector<160x128xbf16>
    %mul3A_700 = arith.mulf %get3A_667, %mul3A_699 : vector<160x128xbf16>
    %dot_general3A_701 = arith.constant dense<0.000000e+00> : vector<160x160xf32>
    %dot_general3A_702 = tpu.matmul %mul3A_700, %get3A_667, %dot_general3A_701 {dimension_numbers = #tpu.dot_dimension_numbers<[1], [1], [0], [0], [0, 0, 1, 0], [], []>, transpose_lhs_hint = false} : vector<160x128xbf16>, vector<160x128xbf16>, vector<160x160xf32> -> vector<160x160xf32>
    %eq3A_703 = arith.constant 3.000000e+00 : f32
    %eq3A_704 = vector.broadcast %eq3A_703 : f32 to vector<160x160xf32>
    %eq3A_705 = arith.cmpf oeq, %add3A_671, %eq3A_704 : vector<160x160xf32>
    %select_n3A_706 = arith.select %eq3A_705, %dot_general3A_702, %select_n3A_697 : vector<160x160xi1>, vector<160x160xf32>
    %slice3A_707 = vector.extract_strided_slice %convert_element_type3A {offsets = [3, 0], sizes = [1, 128], strides = [1, 1]} : vector<8x128xbf16> to vector<1x128xbf16>
    %mul3A_708 = vector.broadcast %slice3A_707 : vector<1x128xbf16> to vector<160x128xbf16>
    %mul3A_709 = arith.mulf %get3A_667, %mul3A_708 : vector<160x128xbf16>
    %dot_general3A_710 = arith.constant dense<0.000000e+00> : vector<160x160xf32>
    %dot_general3A_711 = tpu.matmul %mul3A_709, %get3A_667, %dot_general3A_710 {dimension_numbers = #tpu.dot_dimension_numbers<[1], [1], [0], [0], [0, 0, 1, 0], [], []>, transpose_lhs_hint = false} : vector<160x128xbf16>, vector<160x128xbf16>, vector<160x160xf32> -> vector<160x160xf32>
    %eq3A_712 = arith.constant 4.000000e+00 : f32
    %eq3A_713 = vector.broadcast %eq3A_712 : f32 to vector<160x160xf32>
    %eq3A_714 = arith.cmpf oeq, %add3A_671, %eq3A_713 : vector<160x160xf32>
    %select_n3A_715 = arith.select %eq3A_714, %dot_general3A_711, %select_n3A_706 : vector<160x160xi1>, vector<160x160xf32>
    %ge3A_716 = arith.constant 0.000000e+00 : f32
    %ge3A_717 = vector.broadcast %ge3A_716 : f32 to vector<160x160xf32>
    %ge3A_718 = arith.cmpf oge, %select_n3A_715, %ge3A_717 : vector<160x160xf32>
    %mul3A_719 = arith.constant 2.000000e-01 : f32
    %mul3A_720 = vector.broadcast %mul3A_719 : f32 to vector<160x160xf32>
    %mul3A_721 = arith.mulf %mul3A_720, %select_n3A_715 : vector<160x160xf32>
    %select_n3A_722 = arith.select %ge3A_718, %select_n3A_715, %mul3A_721 : vector<160x160xi1>, vector<160x160xf32>
    %exp3A_723 = math.exp %select_n3A_722 : vector<160x160xf32>
    %reduce_sum3A_724 = arith.constant dense<0.000000e+00> : vector<160xf32>
    %reduce_sum3A_725 = vector.multi_reduction <add>, %exp3A_723, %reduce_sum3A_724 [1] : vector<160x160xf32> to vector<160xf32>
    %broadcast_in_dim3A_726 = vector.shape_cast %reduce_sum3A_725 : vector<160xf32> to vector<160x1xf32>
    %div3A_727 = vector.broadcast %broadcast_in_dim3A_726 : vector<160x1xf32> to vector<160x160xf32>
    %div3A_728 = arith.divf %exp3A_723, %div3A_727 : vector<160x160xf32>
    %convert_element_type3A_729 = arith.truncf %div3A_728 : vector<160x160xf32> to vector<160x160xbf16>
    %dot_general3A_730 = arith.constant dense<0.000000e+00> : vector<160x128xf32>
    %dot_general3A_731 = tpu.matmul %convert_element_type3A_729, %get3A_667, %dot_general3A_730 {dimension_numbers = #tpu.dot_dimension_numbers<[1], [0], [0], [1], [0, 0, 1, 1], [], []>, transpose_lhs_hint = false} : vector<160x160xbf16>, vector<160x128xbf16>, vector<160x128xf32> -> vector<160x128xf32>
    %reshape3A_732 = vector.shape_cast %dot_general3A_731 : vector<160x128xf32> to vector<8x20x128xf32>
    %transpose3A_733 = tpu.transpose %reshape3A_732, [1, 0, 2] : vector<8x20x128xf32> -> vector<20x8x128xf32>
    %swap3A_734 = arith.constant 0 : index
    %swap3A_735 = arith.index_cast %multiple_of3A_664 : i32 to index
    %swap3A_736 = arith.constant 0 : index
    %swap3A_737 = vector.load %arg6[%swap3A_734, %swap3A_735, %swap3A_736] : memref<20x256x128xf32, #tpu.memory_space<vmem>>, vector<20x8x128xf32>
    tpu.vector_store %arg6[%swap3A_734, %swap3A_735, %swap3A_736], %transpose3A_733 {strides = array<i32>} : memref<20x256x128xf32, #tpu.memory_space<vmem>>, vector<20x8x128xf32>,
    %scan3A_738 = arith.constant 9 : i32
    %mul3A_739 = arith.constant 160 : i32
    %mul3A_740 = arith.muli %scan3A_738, %mul3A_739 : i32
    %multiple_of3A_741 = tpu.assume_multiple %mul3A_740, 160 : i32
    %mul3A_742 = arith.constant 8 : i32
    %mul3A_743 = arith.muli %scan3A_738, %mul3A_742 : i32
    %multiple_of3A_744 = tpu.assume_multiple %mul3A_743, 8 : i32
    %get3A_745 = arith.index_cast %multiple_of3A_741 : i32 to index
    %get3A_746 = arith.constant 0 : index
    %get3A_747 = vector.load %arg7[%get3A_745, %get3A_746] : memref<5120x128xbf16, #tpu.memory_space<vmem>>, vector<160x128xbf16>
    %get3A_748 = arith.index_cast %multiple_of3A_741 : i32 to index
    %get3A_749 = arith.constant 0 : index
    %get3A_750 = vector.load %arg8[%get3A_748, %get3A_749] : memref<5120x160xf32, #tpu.memory_space<vmem>>, vector<160x160xf32>
    %add3A_751 = arith.addf %get3A_750, %get3A_7 : vector<160x160xf32>
    %ge3A_752 = arith.constant 9.950000e+01 : f32
    %ge3A_753 = vector.broadcast %ge3A_752 : f32 to vector<160x160xf32>
    %ge3A_754 = arith.cmpf oge, %add3A_751, %ge3A_753 : vector<160x160xf32>
    %jit3A_755 = arith.constant -6.000000e+02 : f32
    %jit3A_756 = arith.constant -3.000000e+02 : f32
    %broadcast_in_dim3A_757 = vector.broadcast %jit3A_755 : f32 to vector<160x160xf32>
    %broadcast_in_dim3A_758 = vector.broadcast %jit3A_756 : f32 to vector<160x160xf32>
    %select_n3A_759 = arith.select %ge3A_754, %broadcast_in_dim3A_757, %broadcast_in_dim3A_758 : vector<160x160xi1>, vector<160x160xf32>
    %slice3A_760 = vector.extract_strided_slice %convert_element_type3A {offsets = [0, 0], sizes = [1, 128], strides = [1, 1]} : vector<8x128xbf16> to vector<1x128xbf16>
    %mul3A_761 = vector.broadcast %slice3A_760 : vector<1x128xbf16> to vector<160x128xbf16>
    %mul3A_762 = arith.mulf %get3A_747, %mul3A_761 : vector<160x128xbf16>
    %dot_general3A_763 = arith.constant dense<0.000000e+00> : vector<160x160xf32>
    %dot_general3A_764 = tpu.matmul %mul3A_762, %get3A_747, %dot_general3A_763 {dimension_numbers = #tpu.dot_dimension_numbers<[1], [1], [0], [0], [0, 0, 1, 0], [], []>, transpose_lhs_hint = false} : vector<160x128xbf16>, vector<160x128xbf16>, vector<160x160xf32> -> vector<160x160xf32>
    %eq3A_765 = arith.constant 1.000000e+00 : f32
    %eq3A_766 = vector.broadcast %eq3A_765 : f32 to vector<160x160xf32>
    %eq3A_767 = arith.cmpf oeq, %add3A_751, %eq3A_766 : vector<160x160xf32>
    %select_n3A_768 = arith.select %eq3A_767, %dot_general3A_764, %select_n3A_759 : vector<160x160xi1>, vector<160x160xf32>
    %slice3A_769 = vector.extract_strided_slice %convert_element_type3A {offsets = [1, 0], sizes = [1, 128], strides = [1, 1]} : vector<8x128xbf16> to vector<1x128xbf16>
    %mul3A_770 = vector.broadcast %slice3A_769 : vector<1x128xbf16> to vector<160x128xbf16>
    %mul3A_771 = arith.mulf %get3A_747, %mul3A_770 : vector<160x128xbf16>
    %dot_general3A_772 = arith.constant dense<0.000000e+00> : vector<160x160xf32>
    %dot_general3A_773 = tpu.matmul %mul3A_771, %get3A_747, %dot_general3A_772 {dimension_numbers = #tpu.dot_dimension_numbers<[1], [1], [0], [0], [0, 0, 1, 0], [], []>, transpose_lhs_hint = false} : vector<160x128xbf16>, vector<160x128xbf16>, vector<160x160xf32> -> vector<160x160xf32>
    %eq3A_774 = arith.constant 2.000000e+00 : f32
    %eq3A_775 = vector.broadcast %eq3A_774 : f32 to vector<160x160xf32>
    %eq3A_776 = arith.cmpf oeq, %add3A_751, %eq3A_775 : vector<160x160xf32>
    %select_n3A_777 = arith.select %eq3A_776, %dot_general3A_773, %select_n3A_768 : vector<160x160xi1>, vector<160x160xf32>
    %slice3A_778 = vector.extract_strided_slice %convert_element_type3A {offsets = [2, 0], sizes = [1, 128], strides = [1, 1]} : vector<8x128xbf16> to vector<1x128xbf16>
    %mul3A_779 = vector.broadcast %slice3A_778 : vector<1x128xbf16> to vector<160x128xbf16>
    %mul3A_780 = arith.mulf %get3A_747, %mul3A_779 : vector<160x128xbf16>
    %dot_general3A_781 = arith.constant dense<0.000000e+00> : vector<160x160xf32>
    %dot_general3A_782 = tpu.matmul %mul3A_780, %get3A_747, %dot_general3A_781 {dimension_numbers = #tpu.dot_dimension_numbers<[1], [1], [0], [0], [0, 0, 1, 0], [], []>, transpose_lhs_hint = false} : vector<160x128xbf16>, vector<160x128xbf16>, vector<160x160xf32> -> vector<160x160xf32>
    %eq3A_783 = arith.constant 3.000000e+00 : f32
    %eq3A_784 = vector.broadcast %eq3A_783 : f32 to vector<160x160xf32>
    %eq3A_785 = arith.cmpf oeq, %add3A_751, %eq3A_784 : vector<160x160xf32>
    %select_n3A_786 = arith.select %eq3A_785, %dot_general3A_782, %select_n3A_777 : vector<160x160xi1>, vector<160x160xf32>
    %slice3A_787 = vector.extract_strided_slice %convert_element_type3A {offsets = [3, 0], sizes = [1, 128], strides = [1, 1]} : vector<8x128xbf16> to vector<1x128xbf16>
    %mul3A_788 = vector.broadcast %slice3A_787 : vector<1x128xbf16> to vector<160x128xbf16>
    %mul3A_789 = arith.mulf %get3A_747, %mul3A_788 : vector<160x128xbf16>
    %dot_general3A_790 = arith.constant dense<0.000000e+00> : vector<160x160xf32>
    %dot_general3A_791 = tpu.matmul %mul3A_789, %get3A_747, %dot_general3A_790 {dimension_numbers = #tpu.dot_dimension_numbers<[1], [1], [0], [0], [0, 0, 1, 0], [], []>, transpose_lhs_hint = false} : vector<160x128xbf16>, vector<160x128xbf16>, vector<160x160xf32> -> vector<160x160xf32>
    %eq3A_792 = arith.constant 4.000000e+00 : f32
    %eq3A_793 = vector.broadcast %eq3A_792 : f32 to vector<160x160xf32>
    %eq3A_794 = arith.cmpf oeq, %add3A_751, %eq3A_793 : vector<160x160xf32>
    %select_n3A_795 = arith.select %eq3A_794, %dot_general3A_791, %select_n3A_786 : vector<160x160xi1>, vector<160x160xf32>
    %ge3A_796 = arith.constant 0.000000e+00 : f32
    %ge3A_797 = vector.broadcast %ge3A_796 : f32 to vector<160x160xf32>
    %ge3A_798 = arith.cmpf oge, %select_n3A_795, %ge3A_797 : vector<160x160xf32>
    %mul3A_799 = arith.constant 2.000000e-01 : f32
    %mul3A_800 = vector.broadcast %mul3A_799 : f32 to vector<160x160xf32>
    %mul3A_801 = arith.mulf %mul3A_800, %select_n3A_795 : vector<160x160xf32>
    %select_n3A_802 = arith.select %ge3A_798, %select_n3A_795, %mul3A_801 : vector<160x160xi1>, vector<160x160xf32>
    %exp3A_803 = math.exp %select_n3A_802 : vector<160x160xf32>
    %reduce_sum3A_804 = arith.constant dense<0.000000e+00> : vector<160xf32>
    %reduce_sum3A_805 = vector.multi_reduction <add>, %exp3A_803, %reduce_sum3A_804 [1] : vector<160x160xf32> to vector<160xf32>
    %broadcast_in_dim3A_806 = vector.shape_cast %reduce_sum3A_805 : vector<160xf32> to vector<160x1xf32>
    %div3A_807 = vector.broadcast %broadcast_in_dim3A_806 : vector<160x1xf32> to vector<160x160xf32>
    %div3A_808 = arith.divf %exp3A_803, %div3A_807 : vector<160x160xf32>
    %convert_element_type3A_809 = arith.truncf %div3A_808 : vector<160x160xf32> to vector<160x160xbf16>
    %dot_general3A_810 = arith.constant dense<0.000000e+00> : vector<160x128xf32>
    %dot_general3A_811 = tpu.matmul %convert_element_type3A_809, %get3A_747, %dot_general3A_810 {dimension_numbers = #tpu.dot_dimension_numbers<[1], [0], [0], [1], [0, 0, 1, 1], [], []>, transpose_lhs_hint = false} : vector<160x160xbf16>, vector<160x128xbf16>, vector<160x128xf32> -> vector<160x128xf32>
    %reshape3A_812 = vector.shape_cast %dot_general3A_811 : vector<160x128xf32> to vector<8x20x128xf32>
    %transpose3A_813 = tpu.transpose %reshape3A_812, [1, 0, 2] : vector<8x20x128xf32> -> vector<20x8x128xf32>
    %swap3A_814 = arith.constant 0 : index
    %swap3A_815 = arith.index_cast %multiple_of3A_744 : i32 to index
    %swap3A_816 = arith.constant 0 : index
    %swap3A_817 = vector.load %arg6[%swap3A_814, %swap3A_815, %swap3A_816] : memref<20x256x128xf32, #tpu.memory_space<vmem>>, vector<20x8x128xf32>
    tpu.vector_store %arg6[%swap3A_814, %swap3A_815, %swap3A_816], %transpose3A_813 {strides = array<i32>} : memref<20x256x128xf32, #tpu.memory_space<vmem>>, vector<20x8x128xf32>,
    %scan3A_818 = arith.constant 10 : i32
    %mul3A_819 = arith.constant 160 : i32
    %mul3A_820 = arith.muli %scan3A_818, %mul3A_819 : i32
    %multiple_of3A_821 = tpu.assume_multiple %mul3A_820, 160 : i32
    %mul3A_822 = arith.constant 8 : i32
    %mul3A_823 = arith.muli %scan3A_818, %mul3A_822 : i32
    %multiple_of3A_824 = tpu.assume_multiple %mul3A_823, 8 : i32
    %get3A_825 = arith.index_cast %multiple_of3A_821 : i32 to index
    %get3A_826 = arith.constant 0 : index
    %get3A_827 = vector.load %arg7[%get3A_825, %get3A_826] : memref<5120x128xbf16, #tpu.memory_space<vmem>>, vector<160x128xbf16>
    %get3A_828 = arith.index_cast %multiple_of3A_821 : i32 to index
    %get3A_829 = arith.constant 0 : index
    %get3A_830 = vector.load %arg8[%get3A_828, %get3A_829] : memref<5120x160xf32, #tpu.memory_space<vmem>>, vector<160x160xf32>
    %add3A_831 = arith.addf %get3A_830, %get3A_7 : vector<160x160xf32>
    %ge3A_832 = arith.constant 9.950000e+01 : f32
    %ge3A_833 = vector.broadcast %ge3A_832 : f32 to vector<160x160xf32>
    %ge3A_834 = arith.cmpf oge, %add3A_831, %ge3A_833 : vector<160x160xf32>
    %jit3A_835 = arith.constant -6.000000e+02 : f32
    %jit3A_836 = arith.constant -3.000000e+02 : f32
    %broadcast_in_dim3A_837 = vector.broadcast %jit3A_835 : f32 to vector<160x160xf32>
    %broadcast_in_dim3A_838 = vector.broadcast %jit3A_836 : f32 to vector<160x160xf32>
    %select_n3A_839 = arith.select %ge3A_834, %broadcast_in_dim3A_837, %broadcast_in_dim3A_838 : vector<160x160xi1>, vector<160x160xf32>
    %slice3A_840 = vector.extract_strided_slice %convert_element_type3A {offsets = [0, 0], sizes = [1, 128], strides = [1, 1]} : vector<8x128xbf16> to vector<1x128xbf16>
    %mul3A_841 = vector.broadcast %slice3A_840 : vector<1x128xbf16> to vector<160x128xbf16>
    %mul3A_842 = arith.mulf %get3A_827, %mul3A_841 : vector<160x128xbf16>
    %dot_general3A_843 = arith.constant dense<0.000000e+00> : vector<160x160xf32>
    %dot_general3A_844 = tpu.matmul %mul3A_842, %get3A_827, %dot_general3A_843 {dimension_numbers = #tpu.dot_dimension_numbers<[1], [1], [0], [0], [0, 0, 1, 0], [], []>, transpose_lhs_hint = false} : vector<160x128xbf16>, vector<160x128xbf16>, vector<160x160xf32> -> vector<160x160xf32>
    %eq3A_845 = arith.constant 1.000000e+00 : f32
    %eq3A_846 = vector.broadcast %eq3A_845 : f32 to vector<160x160xf32>
    %eq3A_847 = arith.cmpf oeq, %add3A_831, %eq3A_846 : vector<160x160xf32>
    %select_n3A_848 = arith.select %eq3A_847, %dot_general3A_844, %select_n3A_839 : vector<160x160xi1>, vector<160x160xf32>
    %slice3A_849 = vector.extract_strided_slice %convert_element_type3A {offsets = [1, 0], sizes = [1, 128], strides = [1, 1]} : vector<8x128xbf16> to vector<1x128xbf16>
    %mul3A_850 = vector.broadcast %slice3A_849 : vector<1x128xbf16> to vector<160x128xbf16>
    %mul3A_851 = arith.mulf %get3A_827, %mul3A_850 : vector<160x128xbf16>
    %dot_general3A_852 = arith.constant dense<0.000000e+00> : vector<160x160xf32>
    %dot_general3A_853 = tpu.matmul %mul3A_851, %get3A_827, %dot_general3A_852 {dimension_numbers = #tpu.dot_dimension_numbers<[1], [1], [0], [0], [0, 0, 1, 0], [], []>, transpose_lhs_hint = false} : vector<160x128xbf16>, vector<160x128xbf16>, vector<160x160xf32> -> vector<160x160xf32>
    %eq3A_854 = arith.constant 2.000000e+00 : f32
    %eq3A_855 = vector.broadcast %eq3A_854 : f32 to vector<160x160xf32>
    %eq3A_856 = arith.cmpf oeq, %add3A_831, %eq3A_855 : vector<160x160xf32>
    %select_n3A_857 = arith.select %eq3A_856, %dot_general3A_853, %select_n3A_848 : vector<160x160xi1>, vector<160x160xf32>
    %slice3A_858 = vector.extract_strided_slice %convert_element_type3A {offsets = [2, 0], sizes = [1, 128], strides = [1, 1]} : vector<8x128xbf16> to vector<1x128xbf16>
    %mul3A_859 = vector.broadcast %slice3A_858 : vector<1x128xbf16> to vector<160x128xbf16>
    %mul3A_860 = arith.mulf %get3A_827, %mul3A_859 : vector<160x128xbf16>
    %dot_general3A_861 = arith.constant dense<0.000000e+00> : vector<160x160xf32>
    %dot_general3A_862 = tpu.matmul %mul3A_860, %get3A_827, %dot_general3A_861 {dimension_numbers = #tpu.dot_dimension_numbers<[1], [1], [0], [0], [0, 0, 1, 0], [], []>, transpose_lhs_hint = false} : vector<160x128xbf16>, vector<160x128xbf16>, vector<160x160xf32> -> vector<160x160xf32>
    %eq3A_863 = arith.constant 3.000000e+00 : f32
    %eq3A_864 = vector.broadcast %eq3A_863 : f32 to vector<160x160xf32>
    %eq3A_865 = arith.cmpf oeq, %add3A_831, %eq3A_864 : vector<160x160xf32>
    %select_n3A_866 = arith.select %eq3A_865, %dot_general3A_862, %select_n3A_857 : vector<160x160xi1>, vector<160x160xf32>
    %slice3A_867 = vector.extract_strided_slice %convert_element_type3A {offsets = [3, 0], sizes = [1, 128], strides = [1, 1]} : vector<8x128xbf16> to vector<1x128xbf16>
    %mul3A_868 = vector.broadcast %slice3A_867 : vector<1x128xbf16> to vector<160x128xbf16>
    %mul3A_869 = arith.mulf %get3A_827, %mul3A_868 : vector<160x128xbf16>
    %dot_general3A_870 = arith.constant dense<0.000000e+00> : vector<160x160xf32>
    %dot_general3A_871 = tpu.matmul %mul3A_869, %get3A_827, %dot_general3A_870 {dimension_numbers = #tpu.dot_dimension_numbers<[1], [1], [0], [0], [0, 0, 1, 0], [], []>, transpose_lhs_hint = false} : vector<160x128xbf16>, vector<160x128xbf16>, vector<160x160xf32> -> vector<160x160xf32>
    %eq3A_872 = arith.constant 4.000000e+00 : f32
    %eq3A_873 = vector.broadcast %eq3A_872 : f32 to vector<160x160xf32>
    %eq3A_874 = arith.cmpf oeq, %add3A_831, %eq3A_873 : vector<160x160xf32>
    %select_n3A_875 = arith.select %eq3A_874, %dot_general3A_871, %select_n3A_866 : vector<160x160xi1>, vector<160x160xf32>
    %ge3A_876 = arith.constant 0.000000e+00 : f32
    %ge3A_877 = vector.broadcast %ge3A_876 : f32 to vector<160x160xf32>
    %ge3A_878 = arith.cmpf oge, %select_n3A_875, %ge3A_877 : vector<160x160xf32>
    %mul3A_879 = arith.constant 2.000000e-01 : f32
    %mul3A_880 = vector.broadcast %mul3A_879 : f32 to vector<160x160xf32>
    %mul3A_881 = arith.mulf %mul3A_880, %select_n3A_875 : vector<160x160xf32>
    %select_n3A_882 = arith.select %ge3A_878, %select_n3A_875, %mul3A_881 : vector<160x160xi1>, vector<160x160xf32>
    %exp3A_883 = math.exp %select_n3A_882 : vector<160x160xf32>
    %reduce_sum3A_884 = arith.constant dense<0.000000e+00> : vector<160xf32>
    %reduce_sum3A_885 = vector.multi_reduction <add>, %exp3A_883, %reduce_sum3A_884 [1] : vector<160x160xf32> to vector<160xf32>
    %broadcast_in_dim3A_886 = vector.shape_cast %reduce_sum3A_885 : vector<160xf32> to vector<160x1xf32>
    %div3A_887 = vector.broadcast %broadcast_in_dim3A_886 : vector<160x1xf32> to vector<160x160xf32>
    %div3A_888 = arith.divf %exp3A_883, %div3A_887 : vector<160x160xf32>
    %convert_element_type3A_889 = arith.truncf %div3A_888 : vector<160x160xf32> to vector<160x160xbf16>
    %dot_general3A_890 = arith.constant dense<0.000000e+00> : vector<160x128xf32>
    %dot_general3A_891 = tpu.matmul %convert_element_type3A_889, %get3A_827, %dot_general3A_890 {dimension_numbers = #tpu.dot_dimension_numbers<[1], [0], [0], [1], [0, 0, 1, 1], [], []>, transpose_lhs_hint = false} : vector<160x160xbf16>, vector<160x128xbf16>, vector<160x128xf32> -> vector<160x128xf32>
    %reshape3A_892 = vector.shape_cast %dot_general3A_891 : vector<160x128xf32> to vector<8x20x128xf32>
    %transpose3A_893 = tpu.transpose %reshape3A_892, [1, 0, 2] : vector<8x20x128xf32> -> vector<20x8x128xf32>
    %swap3A_894 = arith.constant 0 : index
    %swap3A_895 = arith.index_cast %multiple_of3A_824 : i32 to index
    %swap3A_896 = arith.constant 0 : index
    %swap3A_897 = vector.load %arg6[%swap3A_894, %swap3A_895, %swap3A_896] : memref<20x256x128xf32, #tpu.memory_space<vmem>>, vector<20x8x128xf32>
    tpu.vector_store %arg6[%swap3A_894, %swap3A_895, %swap3A_896], %transpose3A_893 {strides = array<i32>} : memref<20x256x128xf32, #tpu.memory_space<vmem>>, vector<20x8x128xf32>,
    %scan3A_898 = arith.constant 11 : i32
    %mul3A_899 = arith.constant 160 : i32
    %mul3A_900 = arith.muli %scan3A_898, %mul3A_899 : i32
    %multiple_of3A_901 = tpu.assume_multiple %mul3A_900, 160 : i32
    %mul3A_902 = arith.constant 8 : i32
    %mul3A_903 = arith.muli %scan3A_898, %mul3A_902 : i32
    %multiple_of3A_904 = tpu.assume_multiple %mul3A_903, 8 : i32
    %get3A_905 = arith.index_cast %multiple_of3A_901 : i32 to index
    %get3A_906 = arith.constant 0 : index
    %get3A_907 = vector.load %arg7[%get3A_905, %get3A_906] : memref<5120x128xbf16, #tpu.memory_space<vmem>>, vector<160x128xbf16>
    %get3A_908 = arith.index_cast %multiple_of3A_901 : i32 to index
    %get3A_909 = arith.constant 0 : index
    %get3A_910 = vector.load %arg8[%get3A_908, %get3A_909] : memref<5120x160xf32, #tpu.memory_space<vmem>>, vector<160x160xf32>
    %add3A_911 = arith.addf %get3A_910, %get3A_7 : vector<160x160xf32>
    %ge3A_912 = arith.constant 9.950000e+01 : f32
    %ge3A_913 = vector.broadcast %ge3A_912 : f32 to vector<160x160xf32>
    %ge3A_914 = arith.cmpf oge, %add3A_911, %ge3A_913 : vector<160x160xf32>
    %jit3A_915 = arith.constant -6.000000e+02 : f32
    %jit3A_916 = arith.constant -3.000000e+02 : f32
    %broadcast_in_dim3A_917 = vector.broadcast %jit3A_915 : f32 to vector<160x160xf32>
    %broadcast_in_dim3A_918 = vector.broadcast %jit3A_916 : f32 to vector<160x160xf32>
    %select_n3A_919 = arith.select %ge3A_914, %broadcast_in_dim3A_917, %broadcast_in_dim3A_918 : vector<160x160xi1>, vector<160x160xf32>
    %slice3A_920 = vector.extract_strided_slice %convert_element_type3A {offsets = [0, 0], sizes = [1, 128], strides = [1, 1]} : vector<8x128xbf16> to vector<1x128xbf16>
    %mul3A_921 = vector.broadcast %slice3A_920 : vector<1x128xbf16> to vector<160x128xbf16>
    %mul3A_922 = arith.mulf %get3A_907, %mul3A_921 : vector<160x128xbf16>
    %dot_general3A_923 = arith.constant dense<0.000000e+00> : vector<160x160xf32>
    %dot_general3A_924 = tpu.matmul %mul3A_922, %get3A_907, %dot_general3A_923 {dimension_numbers = #tpu.dot_dimension_numbers<[1], [1], [0], [0], [0, 0, 1, 0], [], []>, transpose_lhs_hint = false} : vector<160x128xbf16>, vector<160x128xbf16>, vector<160x160xf32> -> vector<160x160xf32>
    %eq3A_925 = arith.constant 1.000000e+00 : f32
    %eq3A_926 = vector.broadcast %eq3A_925 : f32 to vector<160x160xf32>
    %eq3A_927 = arith.cmpf oeq, %add3A_911, %eq3A_926 : vector<160x160xf32>
    %select_n3A_928 = arith.select %eq3A_927, %dot_general3A_924, %select_n3A_919 : vector<160x160xi1>, vector<160x160xf32>
    %slice3A_929 = vector.extract_strided_slice %convert_element_type3A {offsets = [1, 0], sizes = [1, 128], strides = [1, 1]} : vector<8x128xbf16> to vector<1x128xbf16>
    %mul3A_930 = vector.broadcast %slice3A_929 : vector<1x128xbf16> to vector<160x128xbf16>
    %mul3A_931 = arith.mulf %get3A_907, %mul3A_930 : vector<160x128xbf16>
    %dot_general3A_932 = arith.constant dense<0.000000e+00> : vector<160x160xf32>
    %dot_general3A_933 = tpu.matmul %mul3A_931, %get3A_907, %dot_general3A_932 {dimension_numbers = #tpu.dot_dimension_numbers<[1], [1], [0], [0], [0, 0, 1, 0], [], []>, transpose_lhs_hint = false} : vector<160x128xbf16>, vector<160x128xbf16>, vector<160x160xf32> -> vector<160x160xf32>
    %eq3A_934 = arith.constant 2.000000e+00 : f32
    %eq3A_935 = vector.broadcast %eq3A_934 : f32 to vector<160x160xf32>
    %eq3A_936 = arith.cmpf oeq, %add3A_911, %eq3A_935 : vector<160x160xf32>
    %select_n3A_937 = arith.select %eq3A_936, %dot_general3A_933, %select_n3A_928 : vector<160x160xi1>, vector<160x160xf32>
    %slice3A_938 = vector.extract_strided_slice %convert_element_type3A {offsets = [2, 0], sizes = [1, 128], strides = [1, 1]} : vector<8x128xbf16> to vector<1x128xbf16>
    %mul3A_939 = vector.broadcast %slice3A_938 : vector<1x128xbf16> to vector<160x128xbf16>
    %mul3A_940 = arith.mulf %get3A_907, %mul3A_939 : vector<160x128xbf16>
    %dot_general3A_941 = arith.constant dense<0.000000e+00> : vector<160x160xf32>
    %dot_general3A_942 = tpu.matmul %mul3A_940, %get3A_907, %dot_general3A_941 {dimension_numbers = #tpu.dot_dimension_numbers<[1], [1], [0], [0], [0, 0, 1, 0], [], []>, transpose_lhs_hint = false} : vector<160x128xbf16>, vector<160x128xbf16>, vector<160x160xf32> -> vector<160x160xf32>
    %eq3A_943 = arith.constant 3.000000e+00 : f32
    %eq3A_944 = vector.broadcast %eq3A_943 : f32 to vector<160x160xf32>
    %eq3A_945 = arith.cmpf oeq, %add3A_911, %eq3A_944 : vector<160x160xf32>
    %select_n3A_946 = arith.select %eq3A_945, %dot_general3A_942, %select_n3A_937 : vector<160x160xi1>, vector<160x160xf32>
    %slice3A_947 = vector.extract_strided_slice %convert_element_type3A {offsets = [3, 0], sizes = [1, 128], strides = [1, 1]} : vector<8x128xbf16> to vector<1x128xbf16>
    %mul3A_948 = vector.broadcast %slice3A_947 : vector<1x128xbf16> to vector<160x128xbf16>
    %mul3A_949 = arith.mulf %get3A_907, %mul3A_948 : vector<160x128xbf16>
    %dot_general3A_950 = arith.constant dense<0.000000e+00> : vector<160x160xf32>
    %dot_general3A_951 = tpu.matmul %mul3A_949, %get3A_907, %dot_general3A_950 {dimension_numbers = #tpu.dot_dimension_numbers<[1], [1], [0], [0], [0, 0, 1, 0], [], []>, transpose_lhs_hint = false} : vector<160x128xbf16>, vector<160x128xbf16>, vector<160x160xf32> -> vector<160x160xf32>
    %eq3A_952 = arith.constant 4.000000e+00 : f32
    %eq3A_953 = vector.broadcast %eq3A_952 : f32 to vector<160x160xf32>
    %eq3A_954 = arith.cmpf oeq, %add3A_911, %eq3A_953 : vector<160x160xf32>
    %select_n3A_955 = arith.select %eq3A_954, %dot_general3A_951, %select_n3A_946 : vector<160x160xi1>, vector<160x160xf32>
    %ge3A_956 = arith.constant 0.000000e+00 : f32
    %ge3A_957 = vector.broadcast %ge3A_956 : f32 to vector<160x160xf32>
    %ge3A_958 = arith.cmpf oge, %select_n3A_955, %ge3A_957 : vector<160x160xf32>
    %mul3A_959 = arith.constant 2.000000e-01 : f32
    %mul3A_960 = vector.broadcast %mul3A_959 : f32 to vector<160x160xf32>
    %mul3A_961 = arith.mulf %mul3A_960, %select_n3A_955 : vector<160x160xf32>
    %select_n3A_962 = arith.select %ge3A_958, %select_n3A_955, %mul3A_961 : vector<160x160xi1>, vector<160x160xf32>
    %exp3A_963 = math.exp %select_n3A_962 : vector<160x160xf32>
    %reduce_sum3A_964 = arith.constant dense<0.000000e+00> : vector<160xf32>
    %reduce_sum3A_965 = vector.multi_reduction <add>, %exp3A_963, %reduce_sum3A_964 [1] : vector<160x160xf32> to vector<160xf32>
    %broadcast_in_dim3A_966 = vector.shape_cast %reduce_sum3A_965 : vector<160xf32> to vector<160x1xf32>
    %div3A_967 = vector.broadcast %broadcast_in_dim3A_966 : vector<160x1xf32> to vector<160x160xf32>
    %div3A_968 = arith.divf %exp3A_963, %div3A_967 : vector<160x160xf32>
    %convert_element_type3A_969 = arith.truncf %div3A_968 : vector<160x160xf32> to vector<160x160xbf16>
    %dot_general3A_970 = arith.constant dense<0.000000e+00> : vector<160x128xf32>
    %dot_general3A_971 = tpu.matmul %convert_element_type3A_969, %get3A_907, %dot_general3A_970 {dimension_numbers = #tpu.dot_dimension_numbers<[1], [0], [0], [1], [0, 0, 1, 1], [], []>, transpose_lhs_hint = false} : vector<160x160xbf16>, vector<160x128xbf16>, vector<160x128xf32> -> vector<160x128xf32>
    %reshape3A_972 = vector.shape_cast %dot_general3A_971 : vector<160x128xf32> to vector<8x20x128xf32>
    %transpose3A_973 = tpu.transpose %reshape3A_972, [1, 0, 2] : vector<8x20x128xf32> -> vector<20x8x128xf32>
    %swap3A_974 = arith.constant 0 : index
    %swap3A_975 = arith.index_cast %multiple_of3A_904 : i32 to index
    %swap3A_976 = arith.constant 0 : index
    %swap3A_977 = vector.load %arg6[%swap3A_974, %swap3A_975, %swap3A_976] : memref<20x256x128xf32, #tpu.memory_space<vmem>>, vector<20x8x128xf32>
    tpu.vector_store %arg6[%swap3A_974, %swap3A_975, %swap3A_976], %transpose3A_973 {strides = array<i32>} : memref<20x256x128xf32, #tpu.memory_space<vmem>>, vector<20x8x128xf32>,
    %scan3A_978 = arith.constant 12 : i32
    %mul3A_979 = arith.constant 160 : i32
    %mul3A_980 = arith.muli %scan3A_978, %mul3A_979 : i32
    %multiple_of3A_981 = tpu.assume_multiple %mul3A_980, 160 : i32
    %mul3A_982 = arith.constant 8 : i32
    %mul3A_983 = arith.muli %scan3A_978, %mul3A_982 : i32
    %multiple_of3A_984 = tpu.assume_multiple %mul3A_983, 8 : i32
    %get3A_985 = arith.index_cast %multiple_of3A_981 : i32 to index
    %get3A_986 = arith.constant 0 : index
    %get3A_987 = vector.load %arg7[%get3A_985, %get3A_986] : memref<5120x128xbf16, #tpu.memory_space<vmem>>, vector<160x128xbf16>
    %get3A_988 = arith.index_cast %multiple_of3A_981 : i32 to index
    %get3A_989 = arith.constant 0 : index
    %get3A_990 = vector.load %arg8[%get3A_988, %get3A_989] : memref<5120x160xf32, #tpu.memory_space<vmem>>, vector<160x160xf32>
    %add3A_991 = arith.addf %get3A_990, %get3A_7 : vector<160x160xf32>
    %ge3A_992 = arith.constant 9.950000e+01 : f32
    %ge3A_993 = vector.broadcast %ge3A_992 : f32 to vector<160x160xf32>
    %ge3A_994 = arith.cmpf oge, %add3A_991, %ge3A_993 : vector<160x160xf32>
    %jit3A_995 = arith.constant -6.000000e+02 : f32
    %jit3A_996 = arith.constant -3.000000e+02 : f32
    %broadcast_in_dim3A_997 = vector.broadcast %jit3A_995 : f32 to vector<160x160xf32>
    %broadcast_in_dim3A_998 = vector.broadcast %jit3A_996 : f32 to vector<160x160xf32>
    %select_n3A_999 = arith.select %ge3A_994, %broadcast_in_dim3A_997, %broadcast_in_dim3A_998 : vector<160x160xi1>, vector<160x160xf32>
    %slice3A_1000 = vector.extract_strided_slice %convert_element_type3A {offsets = [0, 0], sizes = [1, 128], strides = [1, 1]} : vector<8x128xbf16> to vector<1x128xbf16>
    %mul3A_1001 = vector.broadcast %slice3A_1000 : vector<1x128xbf16> to vector<160x128xbf16>
    %mul3A_1002 = arith.mulf %get3A_987, %mul3A_1001 : vector<160x128xbf16>
    %dot_general3A_1003 = arith.constant dense<0.000000e+00> : vector<160x160xf32>
    %dot_general3A_1004 = tpu.matmul %mul3A_1002, %get3A_987, %dot_general3A_1003 {dimension_numbers = #tpu.dot_dimension_numbers<[1], [1], [0], [0], [0, 0, 1, 0], [], []>, transpose_lhs_hint = false} : vector<160x128xbf16>, vector<160x128xbf16>, vector<160x160xf32> -> vector<160x160xf32>
    %eq3A_1005 = arith.constant 1.000000e+00 : f32
    %eq3A_1006 = vector.broadcast %eq3A_1005 : f32 to vector<160x160xf32>
    %eq3A_1007 = arith.cmpf oeq, %add3A_991, %eq3A_1006 : vector<160x160xf32>
    %select_n3A_1008 = arith.select %eq3A_1007, %dot_general3A_1004, %select_n3A_999 : vector<160x160xi1>, vector<160x160xf32>
    %slice3A_1009 = vector.extract_strided_slice %convert_element_type3A {offsets = [1, 0], sizes = [1, 128], strides = [1, 1]} : vector<8x128xbf16> to vector<1x128xbf16>
    %mul3A_1010 = vector.broadcast %slice3A_1009 : vector<1x128xbf16> to vector<160x128xbf16>
    %mul3A_1011 = arith.mulf %get3A_987, %mul3A_1010 : vector<160x128xbf16>
    %dot_general3A_1012 = arith.constant dense<0.000000e+00> : vector<160x160xf32>
    %dot_general3A_1013 = tpu.matmul %mul3A_1011, %get3A_987, %dot_general3A_1012 {dimension_numbers = #tpu.dot_dimension_numbers<[1], [1], [0], [0], [0, 0, 1, 0], [], []>, transpose_lhs_hint = false} : vector<160x128xbf16>, vector<160x128xbf16>, vector<160x160xf32> -> vector<160x160xf32>
    %eq3A_1014 = arith.constant 2.000000e+00 : f32
    %eq3A_1015 = vector.broadcast %eq3A_1014 : f32 to vector<160x160xf32>
    %eq3A_1016 = arith.cmpf oeq, %add3A_991, %eq3A_1015 : vector<160x160xf32>
    %select_n3A_1017 = arith.select %eq3A_1016, %dot_general3A_1013, %select_n3A_1008 : vector<160x160xi1>, vector<160x160xf32>
    %slice3A_1018 = vector.extract_strided_slice %convert_element_type3A {offsets = [2, 0], sizes = [1, 128], strides = [1, 1]} : vector<8x128xbf16> to vector<1x128xbf16>
    %mul3A_1019 = vector.broadcast %slice3A_1018 : vector<1x128xbf16> to vector<160x128xbf16>
    %mul3A_1020 = arith.mulf %get3A_987, %mul3A_1019 : vector<160x128xbf16>
    %dot_general3A_1021 = arith.constant dense<0.000000e+00> : vector<160x160xf32>
    %dot_general3A_1022 = tpu.matmul %mul3A_1020, %get3A_987, %dot_general3A_1021 {dimension_numbers = #tpu.dot_dimension_numbers<[1], [1], [0], [0], [0, 0, 1, 0], [], []>, transpose_lhs_hint = false} : vector<160x128xbf16>, vector<160x128xbf16>, vector<160x160xf32> -> vector<160x160xf32>
    %eq3A_1023 = arith.constant 3.000000e+00 : f32
    %eq3A_1024 = vector.broadcast %eq3A_1023 : f32 to vector<160x160xf32>
    %eq3A_1025 = arith.cmpf oeq, %add3A_991, %eq3A_1024 : vector<160x160xf32>
    %select_n3A_1026 = arith.select %eq3A_1025, %dot_general3A_1022, %select_n3A_1017 : vector<160x160xi1>, vector<160x160xf32>
    %slice3A_1027 = vector.extract_strided_slice %convert_element_type3A {offsets = [3, 0], sizes = [1, 128], strides = [1, 1]} : vector<8x128xbf16> to vector<1x128xbf16>
    %mul3A_1028 = vector.broadcast %slice3A_1027 : vector<1x128xbf16> to vector<160x128xbf16>
    %mul3A_1029 = arith.mulf %get3A_987, %mul3A_1028 : vector<160x128xbf16>
    %dot_general3A_1030 = arith.constant dense<0.000000e+00> : vector<160x160xf32>
    %dot_general3A_1031 = tpu.matmul %mul3A_1029, %get3A_987, %dot_general3A_1030 {dimension_numbers = #tpu.dot_dimension_numbers<[1], [1], [0], [0], [0, 0, 1, 0], [], []>, transpose_lhs_hint = false} : vector<160x128xbf16>, vector<160x128xbf16>, vector<160x160xf32> -> vector<160x160xf32>
    %eq3A_1032 = arith.constant 4.000000e+00 : f32
    %eq3A_1033 = vector.broadcast %eq3A_1032 : f32 to vector<160x160xf32>
    %eq3A_1034 = arith.cmpf oeq, %add3A_991, %eq3A_1033 : vector<160x160xf32>
    %select_n3A_1035 = arith.select %eq3A_1034, %dot_general3A_1031, %select_n3A_1026 : vector<160x160xi1>, vector<160x160xf32>
    %ge3A_1036 = arith.constant 0.000000e+00 : f32
    %ge3A_1037 = vector.broadcast %ge3A_1036 : f32 to vector<160x160xf32>
    %ge3A_1038 = arith.cmpf oge, %select_n3A_1035, %ge3A_1037 : vector<160x160xf32>
    %mul3A_1039 = arith.constant 2.000000e-01 : f32
    %mul3A_1040 = vector.broadcast %mul3A_1039 : f32 to vector<160x160xf32>
    %mul3A_1041 = arith.mulf %mul3A_1040, %select_n3A_1035 : vector<160x160xf32>
    %select_n3A_1042 = arith.select %ge3A_1038, %select_n3A_1035, %mul3A_1041 : vector<160x160xi1>, vector<160x160xf32>
    %exp3A_1043 = math.exp %select_n3A_1042 : vector<160x160xf32>
    %reduce_sum3A_1044 = arith.constant dense<0.000000e+00> : vector<160xf32>
    %reduce_sum3A_1045 = vector.multi_reduction <add>, %exp3A_1043, %reduce_sum3A_1044 [1] : vector<160x160xf32> to vector<160xf32>
    %broadcast_in_dim3A_1046 = vector.shape_cast %reduce_sum3A_1045 : vector<160xf32> to vector<160x1xf32>
    %div3A_1047 = vector.broadcast %broadcast_in_dim3A_1046 : vector<160x1xf32> to vector<160x160xf32>
    %div3A_1048 = arith.divf %exp3A_1043, %div3A_1047 : vector<160x160xf32>
    %convert_element_type3A_1049 = arith.truncf %div3A_1048 : vector<160x160xf32> to vector<160x160xbf16>
    %dot_general3A_1050 = arith.constant dense<0.000000e+00> : vector<160x128xf32>
    %dot_general3A_1051 = tpu.matmul %convert_element_type3A_1049, %get3A_987, %dot_general3A_1050 {dimension_numbers = #tpu.dot_dimension_numbers<[1], [0], [0], [1], [0, 0, 1, 1], [], []>, transpose_lhs_hint = false} : vector<160x160xbf16>, vector<160x128xbf16>, vector<160x128xf32> -> vector<160x128xf32>
    %reshape3A_1052 = vector.shape_cast %dot_general3A_1051 : vector<160x128xf32> to vector<8x20x128xf32>
    %transpose3A_1053 = tpu.transpose %reshape3A_1052, [1, 0, 2] : vector<8x20x128xf32> -> vector<20x8x128xf32>
    %swap3A_1054 = arith.constant 0 : index
    %swap3A_1055 = arith.index_cast %multiple_of3A_984 : i32 to index
    %swap3A_1056 = arith.constant 0 : index
    %swap3A_1057 = vector.load %arg6[%swap3A_1054, %swap3A_1055, %swap3A_1056] : memref<20x256x128xf32, #tpu.memory_space<vmem>>, vector<20x8x128xf32>
    tpu.vector_store %arg6[%swap3A_1054, %swap3A_1055, %swap3A_1056], %transpose3A_1053 {strides = array<i32>} : memref<20x256x128xf32, #tpu.memory_space<vmem>>, vector<20x8x128xf32>,
    %scan3A_1058 = arith.constant 13 : i32
    %mul3A_1059 = arith.constant 160 : i32
    %mul3A_1060 = arith.muli %scan3A_1058, %mul3A_1059 : i32
    %multiple_of3A_1061 = tpu.assume_multiple %mul3A_1060, 160 : i32
    %mul3A_1062 = arith.constant 8 : i32
    %mul3A_1063 = arith.muli %scan3A_1058, %mul3A_1062 : i32
    %multiple_of3A_1064 = tpu.assume_multiple %mul3A_1063, 8 : i32
    %get3A_1065 = arith.index_cast %multiple_of3A_1061 : i32 to index
    %get3A_1066 = arith.constant 0 : index
    %get3A_1067 = vector.load %arg7[%get3A_1065, %get3A_1066] : memref<5120x128xbf16, #tpu.memory_space<vmem>>, vector<160x128xbf16>
    %get3A_1068 = arith.index_cast %multiple_of3A_1061 : i32 to index
    %get3A_1069 = arith.constant 0 : index
    %get3A_1070 = vector.load %arg8[%get3A_1068, %get3A_1069] : memref<5120x160xf32, #tpu.memory_space<vmem>>, vector<160x160xf32>
    %add3A_1071 = arith.addf %get3A_1070, %get3A_7 : vector<160x160xf32>
    %ge3A_1072 = arith.constant 9.950000e+01 : f32
    %ge3A_1073 = vector.broadcast %ge3A_1072 : f32 to vector<160x160xf32>
    %ge3A_1074 = arith.cmpf oge, %add3A_1071, %ge3A_1073 : vector<160x160xf32>
    %jit3A_1075 = arith.constant -6.000000e+02 : f32
    %jit3A_1076 = arith.constant -3.000000e+02 : f32
    %broadcast_in_dim3A_1077 = vector.broadcast %jit3A_1075 : f32 to vector<160x160xf32>
    %broadcast_in_dim3A_1078 = vector.broadcast %jit3A_1076 : f32 to vector<160x160xf32>
    %select_n3A_1079 = arith.select %ge3A_1074, %broadcast_in_dim3A_1077, %broadcast_in_dim3A_1078 : vector<160x160xi1>, vector<160x160xf32>
    %slice3A_1080 = vector.extract_strided_slice %convert_element_type3A {offsets = [0, 0], sizes = [1, 128], strides = [1, 1]} : vector<8x128xbf16> to vector<1x128xbf16>
    %mul3A_1081 = vector.broadcast %slice3A_1080 : vector<1x128xbf16> to vector<160x128xbf16>
    %mul3A_1082 = arith.mulf %get3A_1067, %mul3A_1081 : vector<160x128xbf16>
    %dot_general3A_1083 = arith.constant dense<0.000000e+00> : vector<160x160xf32>
    %dot_general3A_1084 = tpu.matmul %mul3A_1082, %get3A_1067, %dot_general3A_1083 {dimension_numbers = #tpu.dot_dimension_numbers<[1], [1], [0], [0], [0, 0, 1, 0], [], []>, transpose_lhs_hint = false} : vector<160x128xbf16>, vector<160x128xbf16>, vector<160x160xf32> -> vector<160x160xf32>
    %eq3A_1085 = arith.constant 1.000000e+00 : f32
    %eq3A_1086 = vector.broadcast %eq3A_1085 : f32 to vector<160x160xf32>
    %eq3A_1087 = arith.cmpf oeq, %add3A_1071, %eq3A_1086 : vector<160x160xf32>
    %select_n3A_1088 = arith.select %eq3A_1087, %dot_general3A_1084, %select_n3A_1079 : vector<160x160xi1>, vector<160x160xf32>
    %slice3A_1089 = vector.extract_strided_slice %convert_element_type3A {offsets = [1, 0], sizes = [1, 128], strides = [1, 1]} : vector<8x128xbf16> to vector<1x128xbf16>
    %mul3A_1090 = vector.broadcast %slice3A_1089 : vector<1x128xbf16> to vector<160x128xbf16>
    %mul3A_1091 = arith.mulf %get3A_1067, %mul3A_1090 : vector<160x128xbf16>
    %dot_general3A_1092 = arith.constant dense<0.000000e+00> : vector<160x160xf32>
    %dot_general3A_1093 = tpu.matmul %mul3A_1091, %get3A_1067, %dot_general3A_1092 {dimension_numbers = #tpu.dot_dimension_numbers<[1], [1], [0], [0], [0, 0, 1, 0], [], []>, transpose_lhs_hint = false} : vector<160x128xbf16>, vector<160x128xbf16>, vector<160x160xf32> -> vector<160x160xf32>
    %eq3A_1094 = arith.constant 2.000000e+00 : f32
    %eq3A_1095 = vector.broadcast %eq3A_1094 : f32 to vector<160x160xf32>
    %eq3A_1096 = arith.cmpf oeq, %add3A_1071, %eq3A_1095 : vector<160x160xf32>
    %select_n3A_1097 = arith.select %eq3A_1096, %dot_general3A_1093, %select_n3A_1088 : vector<160x160xi1>, vector<160x160xf32>
    %slice3A_1098 = vector.extract_strided_slice %convert_element_type3A {offsets = [2, 0], sizes = [1, 128], strides = [1, 1]} : vector<8x128xbf16> to vector<1x128xbf16>
    %mul3A_1099 = vector.broadcast %slice3A_1098 : vector<1x128xbf16> to vector<160x128xbf16>
    %mul3A_1100 = arith.mulf %get3A_1067, %mul3A_1099 : vector<160x128xbf16>
    %dot_general3A_1101 = arith.constant dense<0.000000e+00> : vector<160x160xf32>
    %dot_general3A_1102 = tpu.matmul %mul3A_1100, %get3A_1067, %dot_general3A_1101 {dimension_numbers = #tpu.dot_dimension_numbers<[1], [1], [0], [0], [0, 0, 1, 0], [], []>, transpose_lhs_hint = false} : vector<160x128xbf16>, vector<160x128xbf16>, vector<160x160xf32> -> vector<160x160xf32>
    %eq3A_1103 = arith.constant 3.000000e+00 : f32
    %eq3A_1104 = vector.broadcast %eq3A_1103 : f32 to vector<160x160xf32>
    %eq3A_1105 = arith.cmpf oeq, %add3A_1071, %eq3A_1104 : vector<160x160xf32>
    %select_n3A_1106 = arith.select %eq3A_1105, %dot_general3A_1102, %select_n3A_1097 : vector<160x160xi1>, vector<160x160xf32>
    %slice3A_1107 = vector.extract_strided_slice %convert_element_type3A {offsets = [3, 0], sizes = [1, 128], strides = [1, 1]} : vector<8x128xbf16> to vector<1x128xbf16>
    %mul3A_1108 = vector.broadcast %slice3A_1107 : vector<1x128xbf16> to vector<160x128xbf16>
    %mul3A_1109 = arith.mulf %get3A_1067, %mul3A_1108 : vector<160x128xbf16>
    %dot_general3A_1110 = arith.constant dense<0.000000e+00> : vector<160x160xf32>
    %dot_general3A_1111 = tpu.matmul %mul3A_1109, %get3A_1067, %dot_general3A_1110 {dimension_numbers = #tpu.dot_dimension_numbers<[1], [1], [0], [0], [0, 0, 1, 0], [], []>, transpose_lhs_hint = false} : vector<160x128xbf16>, vector<160x128xbf16>, vector<160x160xf32> -> vector<160x160xf32>
    %eq3A_1112 = arith.constant 4.000000e+00 : f32
    %eq3A_1113 = vector.broadcast %eq3A_1112 : f32 to vector<160x160xf32>
    %eq3A_1114 = arith.cmpf oeq, %add3A_1071, %eq3A_1113 : vector<160x160xf32>
    %select_n3A_1115 = arith.select %eq3A_1114, %dot_general3A_1111, %select_n3A_1106 : vector<160x160xi1>, vector<160x160xf32>
    %ge3A_1116 = arith.constant 0.000000e+00 : f32
    %ge3A_1117 = vector.broadcast %ge3A_1116 : f32 to vector<160x160xf32>
    %ge3A_1118 = arith.cmpf oge, %select_n3A_1115, %ge3A_1117 : vector<160x160xf32>
    %mul3A_1119 = arith.constant 2.000000e-01 : f32
    %mul3A_1120 = vector.broadcast %mul3A_1119 : f32 to vector<160x160xf32>
    %mul3A_1121 = arith.mulf %mul3A_1120, %select_n3A_1115 : vector<160x160xf32>
    %select_n3A_1122 = arith.select %ge3A_1118, %select_n3A_1115, %mul3A_1121 : vector<160x160xi1>, vector<160x160xf32>
    %exp3A_1123 = math.exp %select_n3A_1122 : vector<160x160xf32>
    %reduce_sum3A_1124 = arith.constant dense<0.000000e+00> : vector<160xf32>
    %reduce_sum3A_1125 = vector.multi_reduction <add>, %exp3A_1123, %reduce_sum3A_1124 [1] : vector<160x160xf32> to vector<160xf32>
    %broadcast_in_dim3A_1126 = vector.shape_cast %reduce_sum3A_1125 : vector<160xf32> to vector<160x1xf32>
    %div3A_1127 = vector.broadcast %broadcast_in_dim3A_1126 : vector<160x1xf32> to vector<160x160xf32>
    %div3A_1128 = arith.divf %exp3A_1123, %div3A_1127 : vector<160x160xf32>
    %convert_element_type3A_1129 = arith.truncf %div3A_1128 : vector<160x160xf32> to vector<160x160xbf16>
    %dot_general3A_1130 = arith.constant dense<0.000000e+00> : vector<160x128xf32>
    %dot_general3A_1131 = tpu.matmul %convert_element_type3A_1129, %get3A_1067, %dot_general3A_1130 {dimension_numbers = #tpu.dot_dimension_numbers<[1], [0], [0], [1], [0, 0, 1, 1], [], []>, transpose_lhs_hint = false} : vector<160x160xbf16>, vector<160x128xbf16>, vector<160x128xf32> -> vector<160x128xf32>
    %reshape3A_1132 = vector.shape_cast %dot_general3A_1131 : vector<160x128xf32> to vector<8x20x128xf32>
    %transpose3A_1133 = tpu.transpose %reshape3A_1132, [1, 0, 2] : vector<8x20x128xf32> -> vector<20x8x128xf32>
    %swap3A_1134 = arith.constant 0 : index
    %swap3A_1135 = arith.index_cast %multiple_of3A_1064 : i32 to index
    %swap3A_1136 = arith.constant 0 : index
    %swap3A_1137 = vector.load %arg6[%swap3A_1134, %swap3A_1135, %swap3A_1136] : memref<20x256x128xf32, #tpu.memory_space<vmem>>, vector<20x8x128xf32>
    tpu.vector_store %arg6[%swap3A_1134, %swap3A_1135, %swap3A_1136], %transpose3A_1133 {strides = array<i32>} : memref<20x256x128xf32, #tpu.memory_space<vmem>>, vector<20x8x128xf32>,
    %scan3A_1138 = arith.constant 14 : i32
    %mul3A_1139 = arith.constant 160 : i32
    %mul3A_1140 = arith.muli %scan3A_1138, %mul3A_1139 : i32
    %multiple_of3A_1141 = tpu.assume_multiple %mul3A_1140, 160 : i32
    %mul3A_1142 = arith.constant 8 : i32
    %mul3A_1143 = arith.muli %scan3A_1138, %mul3A_1142 : i32
    %multiple_of3A_1144 = tpu.assume_multiple %mul3A_1143, 8 : i32
    %get3A_1145 = arith.index_cast %multiple_of3A_1141 : i32 to index
    %get3A_1146 = arith.constant 0 : index
    %get3A_1147 = vector.load %arg7[%get3A_1145, %get3A_1146] : memref<5120x128xbf16, #tpu.memory_space<vmem>>, vector<160x128xbf16>
    %get3A_1148 = arith.index_cast %multiple_of3A_1141 : i32 to index
    %get3A_1149 = arith.constant 0 : index
    %get3A_1150 = vector.load %arg8[%get3A_1148, %get3A_1149] : memref<5120x160xf32, #tpu.memory_space<vmem>>, vector<160x160xf32>
    %add3A_1151 = arith.addf %get3A_1150, %get3A_7 : vector<160x160xf32>
    %ge3A_1152 = arith.constant 9.950000e+01 : f32
    %ge3A_1153 = vector.broadcast %ge3A_1152 : f32 to vector<160x160xf32>
    %ge3A_1154 = arith.cmpf oge, %add3A_1151, %ge3A_1153 : vector<160x160xf32>
    %jit3A_1155 = arith.constant -6.000000e+02 : f32
    %jit3A_1156 = arith.constant -3.000000e+02 : f32
    %broadcast_in_dim3A_1157 = vector.broadcast %jit3A_1155 : f32 to vector<160x160xf32>
    %broadcast_in_dim3A_1158 = vector.broadcast %jit3A_1156 : f32 to vector<160x160xf32>
    %select_n3A_1159 = arith.select %ge3A_1154, %broadcast_in_dim3A_1157, %broadcast_in_dim3A_1158 : vector<160x160xi1>, vector<160x160xf32>
    %slice3A_1160 = vector.extract_strided_slice %convert_element_type3A {offsets = [0, 0], sizes = [1, 128], strides = [1, 1]} : vector<8x128xbf16> to vector<1x128xbf16>
    %mul3A_1161 = vector.broadcast %slice3A_1160 : vector<1x128xbf16> to vector<160x128xbf16>
    %mul3A_1162 = arith.mulf %get3A_1147, %mul3A_1161 : vector<160x128xbf16>
    %dot_general3A_1163 = arith.constant dense<0.000000e+00> : vector<160x160xf32>
    %dot_general3A_1164 = tpu.matmul %mul3A_1162, %get3A_1147, %dot_general3A_1163 {dimension_numbers = #tpu.dot_dimension_numbers<[1], [1], [0], [0], [0, 0, 1, 0], [], []>, transpose_lhs_hint = false} : vector<160x128xbf16>, vector<160x128xbf16>, vector<160x160xf32> -> vector<160x160xf32>
    %eq3A_1165 = arith.constant 1.000000e+00 : f32
    %eq3A_1166 = vector.broadcast %eq3A_1165 : f32 to vector<160x160xf32>
    %eq3A_1167 = arith.cmpf oeq, %add3A_1151, %eq3A_1166 : vector<160x160xf32>
    %select_n3A_1168 = arith.select %eq3A_1167, %dot_general3A_1164, %select_n3A_1159 : vector<160x160xi1>, vector<160x160xf32>
    %slice3A_1169 = vector.extract_strided_slice %convert_element_type3A {offsets = [1, 0], sizes = [1, 128], strides = [1, 1]} : vector<8x128xbf16> to vector<1x128xbf16>
    %mul3A_1170 = vector.broadcast %slice3A_1169 : vector<1x128xbf16> to vector<160x128xbf16>
    %mul3A_1171 = arith.mulf %get3A_1147, %mul3A_1170 : vector<160x128xbf16>
    %dot_general3A_1172 = arith.constant dense<0.000000e+00> : vector<160x160xf32>
    %dot_general3A_1173 = tpu.matmul %mul3A_1171, %get3A_1147, %dot_general3A_1172 {dimension_numbers = #tpu.dot_dimension_numbers<[1], [1], [0], [0], [0, 0, 1, 0], [], []>, transpose_lhs_hint = false} : vector<160x128xbf16>, vector<160x128xbf16>, vector<160x160xf32> -> vector<160x160xf32>
    %eq3A_1174 = arith.constant 2.000000e+00 : f32
    %eq3A_1175 = vector.broadcast %eq3A_1174 : f32 to vector<160x160xf32>
    %eq3A_1176 = arith.cmpf oeq, %add3A_1151, %eq3A_1175 : vector<160x160xf32>
    %select_n3A_1177 = arith.select %eq3A_1176, %dot_general3A_1173, %select_n3A_1168 : vector<160x160xi1>, vector<160x160xf32>
    %slice3A_1178 = vector.extract_strided_slice %convert_element_type3A {offsets = [2, 0], sizes = [1, 128], strides = [1, 1]} : vector<8x128xbf16> to vector<1x128xbf16>
    %mul3A_1179 = vector.broadcast %slice3A_1178 : vector<1x128xbf16> to vector<160x128xbf16>
    %mul3A_1180 = arith.mulf %get3A_1147, %mul3A_1179 : vector<160x128xbf16>
    %dot_general3A_1181 = arith.constant dense<0.000000e+00> : vector<160x160xf32>
    %dot_general3A_1182 = tpu.matmul %mul3A_1180, %get3A_1147, %dot_general3A_1181 {dimension_numbers = #tpu.dot_dimension_numbers<[1], [1], [0], [0], [0, 0, 1, 0], [], []>, transpose_lhs_hint = false} : vector<160x128xbf16>, vector<160x128xbf16>, vector<160x160xf32> -> vector<160x160xf32>
    %eq3A_1183 = arith.constant 3.000000e+00 : f32
    %eq3A_1184 = vector.broadcast %eq3A_1183 : f32 to vector<160x160xf32>
    %eq3A_1185 = arith.cmpf oeq, %add3A_1151, %eq3A_1184 : vector<160x160xf32>
    %select_n3A_1186 = arith.select %eq3A_1185, %dot_general3A_1182, %select_n3A_1177 : vector<160x160xi1>, vector<160x160xf32>
    %slice3A_1187 = vector.extract_strided_slice %convert_element_type3A {offsets = [3, 0], sizes = [1, 128], strides = [1, 1]} : vector<8x128xbf16> to vector<1x128xbf16>
    %mul3A_1188 = vector.broadcast %slice3A_1187 : vector<1x128xbf16> to vector<160x128xbf16>
    %mul3A_1189 = arith.mulf %get3A_1147, %mul3A_1188 : vector<160x128xbf16>
    %dot_general3A_1190 = arith.constant dense<0.000000e+00> : vector<160x160xf32>
    %dot_general3A_1191 = tpu.matmul %mul3A_1189, %get3A_1147, %dot_general3A_1190 {dimension_numbers = #tpu.dot_dimension_numbers<[1], [1], [0], [0], [0, 0, 1, 0], [], []>, transpose_lhs_hint = false} : vector<160x128xbf16>, vector<160x128xbf16>, vector<160x160xf32> -> vector<160x160xf32>
    %eq3A_1192 = arith.constant 4.000000e+00 : f32
    %eq3A_1193 = vector.broadcast %eq3A_1192 : f32 to vector<160x160xf32>
    %eq3A_1194 = arith.cmpf oeq, %add3A_1151, %eq3A_1193 : vector<160x160xf32>
    %select_n3A_1195 = arith.select %eq3A_1194, %dot_general3A_1191, %select_n3A_1186 : vector<160x160xi1>, vector<160x160xf32>
    %ge3A_1196 = arith.constant 0.000000e+00 : f32
    %ge3A_1197 = vector.broadcast %ge3A_1196 : f32 to vector<160x160xf32>
    %ge3A_1198 = arith.cmpf oge, %select_n3A_1195, %ge3A_1197 : vector<160x160xf32>
    %mul3A_1199 = arith.constant 2.000000e-01 : f32
    %mul3A_1200 = vector.broadcast %mul3A_1199 : f32 to vector<160x160xf32>
    %mul3A_1201 = arith.mulf %mul3A_1200, %select_n3A_1195 : vector<160x160xf32>
    %select_n3A_1202 = arith.select %ge3A_1198, %select_n3A_1195, %mul3A_1201 : vector<160x160xi1>, vector<160x160xf32>
    %exp3A_1203 = math.exp %select_n3A_1202 : vector<160x160xf32>
    %reduce_sum3A_1204 = arith.constant dense<0.000000e+00> : vector<160xf32>
    %reduce_sum3A_1205 = vector.multi_reduction <add>, %exp3A_1203, %reduce_sum3A_1204 [1] : vector<160x160xf32> to vector<160xf32>
    %broadcast_in_dim3A_1206 = vector.shape_cast %reduce_sum3A_1205 : vector<160xf32> to vector<160x1xf32>
    %div3A_1207 = vector.broadcast %broadcast_in_dim3A_1206 : vector<160x1xf32> to vector<160x160xf32>
    %div3A_1208 = arith.divf %exp3A_1203, %div3A_1207 : vector<160x160xf32>
    %convert_element_type3A_1209 = arith.truncf %div3A_1208 : vector<160x160xf32> to vector<160x160xbf16>
    %dot_general3A_1210 = arith.constant dense<0.000000e+00> : vector<160x128xf32>
    %dot_general3A_1211 = tpu.matmul %convert_element_type3A_1209, %get3A_1147, %dot_general3A_1210 {dimension_numbers = #tpu.dot_dimension_numbers<[1], [0], [0], [1], [0, 0, 1, 1], [], []>, transpose_lhs_hint = false} : vector<160x160xbf16>, vector<160x128xbf16>, vector<160x128xf32> -> vector<160x128xf32>
    %reshape3A_1212 = vector.shape_cast %dot_general3A_1211 : vector<160x128xf32> to vector<8x20x128xf32>
    %transpose3A_1213 = tpu.transpose %reshape3A_1212, [1, 0, 2] : vector<8x20x128xf32> -> vector<20x8x128xf32>
    %swap3A_1214 = arith.constant 0 : index
    %swap3A_1215 = arith.index_cast %multiple_of3A_1144 : i32 to index
    %swap3A_1216 = arith.constant 0 : index
    %swap3A_1217 = vector.load %arg6[%swap3A_1214, %swap3A_1215, %swap3A_1216] : memref<20x256x128xf32, #tpu.memory_space<vmem>>, vector<20x8x128xf32>
    tpu.vector_store %arg6[%swap3A_1214, %swap3A_1215, %swap3A_1216], %transpose3A_1213 {strides = array<i32>} : memref<20x256x128xf32, #tpu.memory_space<vmem>>, vector<20x8x128xf32>,
    %scan3A_1218 = arith.constant 15 : i32
    %mul3A_1219 = arith.constant 160 : i32
    %mul3A_1220 = arith.muli %scan3A_1218, %mul3A_1219 : i32
    %multiple_of3A_1221 = tpu.assume_multiple %mul3A_1220, 160 : i32
    %mul3A_1222 = arith.constant 8 : i32
    %mul3A_1223 = arith.muli %scan3A_1218, %mul3A_1222 : i32
    %multiple_of3A_1224 = tpu.assume_multiple %mul3A_1223, 8 : i32
    %get3A_1225 = arith.index_cast %multiple_of3A_1221 : i32 to index
    %get3A_1226 = arith.constant 0 : index
    %get3A_1227 = vector.load %arg7[%get3A_1225, %get3A_1226] : memref<5120x128xbf16, #tpu.memory_space<vmem>>, vector<160x128xbf16>
    %get3A_1228 = arith.index_cast %multiple_of3A_1221 : i32 to index
    %get3A_1229 = arith.constant 0 : index
    %get3A_1230 = vector.load %arg8[%get3A_1228, %get3A_1229] : memref<5120x160xf32, #tpu.memory_space<vmem>>, vector<160x160xf32>
    %add3A_1231 = arith.addf %get3A_1230, %get3A_7 : vector<160x160xf32>
    %ge3A_1232 = arith.constant 9.950000e+01 : f32
    %ge3A_1233 = vector.broadcast %ge3A_1232 : f32 to vector<160x160xf32>
    %ge3A_1234 = arith.cmpf oge, %add3A_1231, %ge3A_1233 : vector<160x160xf32>
    %jit3A_1235 = arith.constant -6.000000e+02 : f32
    %jit3A_1236 = arith.constant -3.000000e+02 : f32
    %broadcast_in_dim3A_1237 = vector.broadcast %jit3A_1235 : f32 to vector<160x160xf32>
    %broadcast_in_dim3A_1238 = vector.broadcast %jit3A_1236 : f32 to vector<160x160xf32>
    %select_n3A_1239 = arith.select %ge3A_1234, %broadcast_in_dim3A_1237, %broadcast_in_dim3A_1238 : vector<160x160xi1>, vector<160x160xf32>
    %slice3A_1240 = vector.extract_strided_slice %convert_element_type3A {offsets = [0, 0], sizes = [1, 128], strides = [1, 1]} : vector<8x128xbf16> to vector<1x128xbf16>
    %mul3A_1241 = vector.broadcast %slice3A_1240 : vector<1x128xbf16> to vector<160x128xbf16>
    %mul3A_1242 = arith.mulf %get3A_1227, %mul3A_1241 : vector<160x128xbf16>
    %dot_general3A_1243 = arith.constant dense<0.000000e+00> : vector<160x160xf32>
    %dot_general3A_1244 = tpu.matmul %mul3A_1242, %get3A_1227, %dot_general3A_1243 {dimension_numbers = #tpu.dot_dimension_numbers<[1], [1], [0], [0], [0, 0, 1, 0], [], []>, transpose_lhs_hint = false} : vector<160x128xbf16>, vector<160x128xbf16>, vector<160x160xf32> -> vector<160x160xf32>
    %eq3A_1245 = arith.constant 1.000000e+00 : f32
    %eq3A_1246 = vector.broadcast %eq3A_1245 : f32 to vector<160x160xf32>
    %eq3A_1247 = arith.cmpf oeq, %add3A_1231, %eq3A_1246 : vector<160x160xf32>
    %select_n3A_1248 = arith.select %eq3A_1247, %dot_general3A_1244, %select_n3A_1239 : vector<160x160xi1>, vector<160x160xf32>
    %slice3A_1249 = vector.extract_strided_slice %convert_element_type3A {offsets = [1, 0], sizes = [1, 128], strides = [1, 1]} : vector<8x128xbf16> to vector<1x128xbf16>
    %mul3A_1250 = vector.broadcast %slice3A_1249 : vector<1x128xbf16> to vector<160x128xbf16>
    %mul3A_1251 = arith.mulf %get3A_1227, %mul3A_1250 : vector<160x128xbf16>
    %dot_general3A_1252 = arith.constant dense<0.000000e+00> : vector<160x160xf32>
    %dot_general3A_1253 = tpu.matmul %mul3A_1251, %get3A_1227, %dot_general3A_1252 {dimension_numbers = #tpu.dot_dimension_numbers<[1], [1], [0], [0], [0, 0, 1, 0], [], []>, transpose_lhs_hint = false} : vector<160x128xbf16>, vector<160x128xbf16>, vector<160x160xf32> -> vector<160x160xf32>
    %eq3A_1254 = arith.constant 2.000000e+00 : f32
    %eq3A_1255 = vector.broadcast %eq3A_1254 : f32 to vector<160x160xf32>
    %eq3A_1256 = arith.cmpf oeq, %add3A_1231, %eq3A_1255 : vector<160x160xf32>
    %select_n3A_1257 = arith.select %eq3A_1256, %dot_general3A_1253, %select_n3A_1248 : vector<160x160xi1>, vector<160x160xf32>
    %slice3A_1258 = vector.extract_strided_slice %convert_element_type3A {offsets = [2, 0], sizes = [1, 128], strides = [1, 1]} : vector<8x128xbf16> to vector<1x128xbf16>
    %mul3A_1259 = vector.broadcast %slice3A_1258 : vector<1x128xbf16> to vector<160x128xbf16>
    %mul3A_1260 = arith.mulf %get3A_1227, %mul3A_1259 : vector<160x128xbf16>
    %dot_general3A_1261 = arith.constant dense<0.000000e+00> : vector<160x160xf32>
    %dot_general3A_1262 = tpu.matmul %mul3A_1260, %get3A_1227, %dot_general3A_1261 {dimension_numbers = #tpu.dot_dimension_numbers<[1], [1], [0], [0], [0, 0, 1, 0], [], []>, transpose_lhs_hint = false} : vector<160x128xbf16>, vector<160x128xbf16>, vector<160x160xf32> -> vector<160x160xf32>
    %eq3A_1263 = arith.constant 3.000000e+00 : f32
    %eq3A_1264 = vector.broadcast %eq3A_1263 : f32 to vector<160x160xf32>
    %eq3A_1265 = arith.cmpf oeq, %add3A_1231, %eq3A_1264 : vector<160x160xf32>
    %select_n3A_1266 = arith.select %eq3A_1265, %dot_general3A_1262, %select_n3A_1257 : vector<160x160xi1>, vector<160x160xf32>
    %slice3A_1267 = vector.extract_strided_slice %convert_element_type3A {offsets = [3, 0], sizes = [1, 128], strides = [1, 1]} : vector<8x128xbf16> to vector<1x128xbf16>
    %mul3A_1268 = vector.broadcast %slice3A_1267 : vector<1x128xbf16> to vector<160x128xbf16>
    %mul3A_1269 = arith.mulf %get3A_1227, %mul3A_1268 : vector<160x128xbf16>
    %dot_general3A_1270 = arith.constant dense<0.000000e+00> : vector<160x160xf32>
    %dot_general3A_1271 = tpu.matmul %mul3A_1269, %get3A_1227, %dot_general3A_1270 {dimension_numbers = #tpu.dot_dimension_numbers<[1], [1], [0], [0], [0, 0, 1, 0], [], []>, transpose_lhs_hint = false} : vector<160x128xbf16>, vector<160x128xbf16>, vector<160x160xf32> -> vector<160x160xf32>
    %eq3A_1272 = arith.constant 4.000000e+00 : f32
    %eq3A_1273 = vector.broadcast %eq3A_1272 : f32 to vector<160x160xf32>
    %eq3A_1274 = arith.cmpf oeq, %add3A_1231, %eq3A_1273 : vector<160x160xf32>
    %select_n3A_1275 = arith.select %eq3A_1274, %dot_general3A_1271, %select_n3A_1266 : vector<160x160xi1>, vector<160x160xf32>
    %ge3A_1276 = arith.constant 0.000000e+00 : f32
    %ge3A_1277 = vector.broadcast %ge3A_1276 : f32 to vector<160x160xf32>
    %ge3A_1278 = arith.cmpf oge, %select_n3A_1275, %ge3A_1277 : vector<160x160xf32>
    %mul3A_1279 = arith.constant 2.000000e-01 : f32
    %mul3A_1280 = vector.broadcast %mul3A_1279 : f32 to vector<160x160xf32>
    %mul3A_1281 = arith.mulf %mul3A_1280, %select_n3A_1275 : vector<160x160xf32>
    %select_n3A_1282 = arith.select %ge3A_1278, %select_n3A_1275, %mul3A_1281 : vector<160x160xi1>, vector<160x160xf32>
    %exp3A_1283 = math.exp %select_n3A_1282 : vector<160x160xf32>
    %reduce_sum3A_1284 = arith.constant dense<0.000000e+00> : vector<160xf32>
    %reduce_sum3A_1285 = vector.multi_reduction <add>, %exp3A_1283, %reduce_sum3A_1284 [1] : vector<160x160xf32> to vector<160xf32>
    %broadcast_in_dim3A_1286 = vector.shape_cast %reduce_sum3A_1285 : vector<160xf32> to vector<160x1xf32>
    %div3A_1287 = vector.broadcast %broadcast_in_dim3A_1286 : vector<160x1xf32> to vector<160x160xf32>
    %div3A_1288 = arith.divf %exp3A_1283, %div3A_1287 : vector<160x160xf32>
    %convert_element_type3A_1289 = arith.truncf %div3A_1288 : vector<160x160xf32> to vector<160x160xbf16>
    %dot_general3A_1290 = arith.constant dense<0.000000e+00> : vector<160x128xf32>
    %dot_general3A_1291 = tpu.matmul %convert_element_type3A_1289, %get3A_1227, %dot_general3A_1290 {dimension_numbers = #tpu.dot_dimension_numbers<[1], [0], [0], [1], [0, 0, 1, 1], [], []>, transpose_lhs_hint = false} : vector<160x160xbf16>, vector<160x128xbf16>, vector<160x128xf32> -> vector<160x128xf32>
    %reshape3A_1292 = vector.shape_cast %dot_general3A_1291 : vector<160x128xf32> to vector<8x20x128xf32>
    %transpose3A_1293 = tpu.transpose %reshape3A_1292, [1, 0, 2] : vector<8x20x128xf32> -> vector<20x8x128xf32>
    %swap3A_1294 = arith.constant 0 : index
    %swap3A_1295 = arith.index_cast %multiple_of3A_1224 : i32 to index
    %swap3A_1296 = arith.constant 0 : index
    %swap3A_1297 = vector.load %arg6[%swap3A_1294, %swap3A_1295, %swap3A_1296] : memref<20x256x128xf32, #tpu.memory_space<vmem>>, vector<20x8x128xf32>
    tpu.vector_store %arg6[%swap3A_1294, %swap3A_1295, %swap3A_1296], %transpose3A_1293 {strides = array<i32>} : memref<20x256x128xf32, #tpu.memory_space<vmem>>, vector<20x8x128xf32>,
    %scan3A_1298 = arith.constant 16 : i32
    %mul3A_1299 = arith.constant 160 : i32
    %mul3A_1300 = arith.muli %scan3A_1298, %mul3A_1299 : i32
    %multiple_of3A_1301 = tpu.assume_multiple %mul3A_1300, 160 : i32
    %mul3A_1302 = arith.constant 8 : i32
    %mul3A_1303 = arith.muli %scan3A_1298, %mul3A_1302 : i32
    %multiple_of3A_1304 = tpu.assume_multiple %mul3A_1303, 8 : i32
    %get3A_1305 = arith.index_cast %multiple_of3A_1301 : i32 to index
    %get3A_1306 = arith.constant 0 : index
    %get3A_1307 = vector.load %arg7[%get3A_1305, %get3A_1306] : memref<5120x128xbf16, #tpu.memory_space<vmem>>, vector<160x128xbf16>
    %get3A_1308 = arith.index_cast %multiple_of3A_1301 : i32 to index
    %get3A_1309 = arith.constant 0 : index
    %get3A_1310 = vector.load %arg8[%get3A_1308, %get3A_1309] : memref<5120x160xf32, #tpu.memory_space<vmem>>, vector<160x160xf32>
    %add3A_1311 = arith.addf %get3A_1310, %get3A_7 : vector<160x160xf32>
    %ge3A_1312 = arith.constant 9.950000e+01 : f32
    %ge3A_1313 = vector.broadcast %ge3A_1312 : f32 to vector<160x160xf32>
    %ge3A_1314 = arith.cmpf oge, %add3A_1311, %ge3A_1313 : vector<160x160xf32>
    %jit3A_1315 = arith.constant -6.000000e+02 : f32
    %jit3A_1316 = arith.constant -3.000000e+02 : f32
    %broadcast_in_dim3A_1317 = vector.broadcast %jit3A_1315 : f32 to vector<160x160xf32>
    %broadcast_in_dim3A_1318 = vector.broadcast %jit3A_1316 : f32 to vector<160x160xf32>
    %select_n3A_1319 = arith.select %ge3A_1314, %broadcast_in_dim3A_1317, %broadcast_in_dim3A_1318 : vector<160x160xi1>, vector<160x160xf32>
    %slice3A_1320 = vector.extract_strided_slice %convert_element_type3A {offsets = [0, 0], sizes = [1, 128], strides = [1, 1]} : vector<8x128xbf16> to vector<1x128xbf16>
    %mul3A_1321 = vector.broadcast %slice3A_1320 : vector<1x128xbf16> to vector<160x128xbf16>
    %mul3A_1322 = arith.mulf %get3A_1307, %mul3A_1321 : vector<160x128xbf16>
    %dot_general3A_1323 = arith.constant dense<0.000000e+00> : vector<160x160xf32>
    %dot_general3A_1324 = tpu.matmul %mul3A_1322, %get3A_1307, %dot_general3A_1323 {dimension_numbers = #tpu.dot_dimension_numbers<[1], [1], [0], [0], [0, 0, 1, 0], [], []>, transpose_lhs_hint = false} : vector<160x128xbf16>, vector<160x128xbf16>, vector<160x160xf32> -> vector<160x160xf32>
    %eq3A_1325 = arith.constant 1.000000e+00 : f32
    %eq3A_1326 = vector.broadcast %eq3A_1325 : f32 to vector<160x160xf32>
    %eq3A_1327 = arith.cmpf oeq, %add3A_1311, %eq3A_1326 : vector<160x160xf32>
    %select_n3A_1328 = arith.select %eq3A_1327, %dot_general3A_1324, %select_n3A_1319 : vector<160x160xi1>, vector<160x160xf32>
    %slice3A_1329 = vector.extract_strided_slice %convert_element_type3A {offsets = [1, 0], sizes = [1, 128], strides = [1, 1]} : vector<8x128xbf16> to vector<1x128xbf16>
    %mul3A_1330 = vector.broadcast %slice3A_1329 : vector<1x128xbf16> to vector<160x128xbf16>
    %mul3A_1331 = arith.mulf %get3A_1307, %mul3A_1330 : vector<160x128xbf16>
    %dot_general3A_1332 = arith.constant dense<0.000000e+00> : vector<160x160xf32>
    %dot_general3A_1333 = tpu.matmul %mul3A_1331, %get3A_1307, %dot_general3A_1332 {dimension_numbers = #tpu.dot_dimension_numbers<[1], [1], [0], [0], [0, 0, 1, 0], [], []>, transpose_lhs_hint = false} : vector<160x128xbf16>, vector<160x128xbf16>, vector<160x160xf32> -> vector<160x160xf32>
    %eq3A_1334 = arith.constant 2.000000e+00 : f32
    %eq3A_1335 = vector.broadcast %eq3A_1334 : f32 to vector<160x160xf32>
    %eq3A_1336 = arith.cmpf oeq, %add3A_1311, %eq3A_1335 : vector<160x160xf32>
    %select_n3A_1337 = arith.select %eq3A_1336, %dot_general3A_1333, %select_n3A_1328 : vector<160x160xi1>, vector<160x160xf32>
    %slice3A_1338 = vector.extract_strided_slice %convert_element_type3A {offsets = [2, 0], sizes = [1, 128], strides = [1, 1]} : vector<8x128xbf16> to vector<1x128xbf16>
    %mul3A_1339 = vector.broadcast %slice3A_1338 : vector<1x128xbf16> to vector<160x128xbf16>
    %mul3A_1340 = arith.mulf %get3A_1307, %mul3A_1339 : vector<160x128xbf16>
    %dot_general3A_1341 = arith.constant dense<0.000000e+00> : vector<160x160xf32>
    %dot_general3A_1342 = tpu.matmul %mul3A_1340, %get3A_1307, %dot_general3A_1341 {dimension_numbers = #tpu.dot_dimension_numbers<[1], [1], [0], [0], [0, 0, 1, 0], [], []>, transpose_lhs_hint = false} : vector<160x128xbf16>, vector<160x128xbf16>, vector<160x160xf32> -> vector<160x160xf32>
    %eq3A_1343 = arith.constant 3.000000e+00 : f32
    %eq3A_1344 = vector.broadcast %eq3A_1343 : f32 to vector<160x160xf32>
    %eq3A_1345 = arith.cmpf oeq, %add3A_1311, %eq3A_1344 : vector<160x160xf32>
    %select_n3A_1346 = arith.select %eq3A_1345, %dot_general3A_1342, %select_n3A_1337 : vector<160x160xi1>, vector<160x160xf32>
    %slice3A_1347 = vector.extract_strided_slice %convert_element_type3A {offsets = [3, 0], sizes = [1, 128], strides = [1, 1]} : vector<8x128xbf16> to vector<1x128xbf16>
    %mul3A_1348 = vector.broadcast %slice3A_1347 : vector<1x128xbf16> to vector<160x128xbf16>
    %mul3A_1349 = arith.mulf %get3A_1307, %mul3A_1348 : vector<160x128xbf16>
    %dot_general3A_1350 = arith.constant dense<0.000000e+00> : vector<160x160xf32>
    %dot_general3A_1351 = tpu.matmul %mul3A_1349, %get3A_1307, %dot_general3A_1350 {dimension_numbers = #tpu.dot_dimension_numbers<[1], [1], [0], [0], [0, 0, 1, 0], [], []>, transpose_lhs_hint = false} : vector<160x128xbf16>, vector<160x128xbf16>, vector<160x160xf32> -> vector<160x160xf32>
    %eq3A_1352 = arith.constant 4.000000e+00 : f32
    %eq3A_1353 = vector.broadcast %eq3A_1352 : f32 to vector<160x160xf32>
    %eq3A_1354 = arith.cmpf oeq, %add3A_1311, %eq3A_1353 : vector<160x160xf32>
    %select_n3A_1355 = arith.select %eq3A_1354, %dot_general3A_1351, %select_n3A_1346 : vector<160x160xi1>, vector<160x160xf32>
    %ge3A_1356 = arith.constant 0.000000e+00 : f32
    %ge3A_1357 = vector.broadcast %ge3A_1356 : f32 to vector<160x160xf32>
    %ge3A_1358 = arith.cmpf oge, %select_n3A_1355, %ge3A_1357 : vector<160x160xf32>
    %mul3A_1359 = arith.constant 2.000000e-01 : f32
    %mul3A_1360 = vector.broadcast %mul3A_1359 : f32 to vector<160x160xf32>
    %mul3A_1361 = arith.mulf %mul3A_1360, %select_n3A_1355 : vector<160x160xf32>
    %select_n3A_1362 = arith.select %ge3A_1358, %select_n3A_1355, %mul3A_1361 : vector<160x160xi1>, vector<160x160xf32>
    %exp3A_1363 = math.exp %select_n3A_1362 : vector<160x160xf32>
    %reduce_sum3A_1364 = arith.constant dense<0.000000e+00> : vector<160xf32>
    %reduce_sum3A_1365 = vector.multi_reduction <add>, %exp3A_1363, %reduce_sum3A_1364 [1] : vector<160x160xf32> to vector<160xf32>
    %broadcast_in_dim3A_1366 = vector.shape_cast %reduce_sum3A_1365 : vector<160xf32> to vector<160x1xf32>
    %div3A_1367 = vector.broadcast %broadcast_in_dim3A_1366 : vector<160x1xf32> to vector<160x160xf32>
    %div3A_1368 = arith.divf %exp3A_1363, %div3A_1367 : vector<160x160xf32>
    %convert_element_type3A_1369 = arith.truncf %div3A_1368 : vector<160x160xf32> to vector<160x160xbf16>
    %dot_general3A_1370 = arith.constant dense<0.000000e+00> : vector<160x128xf32>
    %dot_general3A_1371 = tpu.matmul %convert_element_type3A_1369, %get3A_1307, %dot_general3A_1370 {dimension_numbers = #tpu.dot_dimension_numbers<[1], [0], [0], [1], [0, 0, 1, 1], [], []>, transpose_lhs_hint = false} : vector<160x160xbf16>, vector<160x128xbf16>, vector<160x128xf32> -> vector<160x128xf32>
    %reshape3A_1372 = vector.shape_cast %dot_general3A_1371 : vector<160x128xf32> to vector<8x20x128xf32>
    %transpose3A_1373 = tpu.transpose %reshape3A_1372, [1, 0, 2] : vector<8x20x128xf32> -> vector<20x8x128xf32>
    %swap3A_1374 = arith.constant 0 : index
    %swap3A_1375 = arith.index_cast %multiple_of3A_1304 : i32 to index
    %swap3A_1376 = arith.constant 0 : index
    %swap3A_1377 = vector.load %arg6[%swap3A_1374, %swap3A_1375, %swap3A_1376] : memref<20x256x128xf32, #tpu.memory_space<vmem>>, vector<20x8x128xf32>
    tpu.vector_store %arg6[%swap3A_1374, %swap3A_1375, %swap3A_1376], %transpose3A_1373 {strides = array<i32>} : memref<20x256x128xf32, #tpu.memory_space<vmem>>, vector<20x8x128xf32>,
    %scan3A_1378 = arith.constant 17 : i32
    %mul3A_1379 = arith.constant 160 : i32
    %mul3A_1380 = arith.muli %scan3A_1378, %mul3A_1379 : i32
    %multiple_of3A_1381 = tpu.assume_multiple %mul3A_1380, 160 : i32
    %mul3A_1382 = arith.constant 8 : i32
    %mul3A_1383 = arith.muli %scan3A_1378, %mul3A_1382 : i32
    %multiple_of3A_1384 = tpu.assume_multiple %mul3A_1383, 8 : i32
    %get3A_1385 = arith.index_cast %multiple_of3A_1381 : i32 to index
    %get3A_1386 = arith.constant 0 : index
    %get3A_1387 = vector.load %arg7[%get3A_1385, %get3A_1386] : memref<5120x128xbf16, #tpu.memory_space<vmem>>, vector<160x128xbf16>
    %get3A_1388 = arith.index_cast %multiple_of3A_1381 : i32 to index
    %get3A_1389 = arith.constant 0 : index
    %get3A_1390 = vector.load %arg8[%get3A_1388, %get3A_1389] : memref<5120x160xf32, #tpu.memory_space<vmem>>, vector<160x160xf32>
    %add3A_1391 = arith.addf %get3A_1390, %get3A_7 : vector<160x160xf32>
    %ge3A_1392 = arith.constant 9.950000e+01 : f32
    %ge3A_1393 = vector.broadcast %ge3A_1392 : f32 to vector<160x160xf32>
    %ge3A_1394 = arith.cmpf oge, %add3A_1391, %ge3A_1393 : vector<160x160xf32>
    %jit3A_1395 = arith.constant -6.000000e+02 : f32
    %jit3A_1396 = arith.constant -3.000000e+02 : f32
    %broadcast_in_dim3A_1397 = vector.broadcast %jit3A_1395 : f32 to vector<160x160xf32>
    %broadcast_in_dim3A_1398 = vector.broadcast %jit3A_1396 : f32 to vector<160x160xf32>
    %select_n3A_1399 = arith.select %ge3A_1394, %broadcast_in_dim3A_1397, %broadcast_in_dim3A_1398 : vector<160x160xi1>, vector<160x160xf32>
    %slice3A_1400 = vector.extract_strided_slice %convert_element_type3A {offsets = [0, 0], sizes = [1, 128], strides = [1, 1]} : vector<8x128xbf16> to vector<1x128xbf16>
    %mul3A_1401 = vector.broadcast %slice3A_1400 : vector<1x128xbf16> to vector<160x128xbf16>
    %mul3A_1402 = arith.mulf %get3A_1387, %mul3A_1401 : vector<160x128xbf16>
    %dot_general3A_1403 = arith.constant dense<0.000000e+00> : vector<160x160xf32>
    %dot_general3A_1404 = tpu.matmul %mul3A_1402, %get3A_1387, %dot_general3A_1403 {dimension_numbers = #tpu.dot_dimension_numbers<[1], [1], [0], [0], [0, 0, 1, 0], [], []>, transpose_lhs_hint = false} : vector<160x128xbf16>, vector<160x128xbf16>, vector<160x160xf32> -> vector<160x160xf32>
    %eq3A_1405 = arith.constant 1.000000e+00 : f32
    %eq3A_1406 = vector.broadcast %eq3A_1405 : f32 to vector<160x160xf32>
    %eq3A_1407 = arith.cmpf oeq, %add3A_1391, %eq3A_1406 : vector<160x160xf32>
    %select_n3A_1408 = arith.select %eq3A_1407, %dot_general3A_1404, %select_n3A_1399 : vector<160x160xi1>, vector<160x160xf32>
    %slice3A_1409 = vector.extract_strided_slice %convert_element_type3A {offsets = [1, 0], sizes = [1, 128], strides = [1, 1]} : vector<8x128xbf16> to vector<1x128xbf16>
    %mul3A_1410 = vector.broadcast %slice3A_1409 : vector<1x128xbf16> to vector<160x128xbf16>
    %mul3A_1411 = arith.mulf %get3A_1387, %mul3A_1410 : vector<160x128xbf16>
    %dot_general3A_1412 = arith.constant dense<0.000000e+00> : vector<160x160xf32>
    %dot_general3A_1413 = tpu.matmul %mul3A_1411, %get3A_1387, %dot_general3A_1412 {dimension_numbers = #tpu.dot_dimension_numbers<[1], [1], [0], [0], [0, 0, 1, 0], [], []>, transpose_lhs_hint = false} : vector<160x128xbf16>, vector<160x128xbf16>, vector<160x160xf32> -> vector<160x160xf32>
    %eq3A_1414 = arith.constant 2.000000e+00 : f32
    %eq3A_1415 = vector.broadcast %eq3A_1414 : f32 to vector<160x160xf32>
    %eq3A_1416 = arith.cmpf oeq, %add3A_1391, %eq3A_1415 : vector<160x160xf32>
    %select_n3A_1417 = arith.select %eq3A_1416, %dot_general3A_1413, %select_n3A_1408 : vector<160x160xi1>, vector<160x160xf32>
    %slice3A_1418 = vector.extract_strided_slice %convert_element_type3A {offsets = [2, 0], sizes = [1, 128], strides = [1, 1]} : vector<8x128xbf16> to vector<1x128xbf16>
    %mul3A_1419 = vector.broadcast %slice3A_1418 : vector<1x128xbf16> to vector<160x128xbf16>
    %mul3A_1420 = arith.mulf %get3A_1387, %mul3A_1419 : vector<160x128xbf16>
    %dot_general3A_1421 = arith.constant dense<0.000000e+00> : vector<160x160xf32>
    %dot_general3A_1422 = tpu.matmul %mul3A_1420, %get3A_1387, %dot_general3A_1421 {dimension_numbers = #tpu.dot_dimension_numbers<[1], [1], [0], [0], [0, 0, 1, 0], [], []>, transpose_lhs_hint = false} : vector<160x128xbf16>, vector<160x128xbf16>, vector<160x160xf32> -> vector<160x160xf32>
    %eq3A_1423 = arith.constant 3.000000e+00 : f32
    %eq3A_1424 = vector.broadcast %eq3A_1423 : f32 to vector<160x160xf32>
    %eq3A_1425 = arith.cmpf oeq, %add3A_1391, %eq3A_1424 : vector<160x160xf32>
    %select_n3A_1426 = arith.select %eq3A_1425, %dot_general3A_1422, %select_n3A_1417 : vector<160x160xi1>, vector<160x160xf32>
    %slice3A_1427 = vector.extract_strided_slice %convert_element_type3A {offsets = [3, 0], sizes = [1, 128], strides = [1, 1]} : vector<8x128xbf16> to vector<1x128xbf16>
    %mul3A_1428 = vector.broadcast %slice3A_1427 : vector<1x128xbf16> to vector<160x128xbf16>
    %mul3A_1429 = arith.mulf %get3A_1387, %mul3A_1428 : vector<160x128xbf16>
    %dot_general3A_1430 = arith.constant dense<0.000000e+00> : vector<160x160xf32>
    %dot_general3A_1431 = tpu.matmul %mul3A_1429, %get3A_1387, %dot_general3A_1430 {dimension_numbers = #tpu.dot_dimension_numbers<[1], [1], [0], [0], [0, 0, 1, 0], [], []>, transpose_lhs_hint = false} : vector<160x128xbf16>, vector<160x128xbf16>, vector<160x160xf32> -> vector<160x160xf32>
    %eq3A_1432 = arith.constant 4.000000e+00 : f32
    %eq3A_1433 = vector.broadcast %eq3A_1432 : f32 to vector<160x160xf32>
    %eq3A_1434 = arith.cmpf oeq, %add3A_1391, %eq3A_1433 : vector<160x160xf32>
    %select_n3A_1435 = arith.select %eq3A_1434, %dot_general3A_1431, %select_n3A_1426 : vector<160x160xi1>, vector<160x160xf32>
    %ge3A_1436 = arith.constant 0.000000e+00 : f32
    %ge3A_1437 = vector.broadcast %ge3A_1436 : f32 to vector<160x160xf32>
    %ge3A_1438 = arith.cmpf oge, %select_n3A_1435, %ge3A_1437 : vector<160x160xf32>
    %mul3A_1439 = arith.constant 2.000000e-01 : f32
    %mul3A_1440 = vector.broadcast %mul3A_1439 : f32 to vector<160x160xf32>
    %mul3A_1441 = arith.mulf %mul3A_1440, %select_n3A_1435 : vector<160x160xf32>
    %select_n3A_1442 = arith.select %ge3A_1438, %select_n3A_1435, %mul3A_1441 : vector<160x160xi1>, vector<160x160xf32>
    %exp3A_1443 = math.exp %select_n3A_1442 : vector<160x160xf32>
    %reduce_sum3A_1444 = arith.constant dense<0.000000e+00> : vector<160xf32>
    %reduce_sum3A_1445 = vector.multi_reduction <add>, %exp3A_1443, %reduce_sum3A_1444 [1] : vector<160x160xf32> to vector<160xf32>
    %broadcast_in_dim3A_1446 = vector.shape_cast %reduce_sum3A_1445 : vector<160xf32> to vector<160x1xf32>
    %div3A_1447 = vector.broadcast %broadcast_in_dim3A_1446 : vector<160x1xf32> to vector<160x160xf32>
    %div3A_1448 = arith.divf %exp3A_1443, %div3A_1447 : vector<160x160xf32>
    %convert_element_type3A_1449 = arith.truncf %div3A_1448 : vector<160x160xf32> to vector<160x160xbf16>
    %dot_general3A_1450 = arith.constant dense<0.000000e+00> : vector<160x128xf32>
    %dot_general3A_1451 = tpu.matmul %convert_element_type3A_1449, %get3A_1387, %dot_general3A_1450 {dimension_numbers = #tpu.dot_dimension_numbers<[1], [0], [0], [1], [0, 0, 1, 1], [], []>, transpose_lhs_hint = false} : vector<160x160xbf16>, vector<160x128xbf16>, vector<160x128xf32> -> vector<160x128xf32>
    %reshape3A_1452 = vector.shape_cast %dot_general3A_1451 : vector<160x128xf32> to vector<8x20x128xf32>
    %transpose3A_1453 = tpu.transpose %reshape3A_1452, [1, 0, 2] : vector<8x20x128xf32> -> vector<20x8x128xf32>
    %swap3A_1454 = arith.constant 0 : index
    %swap3A_1455 = arith.index_cast %multiple_of3A_1384 : i32 to index
    %swap3A_1456 = arith.constant 0 : index
    %swap3A_1457 = vector.load %arg6[%swap3A_1454, %swap3A_1455, %swap3A_1456] : memref<20x256x128xf32, #tpu.memory_space<vmem>>, vector<20x8x128xf32>
    tpu.vector_store %arg6[%swap3A_1454, %swap3A_1455, %swap3A_1456], %transpose3A_1453 {strides = array<i32>} : memref<20x256x128xf32, #tpu.memory_space<vmem>>, vector<20x8x128xf32>,
    %scan3A_1458 = arith.constant 18 : i32
    %mul3A_1459 = arith.constant 160 : i32
    %mul3A_1460 = arith.muli %scan3A_1458, %mul3A_1459 : i32
    %multiple_of3A_1461 = tpu.assume_multiple %mul3A_1460, 160 : i32
    %mul3A_1462 = arith.constant 8 : i32
    %mul3A_1463 = arith.muli %scan3A_1458, %mul3A_1462 : i32
    %multiple_of3A_1464 = tpu.assume_multiple %mul3A_1463, 8 : i32
    %get3A_1465 = arith.index_cast %multiple_of3A_1461 : i32 to index
    %get3A_1466 = arith.constant 0 : index
    %get3A_1467 = vector.load %arg7[%get3A_1465, %get3A_1466] : memref<5120x128xbf16, #tpu.memory_space<vmem>>, vector<160x128xbf16>
    %get3A_1468 = arith.index_cast %multiple_of3A_1461 : i32 to index
    %get3A_1469 = arith.constant 0 : index
    %get3A_1470 = vector.load %arg8[%get3A_1468, %get3A_1469] : memref<5120x160xf32, #tpu.memory_space<vmem>>, vector<160x160xf32>
    %add3A_1471 = arith.addf %get3A_1470, %get3A_7 : vector<160x160xf32>
    %ge3A_1472 = arith.constant 9.950000e+01 : f32
    %ge3A_1473 = vector.broadcast %ge3A_1472 : f32 to vector<160x160xf32>
    %ge3A_1474 = arith.cmpf oge, %add3A_1471, %ge3A_1473 : vector<160x160xf32>
    %jit3A_1475 = arith.constant -6.000000e+02 : f32
    %jit3A_1476 = arith.constant -3.000000e+02 : f32
    %broadcast_in_dim3A_1477 = vector.broadcast %jit3A_1475 : f32 to vector<160x160xf32>
    %broadcast_in_dim3A_1478 = vector.broadcast %jit3A_1476 : f32 to vector<160x160xf32>
    %select_n3A_1479 = arith.select %ge3A_1474, %broadcast_in_dim3A_1477, %broadcast_in_dim3A_1478 : vector<160x160xi1>, vector<160x160xf32>
    %slice3A_1480 = vector.extract_strided_slice %convert_element_type3A {offsets = [0, 0], sizes = [1, 128], strides = [1, 1]} : vector<8x128xbf16> to vector<1x128xbf16>
    %mul3A_1481 = vector.broadcast %slice3A_1480 : vector<1x128xbf16> to vector<160x128xbf16>
    %mul3A_1482 = arith.mulf %get3A_1467, %mul3A_1481 : vector<160x128xbf16>
    %dot_general3A_1483 = arith.constant dense<0.000000e+00> : vector<160x160xf32>
    %dot_general3A_1484 = tpu.matmul %mul3A_1482, %get3A_1467, %dot_general3A_1483 {dimension_numbers = #tpu.dot_dimension_numbers<[1], [1], [0], [0], [0, 0, 1, 0], [], []>, transpose_lhs_hint = false} : vector<160x128xbf16>, vector<160x128xbf16>, vector<160x160xf32> -> vector<160x160xf32>
    %eq3A_1485 = arith.constant 1.000000e+00 : f32
    %eq3A_1486 = vector.broadcast %eq3A_1485 : f32 to vector<160x160xf32>
    %eq3A_1487 = arith.cmpf oeq, %add3A_1471, %eq3A_1486 : vector<160x160xf32>
    %select_n3A_1488 = arith.select %eq3A_1487, %dot_general3A_1484, %select_n3A_1479 : vector<160x160xi1>, vector<160x160xf32>
    %slice3A_1489 = vector.extract_strided_slice %convert_element_type3A {offsets = [1, 0], sizes = [1, 128], strides = [1, 1]} : vector<8x128xbf16> to vector<1x128xbf16>
    %mul3A_1490 = vector.broadcast %slice3A_1489 : vector<1x128xbf16> to vector<160x128xbf16>
    %mul3A_1491 = arith.mulf %get3A_1467, %mul3A_1490 : vector<160x128xbf16>
    %dot_general3A_1492 = arith.constant dense<0.000000e+00> : vector<160x160xf32>
    %dot_general3A_1493 = tpu.matmul %mul3A_1491, %get3A_1467, %dot_general3A_1492 {dimension_numbers = #tpu.dot_dimension_numbers<[1], [1], [0], [0], [0, 0, 1, 0], [], []>, transpose_lhs_hint = false} : vector<160x128xbf16>, vector<160x128xbf16>, vector<160x160xf32> -> vector<160x160xf32>
    %eq3A_1494 = arith.constant 2.000000e+00 : f32
    %eq3A_1495 = vector.broadcast %eq3A_1494 : f32 to vector<160x160xf32>
    %eq3A_1496 = arith.cmpf oeq, %add3A_1471, %eq3A_1495 : vector<160x160xf32>
    %select_n3A_1497 = arith.select %eq3A_1496, %dot_general3A_1493, %select_n3A_1488 : vector<160x160xi1>, vector<160x160xf32>
    %slice3A_1498 = vector.extract_strided_slice %convert_element_type3A {offsets = [2, 0], sizes = [1, 128], strides = [1, 1]} : vector<8x128xbf16> to vector<1x128xbf16>
    %mul3A_1499 = vector.broadcast %slice3A_1498 : vector<1x128xbf16> to vector<160x128xbf16>
    %mul3A_1500 = arith.mulf %get3A_1467, %mul3A_1499 : vector<160x128xbf16>
    %dot_general3A_1501 = arith.constant dense<0.000000e+00> : vector<160x160xf32>
    %dot_general3A_1502 = tpu.matmul %mul3A_1500, %get3A_1467, %dot_general3A_1501 {dimension_numbers = #tpu.dot_dimension_numbers<[1], [1], [0], [0], [0, 0, 1, 0], [], []>, transpose_lhs_hint = false} : vector<160x128xbf16>, vector<160x128xbf16>, vector<160x160xf32> -> vector<160x160xf32>
    %eq3A_1503 = arith.constant 3.000000e+00 : f32
    %eq3A_1504 = vector.broadcast %eq3A_1503 : f32 to vector<160x160xf32>
    %eq3A_1505 = arith.cmpf oeq, %add3A_1471, %eq3A_1504 : vector<160x160xf32>
    %select_n3A_1506 = arith.select %eq3A_1505, %dot_general3A_1502, %select_n3A_1497 : vector<160x160xi1>, vector<160x160xf32>
    %slice3A_1507 = vector.extract_strided_slice %convert_element_type3A {offsets = [3, 0], sizes = [1, 128], strides = [1, 1]} : vector<8x128xbf16> to vector<1x128xbf16>
    %mul3A_1508 = vector.broadcast %slice3A_1507 : vector<1x128xbf16> to vector<160x128xbf16>
    %mul3A_1509 = arith.mulf %get3A_1467, %mul3A_1508 : vector<160x128xbf16>
    %dot_general3A_1510 = arith.constant dense<0.000000e+00> : vector<160x160xf32>
    %dot_general3A_1511 = tpu.matmul %mul3A_1509, %get3A_1467, %dot_general3A_1510 {dimension_numbers = #tpu.dot_dimension_numbers<[1], [1], [0], [0], [0, 0, 1, 0], [], []>, transpose_lhs_hint = false} : vector<160x128xbf16>, vector<160x128xbf16>, vector<160x160xf32> -> vector<160x160xf32>
    %eq3A_1512 = arith.constant 4.000000e+00 : f32
    %eq3A_1513 = vector.broadcast %eq3A_1512 : f32 to vector<160x160xf32>
    %eq3A_1514 = arith.cmpf oeq, %add3A_1471, %eq3A_1513 : vector<160x160xf32>
    %select_n3A_1515 = arith.select %eq3A_1514, %dot_general3A_1511, %select_n3A_1506 : vector<160x160xi1>, vector<160x160xf32>
    %ge3A_1516 = arith.constant 0.000000e+00 : f32
    %ge3A_1517 = vector.broadcast %ge3A_1516 : f32 to vector<160x160xf32>
    %ge3A_1518 = arith.cmpf oge, %select_n3A_1515, %ge3A_1517 : vector<160x160xf32>
    %mul3A_1519 = arith.constant 2.000000e-01 : f32
    %mul3A_1520 = vector.broadcast %mul3A_1519 : f32 to vector<160x160xf32>
    %mul3A_1521 = arith.mulf %mul3A_1520, %select_n3A_1515 : vector<160x160xf32>
    %select_n3A_1522 = arith.select %ge3A_1518, %select_n3A_1515, %mul3A_1521 : vector<160x160xi1>, vector<160x160xf32>
    %exp3A_1523 = math.exp %select_n3A_1522 : vector<160x160xf32>
    %reduce_sum3A_1524 = arith.constant dense<0.000000e+00> : vector<160xf32>
    %reduce_sum3A_1525 = vector.multi_reduction <add>, %exp3A_1523, %reduce_sum3A_1524 [1] : vector<160x160xf32> to vector<160xf32>
    %broadcast_in_dim3A_1526 = vector.shape_cast %reduce_sum3A_1525 : vector<160xf32> to vector<160x1xf32>
    %div3A_1527 = vector.broadcast %broadcast_in_dim3A_1526 : vector<160x1xf32> to vector<160x160xf32>
    %div3A_1528 = arith.divf %exp3A_1523, %div3A_1527 : vector<160x160xf32>
    %convert_element_type3A_1529 = arith.truncf %div3A_1528 : vector<160x160xf32> to vector<160x160xbf16>
    %dot_general3A_1530 = arith.constant dense<0.000000e+00> : vector<160x128xf32>
    %dot_general3A_1531 = tpu.matmul %convert_element_type3A_1529, %get3A_1467, %dot_general3A_1530 {dimension_numbers = #tpu.dot_dimension_numbers<[1], [0], [0], [1], [0, 0, 1, 1], [], []>, transpose_lhs_hint = false} : vector<160x160xbf16>, vector<160x128xbf16>, vector<160x128xf32> -> vector<160x128xf32>
    %reshape3A_1532 = vector.shape_cast %dot_general3A_1531 : vector<160x128xf32> to vector<8x20x128xf32>
    %transpose3A_1533 = tpu.transpose %reshape3A_1532, [1, 0, 2] : vector<8x20x128xf32> -> vector<20x8x128xf32>
    %swap3A_1534 = arith.constant 0 : index
    %swap3A_1535 = arith.index_cast %multiple_of3A_1464 : i32 to index
    %swap3A_1536 = arith.constant 0 : index
    %swap3A_1537 = vector.load %arg6[%swap3A_1534, %swap3A_1535, %swap3A_1536] : memref<20x256x128xf32, #tpu.memory_space<vmem>>, vector<20x8x128xf32>
    tpu.vector_store %arg6[%swap3A_1534, %swap3A_1535, %swap3A_1536], %transpose3A_1533 {strides = array<i32>} : memref<20x256x128xf32, #tpu.memory_space<vmem>>, vector<20x8x128xf32>,
    %scan3A_1538 = arith.constant 19 : i32
    %mul3A_1539 = arith.constant 160 : i32
    %mul3A_1540 = arith.muli %scan3A_1538, %mul3A_1539 : i32
    %multiple_of3A_1541 = tpu.assume_multiple %mul3A_1540, 160 : i32
    %mul3A_1542 = arith.constant 8 : i32
    %mul3A_1543 = arith.muli %scan3A_1538, %mul3A_1542 : i32
    %multiple_of3A_1544 = tpu.assume_multiple %mul3A_1543, 8 : i32
    %get3A_1545 = arith.index_cast %multiple_of3A_1541 : i32 to index
    %get3A_1546 = arith.constant 0 : index
    %get3A_1547 = vector.load %arg7[%get3A_1545, %get3A_1546] : memref<5120x128xbf16, #tpu.memory_space<vmem>>, vector<160x128xbf16>
    %get3A_1548 = arith.index_cast %multiple_of3A_1541 : i32 to index
    %get3A_1549 = arith.constant 0 : index
    %get3A_1550 = vector.load %arg8[%get3A_1548, %get3A_1549] : memref<5120x160xf32, #tpu.memory_space<vmem>>, vector<160x160xf32>
    %add3A_1551 = arith.addf %get3A_1550, %get3A_7 : vector<160x160xf32>
    %ge3A_1552 = arith.constant 9.950000e+01 : f32
    %ge3A_1553 = vector.broadcast %ge3A_1552 : f32 to vector<160x160xf32>
    %ge3A_1554 = arith.cmpf oge, %add3A_1551, %ge3A_1553 : vector<160x160xf32>
    %jit3A_1555 = arith.constant -6.000000e+02 : f32
    %jit3A_1556 = arith.constant -3.000000e+02 : f32
    %broadcast_in_dim3A_1557 = vector.broadcast %jit3A_1555 : f32 to vector<160x160xf32>
    %broadcast_in_dim3A_1558 = vector.broadcast %jit3A_1556 : f32 to vector<160x160xf32>
    %select_n3A_1559 = arith.select %ge3A_1554, %broadcast_in_dim3A_1557, %broadcast_in_dim3A_1558 : vector<160x160xi1>, vector<160x160xf32>
    %slice3A_1560 = vector.extract_strided_slice %convert_element_type3A {offsets = [0, 0], sizes = [1, 128], strides = [1, 1]} : vector<8x128xbf16> to vector<1x128xbf16>
    %mul3A_1561 = vector.broadcast %slice3A_1560 : vector<1x128xbf16> to vector<160x128xbf16>
    %mul3A_1562 = arith.mulf %get3A_1547, %mul3A_1561 : vector<160x128xbf16>
    %dot_general3A_1563 = arith.constant dense<0.000000e+00> : vector<160x160xf32>
    %dot_general3A_1564 = tpu.matmul %mul3A_1562, %get3A_1547, %dot_general3A_1563 {dimension_numbers = #tpu.dot_dimension_numbers<[1], [1], [0], [0], [0, 0, 1, 0], [], []>, transpose_lhs_hint = false} : vector<160x128xbf16>, vector<160x128xbf16>, vector<160x160xf32> -> vector<160x160xf32>
    %eq3A_1565 = arith.constant 1.000000e+00 : f32
    %eq3A_1566 = vector.broadcast %eq3A_1565 : f32 to vector<160x160xf32>
    %eq3A_1567 = arith.cmpf oeq, %add3A_1551, %eq3A_1566 : vector<160x160xf32>
    %select_n3A_1568 = arith.select %eq3A_1567, %dot_general3A_1564, %select_n3A_1559 : vector<160x160xi1>, vector<160x160xf32>
    %slice3A_1569 = vector.extract_strided_slice %convert_element_type3A {offsets = [1, 0], sizes = [1, 128], strides = [1, 1]} : vector<8x128xbf16> to vector<1x128xbf16>
    %mul3A_1570 = vector.broadcast %slice3A_1569 : vector<1x128xbf16> to vector<160x128xbf16>
    %mul3A_1571 = arith.mulf %get3A_1547, %mul3A_1570 : vector<160x128xbf16>
    %dot_general3A_1572 = arith.constant dense<0.000000e+00> : vector<160x160xf32>
    %dot_general3A_1573 = tpu.matmul %mul3A_1571, %get3A_1547, %dot_general3A_1572 {dimension_numbers = #tpu.dot_dimension_numbers<[1], [1], [0], [0], [0, 0, 1, 0], [], []>, transpose_lhs_hint = false} : vector<160x128xbf16>, vector<160x128xbf16>, vector<160x160xf32> -> vector<160x160xf32>
    %eq3A_1574 = arith.constant 2.000000e+00 : f32
    %eq3A_1575 = vector.broadcast %eq3A_1574 : f32 to vector<160x160xf32>
    %eq3A_1576 = arith.cmpf oeq, %add3A_1551, %eq3A_1575 : vector<160x160xf32>
    %select_n3A_1577 = arith.select %eq3A_1576, %dot_general3A_1573, %select_n3A_1568 : vector<160x160xi1>, vector<160x160xf32>
    %slice3A_1578 = vector.extract_strided_slice %convert_element_type3A {offsets = [2, 0], sizes = [1, 128], strides = [1, 1]} : vector<8x128xbf16> to vector<1x128xbf16>
    %mul3A_1579 = vector.broadcast %slice3A_1578 : vector<1x128xbf16> to vector<160x128xbf16>
    %mul3A_1580 = arith.mulf %get3A_1547, %mul3A_1579 : vector<160x128xbf16>
    %dot_general3A_1581 = arith.constant dense<0.000000e+00> : vector<160x160xf32>
    %dot_general3A_1582 = tpu.matmul %mul3A_1580, %get3A_1547, %dot_general3A_1581 {dimension_numbers = #tpu.dot_dimension_numbers<[1], [1], [0], [0], [0, 0, 1, 0], [], []>, transpose_lhs_hint = false} : vector<160x128xbf16>, vector<160x128xbf16>, vector<160x160xf32> -> vector<160x160xf32>
    %eq3A_1583 = arith.constant 3.000000e+00 : f32
    %eq3A_1584 = vector.broadcast %eq3A_1583 : f32 to vector<160x160xf32>
    %eq3A_1585 = arith.cmpf oeq, %add3A_1551, %eq3A_1584 : vector<160x160xf32>
    %select_n3A_1586 = arith.select %eq3A_1585, %dot_general3A_1582, %select_n3A_1577 : vector<160x160xi1>, vector<160x160xf32>
    %slice3A_1587 = vector.extract_strided_slice %convert_element_type3A {offsets = [3, 0], sizes = [1, 128], strides = [1, 1]} : vector<8x128xbf16> to vector<1x128xbf16>
    %mul3A_1588 = vector.broadcast %slice3A_1587 : vector<1x128xbf16> to vector<160x128xbf16>
    %mul3A_1589 = arith.mulf %get3A_1547, %mul3A_1588 : vector<160x128xbf16>
    %dot_general3A_1590 = arith.constant dense<0.000000e+00> : vector<160x160xf32>
    %dot_general3A_1591 = tpu.matmul %mul3A_1589, %get3A_1547, %dot_general3A_1590 {dimension_numbers = #tpu.dot_dimension_numbers<[1], [1], [0], [0], [0, 0, 1, 0], [], []>, transpose_lhs_hint = false} : vector<160x128xbf16>, vector<160x128xbf16>, vector<160x160xf32> -> vector<160x160xf32>
    %eq3A_1592 = arith.constant 4.000000e+00 : f32
    %eq3A_1593 = vector.broadcast %eq3A_1592 : f32 to vector<160x160xf32>
    %eq3A_1594 = arith.cmpf oeq, %add3A_1551, %eq3A_1593 : vector<160x160xf32>
    %select_n3A_1595 = arith.select %eq3A_1594, %dot_general3A_1591, %select_n3A_1586 : vector<160x160xi1>, vector<160x160xf32>
    %ge3A_1596 = arith.constant 0.000000e+00 : f32
    %ge3A_1597 = vector.broadcast %ge3A_1596 : f32 to vector<160x160xf32>
    %ge3A_1598 = arith.cmpf oge, %select_n3A_1595, %ge3A_1597 : vector<160x160xf32>
    %mul3A_1599 = arith.constant 2.000000e-01 : f32
    %mul3A_1600 = vector.broadcast %mul3A_1599 : f32 to vector<160x160xf32>
    %mul3A_1601 = arith.mulf %mul3A_1600, %select_n3A_1595 : vector<160x160xf32>
    %select_n3A_1602 = arith.select %ge3A_1598, %select_n3A_1595, %mul3A_1601 : vector<160x160xi1>, vector<160x160xf32>
    %exp3A_1603 = math.exp %select_n3A_1602 : vector<160x160xf32>
    %reduce_sum3A_1604 = arith.constant dense<0.000000e+00> : vector<160xf32>
    %reduce_sum3A_1605 = vector.multi_reduction <add>, %exp3A_1603, %reduce_sum3A_1604 [1] : vector<160x160xf32> to vector<160xf32>
    %broadcast_in_dim3A_1606 = vector.shape_cast %reduce_sum3A_1605 : vector<160xf32> to vector<160x1xf32>
    %div3A_1607 = vector.broadcast %broadcast_in_dim3A_1606 : vector<160x1xf32> to vector<160x160xf32>
    %div3A_1608 = arith.divf %exp3A_1603, %div3A_1607 : vector<160x160xf32>
    %convert_element_type3A_1609 = arith.truncf %div3A_1608 : vector<160x160xf32> to vector<160x160xbf16>
    %dot_general3A_1610 = arith.constant dense<0.000000e+00> : vector<160x128xf32>
    %dot_general3A_1611 = tpu.matmul %convert_element_type3A_1609, %get3A_1547, %dot_general3A_1610 {dimension_numbers = #tpu.dot_dimension_numbers<[1], [0], [0], [1], [0, 0, 1, 1], [], []>, transpose_lhs_hint = false} : vector<160x160xbf16>, vector<160x128xbf16>, vector<160x128xf32> -> vector<160x128xf32>
    %reshape3A_1612 = vector.shape_cast %dot_general3A_1611 : vector<160x128xf32> to vector<8x20x128xf32>
    %transpose3A_1613 = tpu.transpose %reshape3A_1612, [1, 0, 2] : vector<8x20x128xf32> -> vector<20x8x128xf32>
    %swap3A_1614 = arith.constant 0 : index
    %swap3A_1615 = arith.index_cast %multiple_of3A_1544 : i32 to index
    %swap3A_1616 = arith.constant 0 : index
    %swap3A_1617 = vector.load %arg6[%swap3A_1614, %swap3A_1615, %swap3A_1616] : memref<20x256x128xf32, #tpu.memory_space<vmem>>, vector<20x8x128xf32>
    tpu.vector_store %arg6[%swap3A_1614, %swap3A_1615, %swap3A_1616], %transpose3A_1613 {strides = array<i32>} : memref<20x256x128xf32, #tpu.memory_space<vmem>>, vector<20x8x128xf32>,
    %scan3A_1618 = arith.constant 20 : i32
    %mul3A_1619 = arith.constant 160 : i32
    %mul3A_1620 = arith.muli %scan3A_1618, %mul3A_1619 : i32
    %multiple_of3A_1621 = tpu.assume_multiple %mul3A_1620, 160 : i32
    %mul3A_1622 = arith.constant 8 : i32
    %mul3A_1623 = arith.muli %scan3A_1618, %mul3A_1622 : i32
    %multiple_of3A_1624 = tpu.assume_multiple %mul3A_1623, 8 : i32
    %get3A_1625 = arith.index_cast %multiple_of3A_1621 : i32 to index
    %get3A_1626 = arith.constant 0 : index
    %get3A_1627 = vector.load %arg7[%get3A_1625, %get3A_1626] : memref<5120x128xbf16, #tpu.memory_space<vmem>>, vector<160x128xbf16>
    %get3A_1628 = arith.index_cast %multiple_of3A_1621 : i32 to index
    %get3A_1629 = arith.constant 0 : index
    %get3A_1630 = vector.load %arg8[%get3A_1628, %get3A_1629] : memref<5120x160xf32, #tpu.memory_space<vmem>>, vector<160x160xf32>
    %add3A_1631 = arith.addf %get3A_1630, %get3A_7 : vector<160x160xf32>
    %ge3A_1632 = arith.constant 9.950000e+01 : f32
    %ge3A_1633 = vector.broadcast %ge3A_1632 : f32 to vector<160x160xf32>
    %ge3A_1634 = arith.cmpf oge, %add3A_1631, %ge3A_1633 : vector<160x160xf32>
    %jit3A_1635 = arith.constant -6.000000e+02 : f32
    %jit3A_1636 = arith.constant -3.000000e+02 : f32
    %broadcast_in_dim3A_1637 = vector.broadcast %jit3A_1635 : f32 to vector<160x160xf32>
    %broadcast_in_dim3A_1638 = vector.broadcast %jit3A_1636 : f32 to vector<160x160xf32>
    %select_n3A_1639 = arith.select %ge3A_1634, %broadcast_in_dim3A_1637, %broadcast_in_dim3A_1638 : vector<160x160xi1>, vector<160x160xf32>
    %slice3A_1640 = vector.extract_strided_slice %convert_element_type3A {offsets = [0, 0], sizes = [1, 128], strides = [1, 1]} : vector<8x128xbf16> to vector<1x128xbf16>
    %mul3A_1641 = vector.broadcast %slice3A_1640 : vector<1x128xbf16> to vector<160x128xbf16>
    %mul3A_1642 = arith.mulf %get3A_1627, %mul3A_1641 : vector<160x128xbf16>
    %dot_general3A_1643 = arith.constant dense<0.000000e+00> : vector<160x160xf32>
    %dot_general3A_1644 = tpu.matmul %mul3A_1642, %get3A_1627, %dot_general3A_1643 {dimension_numbers = #tpu.dot_dimension_numbers<[1], [1], [0], [0], [0, 0, 1, 0], [], []>, transpose_lhs_hint = false} : vector<160x128xbf16>, vector<160x128xbf16>, vector<160x160xf32> -> vector<160x160xf32>
    %eq3A_1645 = arith.constant 1.000000e+00 : f32
    %eq3A_1646 = vector.broadcast %eq3A_1645 : f32 to vector<160x160xf32>
    %eq3A_1647 = arith.cmpf oeq, %add3A_1631, %eq3A_1646 : vector<160x160xf32>
    %select_n3A_1648 = arith.select %eq3A_1647, %dot_general3A_1644, %select_n3A_1639 : vector<160x160xi1>, vector<160x160xf32>
    %slice3A_1649 = vector.extract_strided_slice %convert_element_type3A {offsets = [1, 0], sizes = [1, 128], strides = [1, 1]} : vector<8x128xbf16> to vector<1x128xbf16>
    %mul3A_1650 = vector.broadcast %slice3A_1649 : vector<1x128xbf16> to vector<160x128xbf16>
    %mul3A_1651 = arith.mulf %get3A_1627, %mul3A_1650 : vector<160x128xbf16>
    %dot_general3A_1652 = arith.constant dense<0.000000e+00> : vector<160x160xf32>
    %dot_general3A_1653 = tpu.matmul %mul3A_1651, %get3A_1627, %dot_general3A_1652 {dimension_numbers = #tpu.dot_dimension_numbers<[1], [1], [0], [0], [0, 0, 1, 0], [], []>, transpose_lhs_hint = false} : vector<160x128xbf16>, vector<160x128xbf16>, vector<160x160xf32> -> vector<160x160xf32>
    %eq3A_1654 = arith.constant 2.000000e+00 : f32
    %eq3A_1655 = vector.broadcast %eq3A_1654 : f32 to vector<160x160xf32>
    %eq3A_1656 = arith.cmpf oeq, %add3A_1631, %eq3A_1655 : vector<160x160xf32>
    %select_n3A_1657 = arith.select %eq3A_1656, %dot_general3A_1653, %select_n3A_1648 : vector<160x160xi1>, vector<160x160xf32>
    %slice3A_1658 = vector.extract_strided_slice %convert_element_type3A {offsets = [2, 0], sizes = [1, 128], strides = [1, 1]} : vector<8x128xbf16> to vector<1x128xbf16>
    %mul3A_1659 = vector.broadcast %slice3A_1658 : vector<1x128xbf16> to vector<160x128xbf16>
    %mul3A_1660 = arith.mulf %get3A_1627, %mul3A_1659 : vector<160x128xbf16>
    %dot_general3A_1661 = arith.constant dense<0.000000e+00> : vector<160x160xf32>
    %dot_general3A_1662 = tpu.matmul %mul3A_1660, %get3A_1627, %dot_general3A_1661 {dimension_numbers = #tpu.dot_dimension_numbers<[1], [1], [0], [0], [0, 0, 1, 0], [], []>, transpose_lhs_hint = false} : vector<160x128xbf16>, vector<160x128xbf16>, vector<160x160xf32> -> vector<160x160xf32>
    %eq3A_1663 = arith.constant 3.000000e+00 : f32
    %eq3A_1664 = vector.broadcast %eq3A_1663 : f32 to vector<160x160xf32>
    %eq3A_1665 = arith.cmpf oeq, %add3A_1631, %eq3A_1664 : vector<160x160xf32>
    %select_n3A_1666 = arith.select %eq3A_1665, %dot_general3A_1662, %select_n3A_1657 : vector<160x160xi1>, vector<160x160xf32>
    %slice3A_1667 = vector.extract_strided_slice %convert_element_type3A {offsets = [3, 0], sizes = [1, 128], strides = [1, 1]} : vector<8x128xbf16> to vector<1x128xbf16>
    %mul3A_1668 = vector.broadcast %slice3A_1667 : vector<1x128xbf16> to vector<160x128xbf16>
    %mul3A_1669 = arith.mulf %get3A_1627, %mul3A_1668 : vector<160x128xbf16>
    %dot_general3A_1670 = arith.constant dense<0.000000e+00> : vector<160x160xf32>
    %dot_general3A_1671 = tpu.matmul %mul3A_1669, %get3A_1627, %dot_general3A_1670 {dimension_numbers = #tpu.dot_dimension_numbers<[1], [1], [0], [0], [0, 0, 1, 0], [], []>, transpose_lhs_hint = false} : vector<160x128xbf16>, vector<160x128xbf16>, vector<160x160xf32> -> vector<160x160xf32>
    %eq3A_1672 = arith.constant 4.000000e+00 : f32
    %eq3A_1673 = vector.broadcast %eq3A_1672 : f32 to vector<160x160xf32>
    %eq3A_1674 = arith.cmpf oeq, %add3A_1631, %eq3A_1673 : vector<160x160xf32>
    %select_n3A_1675 = arith.select %eq3A_1674, %dot_general3A_1671, %select_n3A_1666 : vector<160x160xi1>, vector<160x160xf32>
    %ge3A_1676 = arith.constant 0.000000e+00 : f32
    %ge3A_1677 = vector.broadcast %ge3A_1676 : f32 to vector<160x160xf32>
    %ge3A_1678 = arith.cmpf oge, %select_n3A_1675, %ge3A_1677 : vector<160x160xf32>
    %mul3A_1679 = arith.constant 2.000000e-01 : f32
    %mul3A_1680 = vector.broadcast %mul3A_1679 : f32 to vector<160x160xf32>
    %mul3A_1681 = arith.mulf %mul3A_1680, %select_n3A_1675 : vector<160x160xf32>
    %select_n3A_1682 = arith.select %ge3A_1678, %select_n3A_1675, %mul3A_1681 : vector<160x160xi1>, vector<160x160xf32>
    %exp3A_1683 = math.exp %select_n3A_1682 : vector<160x160xf32>
    %reduce_sum3A_1684 = arith.constant dense<0.000000e+00> : vector<160xf32>
    %reduce_sum3A_1685 = vector.multi_reduction <add>, %exp3A_1683, %reduce_sum3A_1684 [1] : vector<160x160xf32> to vector<160xf32>
    %broadcast_in_dim3A_1686 = vector.shape_cast %reduce_sum3A_1685 : vector<160xf32> to vector<160x1xf32>
    %div3A_1687 = vector.broadcast %broadcast_in_dim3A_1686 : vector<160x1xf32> to vector<160x160xf32>
    %div3A_1688 = arith.divf %exp3A_1683, %div3A_1687 : vector<160x160xf32>
    %convert_element_type3A_1689 = arith.truncf %div3A_1688 : vector<160x160xf32> to vector<160x160xbf16>
    %dot_general3A_1690 = arith.constant dense<0.000000e+00> : vector<160x128xf32>
    %dot_general3A_1691 = tpu.matmul %convert_element_type3A_1689, %get3A_1627, %dot_general3A_1690 {dimension_numbers = #tpu.dot_dimension_numbers<[1], [0], [0], [1], [0, 0, 1, 1], [], []>, transpose_lhs_hint = false} : vector<160x160xbf16>, vector<160x128xbf16>, vector<160x128xf32> -> vector<160x128xf32>
    %reshape3A_1692 = vector.shape_cast %dot_general3A_1691 : vector<160x128xf32> to vector<8x20x128xf32>
    %transpose3A_1693 = tpu.transpose %reshape3A_1692, [1, 0, 2] : vector<8x20x128xf32> -> vector<20x8x128xf32>
    %swap3A_1694 = arith.constant 0 : index
    %swap3A_1695 = arith.index_cast %multiple_of3A_1624 : i32 to index
    %swap3A_1696 = arith.constant 0 : index
    %swap3A_1697 = vector.load %arg6[%swap3A_1694, %swap3A_1695, %swap3A_1696] : memref<20x256x128xf32, #tpu.memory_space<vmem>>, vector<20x8x128xf32>
    tpu.vector_store %arg6[%swap3A_1694, %swap3A_1695, %swap3A_1696], %transpose3A_1693 {strides = array<i32>} : memref<20x256x128xf32, #tpu.memory_space<vmem>>, vector<20x8x128xf32>,
    %scan3A_1698 = arith.constant 21 : i32
    %mul3A_1699 = arith.constant 160 : i32
    %mul3A_1700 = arith.muli %scan3A_1698, %mul3A_1699 : i32
    %multiple_of3A_1701 = tpu.assume_multiple %mul3A_1700, 160 : i32
    %mul3A_1702 = arith.constant 8 : i32
    %mul3A_1703 = arith.muli %scan3A_1698, %mul3A_1702 : i32
    %multiple_of3A_1704 = tpu.assume_multiple %mul3A_1703, 8 : i32
    %get3A_1705 = arith.index_cast %multiple_of3A_1701 : i32 to index
    %get3A_1706 = arith.constant 0 : index
    %get3A_1707 = vector.load %arg7[%get3A_1705, %get3A_1706] : memref<5120x128xbf16, #tpu.memory_space<vmem>>, vector<160x128xbf16>
    %get3A_1708 = arith.index_cast %multiple_of3A_1701 : i32 to index
    %get3A_1709 = arith.constant 0 : index
    %get3A_1710 = vector.load %arg8[%get3A_1708, %get3A_1709] : memref<5120x160xf32, #tpu.memory_space<vmem>>, vector<160x160xf32>
    %add3A_1711 = arith.addf %get3A_1710, %get3A_7 : vector<160x160xf32>
    %ge3A_1712 = arith.constant 9.950000e+01 : f32
    %ge3A_1713 = vector.broadcast %ge3A_1712 : f32 to vector<160x160xf32>
    %ge3A_1714 = arith.cmpf oge, %add3A_1711, %ge3A_1713 : vector<160x160xf32>
    %jit3A_1715 = arith.constant -6.000000e+02 : f32
    %jit3A_1716 = arith.constant -3.000000e+02 : f32
    %broadcast_in_dim3A_1717 = vector.broadcast %jit3A_1715 : f32 to vector<160x160xf32>
    %broadcast_in_dim3A_1718 = vector.broadcast %jit3A_1716 : f32 to vector<160x160xf32>
    %select_n3A_1719 = arith.select %ge3A_1714, %broadcast_in_dim3A_1717, %broadcast_in_dim3A_1718 : vector<160x160xi1>, vector<160x160xf32>
    %slice3A_1720 = vector.extract_strided_slice %convert_element_type3A {offsets = [0, 0], sizes = [1, 128], strides = [1, 1]} : vector<8x128xbf16> to vector<1x128xbf16>
    %mul3A_1721 = vector.broadcast %slice3A_1720 : vector<1x128xbf16> to vector<160x128xbf16>
    %mul3A_1722 = arith.mulf %get3A_1707, %mul3A_1721 : vector<160x128xbf16>
    %dot_general3A_1723 = arith.constant dense<0.000000e+00> : vector<160x160xf32>
    %dot_general3A_1724 = tpu.matmul %mul3A_1722, %get3A_1707, %dot_general3A_1723 {dimension_numbers = #tpu.dot_dimension_numbers<[1], [1], [0], [0], [0, 0, 1, 0], [], []>, transpose_lhs_hint = false} : vector<160x128xbf16>, vector<160x128xbf16>, vector<160x160xf32> -> vector<160x160xf32>
    %eq3A_1725 = arith.constant 1.000000e+00 : f32
    %eq3A_1726 = vector.broadcast %eq3A_1725 : f32 to vector<160x160xf32>
    %eq3A_1727 = arith.cmpf oeq, %add3A_1711, %eq3A_1726 : vector<160x160xf32>
    %select_n3A_1728 = arith.select %eq3A_1727, %dot_general3A_1724, %select_n3A_1719 : vector<160x160xi1>, vector<160x160xf32>
    %slice3A_1729 = vector.extract_strided_slice %convert_element_type3A {offsets = [1, 0], sizes = [1, 128], strides = [1, 1]} : vector<8x128xbf16> to vector<1x128xbf16>
    %mul3A_1730 = vector.broadcast %slice3A_1729 : vector<1x128xbf16> to vector<160x128xbf16>
    %mul3A_1731 = arith.mulf %get3A_1707, %mul3A_1730 : vector<160x128xbf16>
    %dot_general3A_1732 = arith.constant dense<0.000000e+00> : vector<160x160xf32>
    %dot_general3A_1733 = tpu.matmul %mul3A_1731, %get3A_1707, %dot_general3A_1732 {dimension_numbers = #tpu.dot_dimension_numbers<[1], [1], [0], [0], [0, 0, 1, 0], [], []>, transpose_lhs_hint = false} : vector<160x128xbf16>, vector<160x128xbf16>, vector<160x160xf32> -> vector<160x160xf32>
    %eq3A_1734 = arith.constant 2.000000e+00 : f32
    %eq3A_1735 = vector.broadcast %eq3A_1734 : f32 to vector<160x160xf32>
    %eq3A_1736 = arith.cmpf oeq, %add3A_1711, %eq3A_1735 : vector<160x160xf32>
    %select_n3A_1737 = arith.select %eq3A_1736, %dot_general3A_1733, %select_n3A_1728 : vector<160x160xi1>, vector<160x160xf32>
    %slice3A_1738 = vector.extract_strided_slice %convert_element_type3A {offsets = [2, 0], sizes = [1, 128], strides = [1, 1]} : vector<8x128xbf16> to vector<1x128xbf16>
    %mul3A_1739 = vector.broadcast %slice3A_1738 : vector<1x128xbf16> to vector<160x128xbf16>
    %mul3A_1740 = arith.mulf %get3A_1707, %mul3A_1739 : vector<160x128xbf16>
    %dot_general3A_1741 = arith.constant dense<0.000000e+00> : vector<160x160xf32>
    %dot_general3A_1742 = tpu.matmul %mul3A_1740, %get3A_1707, %dot_general3A_1741 {dimension_numbers = #tpu.dot_dimension_numbers<[1], [1], [0], [0], [0, 0, 1, 0], [], []>, transpose_lhs_hint = false} : vector<160x128xbf16>, vector<160x128xbf16>, vector<160x160xf32> -> vector<160x160xf32>
    %eq3A_1743 = arith.constant 3.000000e+00 : f32
    %eq3A_1744 = vector.broadcast %eq3A_1743 : f32 to vector<160x160xf32>
    %eq3A_1745 = arith.cmpf oeq, %add3A_1711, %eq3A_1744 : vector<160x160xf32>
    %select_n3A_1746 = arith.select %eq3A_1745, %dot_general3A_1742, %select_n3A_1737 : vector<160x160xi1>, vector<160x160xf32>
    %slice3A_1747 = vector.extract_strided_slice %convert_element_type3A {offsets = [3, 0], sizes = [1, 128], strides = [1, 1]} : vector<8x128xbf16> to vector<1x128xbf16>
    %mul3A_1748 = vector.broadcast %slice3A_1747 : vector<1x128xbf16> to vector<160x128xbf16>
    %mul3A_1749 = arith.mulf %get3A_1707, %mul3A_1748 : vector<160x128xbf16>
    %dot_general3A_1750 = arith.constant dense<0.000000e+00> : vector<160x160xf32>
    %dot_general3A_1751 = tpu.matmul %mul3A_1749, %get3A_1707, %dot_general3A_1750 {dimension_numbers = #tpu.dot_dimension_numbers<[1], [1], [0], [0], [0, 0, 1, 0], [], []>, transpose_lhs_hint = false} : vector<160x128xbf16>, vector<160x128xbf16>, vector<160x160xf32> -> vector<160x160xf32>
    %eq3A_1752 = arith.constant 4.000000e+00 : f32
    %eq3A_1753 = vector.broadcast %eq3A_1752 : f32 to vector<160x160xf32>
    %eq3A_1754 = arith.cmpf oeq, %add3A_1711, %eq3A_1753 : vector<160x160xf32>
    %select_n3A_1755 = arith.select %eq3A_1754, %dot_general3A_1751, %select_n3A_1746 : vector<160x160xi1>, vector<160x160xf32>
    %ge3A_1756 = arith.constant 0.000000e+00 : f32
    %ge3A_1757 = vector.broadcast %ge3A_1756 : f32 to vector<160x160xf32>
    %ge3A_1758 = arith.cmpf oge, %select_n3A_1755, %ge3A_1757 : vector<160x160xf32>
    %mul3A_1759 = arith.constant 2.000000e-01 : f32
    %mul3A_1760 = vector.broadcast %mul3A_1759 : f32 to vector<160x160xf32>
    %mul3A_1761 = arith.mulf %mul3A_1760, %select_n3A_1755 : vector<160x160xf32>
    %select_n3A_1762 = arith.select %ge3A_1758, %select_n3A_1755, %mul3A_1761 : vector<160x160xi1>, vector<160x160xf32>
    %exp3A_1763 = math.exp %select_n3A_1762 : vector<160x160xf32>
    %reduce_sum3A_1764 = arith.constant dense<0.000000e+00> : vector<160xf32>
    %reduce_sum3A_1765 = vector.multi_reduction <add>, %exp3A_1763, %reduce_sum3A_1764 [1] : vector<160x160xf32> to vector<160xf32>
    %broadcast_in_dim3A_1766 = vector.shape_cast %reduce_sum3A_1765 : vector<160xf32> to vector<160x1xf32>
    %div3A_1767 = vector.broadcast %broadcast_in_dim3A_1766 : vector<160x1xf32> to vector<160x160xf32>
    %div3A_1768 = arith.divf %exp3A_1763, %div3A_1767 : vector<160x160xf32>
    %convert_element_type3A_1769 = arith.truncf %div3A_1768 : vector<160x160xf32> to vector<160x160xbf16>
    %dot_general3A_1770 = arith.constant dense<0.000000e+00> : vector<160x128xf32>
    %dot_general3A_1771 = tpu.matmul %convert_element_type3A_1769, %get3A_1707, %dot_general3A_1770 {dimension_numbers = #tpu.dot_dimension_numbers<[1], [0], [0], [1], [0, 0, 1, 1], [], []>, transpose_lhs_hint = false} : vector<160x160xbf16>, vector<160x128xbf16>, vector<160x128xf32> -> vector<160x128xf32>
    %reshape3A_1772 = vector.shape_cast %dot_general3A_1771 : vector<160x128xf32> to vector<8x20x128xf32>
    %transpose3A_1773 = tpu.transpose %reshape3A_1772, [1, 0, 2] : vector<8x20x128xf32> -> vector<20x8x128xf32>
    %swap3A_1774 = arith.constant 0 : index
    %swap3A_1775 = arith.index_cast %multiple_of3A_1704 : i32 to index
    %swap3A_1776 = arith.constant 0 : index
    %swap3A_1777 = vector.load %arg6[%swap3A_1774, %swap3A_1775, %swap3A_1776] : memref<20x256x128xf32, #tpu.memory_space<vmem>>, vector<20x8x128xf32>
    tpu.vector_store %arg6[%swap3A_1774, %swap3A_1775, %swap3A_1776], %transpose3A_1773 {strides = array<i32>} : memref<20x256x128xf32, #tpu.memory_space<vmem>>, vector<20x8x128xf32>,
    %scan3A_1778 = arith.constant 22 : i32
    %mul3A_1779 = arith.constant 160 : i32
    %mul3A_1780 = arith.muli %scan3A_1778, %mul3A_1779 : i32
    %multiple_of3A_1781 = tpu.assume_multiple %mul3A_1780, 160 : i32
    %mul3A_1782 = arith.constant 8 : i32
    %mul3A_1783 = arith.muli %scan3A_1778, %mul3A_1782 : i32
    %multiple_of3A_1784 = tpu.assume_multiple %mul3A_1783, 8 : i32
    %get3A_1785 = arith.index_cast %multiple_of3A_1781 : i32 to index
    %get3A_1786 = arith.constant 0 : index
    %get3A_1787 = vector.load %arg7[%get3A_1785, %get3A_1786] : memref<5120x128xbf16, #tpu.memory_space<vmem>>, vector<160x128xbf16>
    %get3A_1788 = arith.index_cast %multiple_of3A_1781 : i32 to index
    %get3A_1789 = arith.constant 0 : index
    %get3A_1790 = vector.load %arg8[%get3A_1788, %get3A_1789] : memref<5120x160xf32, #tpu.memory_space<vmem>>, vector<160x160xf32>
    %add3A_1791 = arith.addf %get3A_1790, %get3A_7 : vector<160x160xf32>
    %ge3A_1792 = arith.constant 9.950000e+01 : f32
    %ge3A_1793 = vector.broadcast %ge3A_1792 : f32 to vector<160x160xf32>
    %ge3A_1794 = arith.cmpf oge, %add3A_1791, %ge3A_1793 : vector<160x160xf32>
    %jit3A_1795 = arith.constant -6.000000e+02 : f32
    %jit3A_1796 = arith.constant -3.000000e+02 : f32
    %broadcast_in_dim3A_1797 = vector.broadcast %jit3A_1795 : f32 to vector<160x160xf32>
    %broadcast_in_dim3A_1798 = vector.broadcast %jit3A_1796 : f32 to vector<160x160xf32>
    %select_n3A_1799 = arith.select %ge3A_1794, %broadcast_in_dim3A_1797, %broadcast_in_dim3A_1798 : vector<160x160xi1>, vector<160x160xf32>
    %slice3A_1800 = vector.extract_strided_slice %convert_element_type3A {offsets = [0, 0], sizes = [1, 128], strides = [1, 1]} : vector<8x128xbf16> to vector<1x128xbf16>
    %mul3A_1801 = vector.broadcast %slice3A_1800 : vector<1x128xbf16> to vector<160x128xbf16>
    %mul3A_1802 = arith.mulf %get3A_1787, %mul3A_1801 : vector<160x128xbf16>
    %dot_general3A_1803 = arith.constant dense<0.000000e+00> : vector<160x160xf32>
    %dot_general3A_1804 = tpu.matmul %mul3A_1802, %get3A_1787, %dot_general3A_1803 {dimension_numbers = #tpu.dot_dimension_numbers<[1], [1], [0], [0], [0, 0, 1, 0], [], []>, transpose_lhs_hint = false} : vector<160x128xbf16>, vector<160x128xbf16>, vector<160x160xf32> -> vector<160x160xf32>
    %eq3A_1805 = arith.constant 1.000000e+00 : f32
    %eq3A_1806 = vector.broadcast %eq3A_1805 : f32 to vector<160x160xf32>
    %eq3A_1807 = arith.cmpf oeq, %add3A_1791, %eq3A_1806 : vector<160x160xf32>
    %select_n3A_1808 = arith.select %eq3A_1807, %dot_general3A_1804, %select_n3A_1799 : vector<160x160xi1>, vector<160x160xf32>
    %slice3A_1809 = vector.extract_strided_slice %convert_element_type3A {offsets = [1, 0], sizes = [1, 128], strides = [1, 1]} : vector<8x128xbf16> to vector<1x128xbf16>
    %mul3A_1810 = vector.broadcast %slice3A_1809 : vector<1x128xbf16> to vector<160x128xbf16>
    %mul3A_1811 = arith.mulf %get3A_1787, %mul3A_1810 : vector<160x128xbf16>
    %dot_general3A_1812 = arith.constant dense<0.000000e+00> : vector<160x160xf32>
    %dot_general3A_1813 = tpu.matmul %mul3A_1811, %get3A_1787, %dot_general3A_1812 {dimension_numbers = #tpu.dot_dimension_numbers<[1], [1], [0], [0], [0, 0, 1, 0], [], []>, transpose_lhs_hint = false} : vector<160x128xbf16>, vector<160x128xbf16>, vector<160x160xf32> -> vector<160x160xf32>
    %eq3A_1814 = arith.constant 2.000000e+00 : f32
    %eq3A_1815 = vector.broadcast %eq3A_1814 : f32 to vector<160x160xf32>
    %eq3A_1816 = arith.cmpf oeq, %add3A_1791, %eq3A_1815 : vector<160x160xf32>
    %select_n3A_1817 = arith.select %eq3A_1816, %dot_general3A_1813, %select_n3A_1808 : vector<160x160xi1>, vector<160x160xf32>
    %slice3A_1818 = vector.extract_strided_slice %convert_element_type3A {offsets = [2, 0], sizes = [1, 128], strides = [1, 1]} : vector<8x128xbf16> to vector<1x128xbf16>
    %mul3A_1819 = vector.broadcast %slice3A_1818 : vector<1x128xbf16> to vector<160x128xbf16>
    %mul3A_1820 = arith.mulf %get3A_1787, %mul3A_1819 : vector<160x128xbf16>
    %dot_general3A_1821 = arith.constant dense<0.000000e+00> : vector<160x160xf32>
    %dot_general3A_1822 = tpu.matmul %mul3A_1820, %get3A_1787, %dot_general3A_1821 {dimension_numbers = #tpu.dot_dimension_numbers<[1], [1], [0], [0], [0, 0, 1, 0], [], []>, transpose_lhs_hint = false} : vector<160x128xbf16>, vector<160x128xbf16>, vector<160x160xf32> -> vector<160x160xf32>
    %eq3A_1823 = arith.constant 3.000000e+00 : f32
    %eq3A_1824 = vector.broadcast %eq3A_1823 : f32 to vector<160x160xf32>
    %eq3A_1825 = arith.cmpf oeq, %add3A_1791, %eq3A_1824 : vector<160x160xf32>
    %select_n3A_1826 = arith.select %eq3A_1825, %dot_general3A_1822, %select_n3A_1817 : vector<160x160xi1>, vector<160x160xf32>
    %slice3A_1827 = vector.extract_strided_slice %convert_element_type3A {offsets = [3, 0], sizes = [1, 128], strides = [1, 1]} : vector<8x128xbf16> to vector<1x128xbf16>
    %mul3A_1828 = vector.broadcast %slice3A_1827 : vector<1x128xbf16> to vector<160x128xbf16>
    %mul3A_1829 = arith.mulf %get3A_1787, %mul3A_1828 : vector<160x128xbf16>
    %dot_general3A_1830 = arith.constant dense<0.000000e+00> : vector<160x160xf32>
    %dot_general3A_1831 = tpu.matmul %mul3A_1829, %get3A_1787, %dot_general3A_1830 {dimension_numbers = #tpu.dot_dimension_numbers<[1], [1], [0], [0], [0, 0, 1, 0], [], []>, transpose_lhs_hint = false} : vector<160x128xbf16>, vector<160x128xbf16>, vector<160x160xf32> -> vector<160x160xf32>
    %eq3A_1832 = arith.constant 4.000000e+00 : f32
    %eq3A_1833 = vector.broadcast %eq3A_1832 : f32 to vector<160x160xf32>
    %eq3A_1834 = arith.cmpf oeq, %add3A_1791, %eq3A_1833 : vector<160x160xf32>
    %select_n3A_1835 = arith.select %eq3A_1834, %dot_general3A_1831, %select_n3A_1826 : vector<160x160xi1>, vector<160x160xf32>
    %ge3A_1836 = arith.constant 0.000000e+00 : f32
    %ge3A_1837 = vector.broadcast %ge3A_1836 : f32 to vector<160x160xf32>
    %ge3A_1838 = arith.cmpf oge, %select_n3A_1835, %ge3A_1837 : vector<160x160xf32>
    %mul3A_1839 = arith.constant 2.000000e-01 : f32
    %mul3A_1840 = vector.broadcast %mul3A_1839 : f32 to vector<160x160xf32>
    %mul3A_1841 = arith.mulf %mul3A_1840, %select_n3A_1835 : vector<160x160xf32>
    %select_n3A_1842 = arith.select %ge3A_1838, %select_n3A_1835, %mul3A_1841 : vector<160x160xi1>, vector<160x160xf32>
    %exp3A_1843 = math.exp %select_n3A_1842 : vector<160x160xf32>
    %reduce_sum3A_1844 = arith.constant dense<0.000000e+00> : vector<160xf32>
    %reduce_sum3A_1845 = vector.multi_reduction <add>, %exp3A_1843, %reduce_sum3A_1844 [1] : vector<160x160xf32> to vector<160xf32>
    %broadcast_in_dim3A_1846 = vector.shape_cast %reduce_sum3A_1845 : vector<160xf32> to vector<160x1xf32>
    %div3A_1847 = vector.broadcast %broadcast_in_dim3A_1846 : vector<160x1xf32> to vector<160x160xf32>
    %div3A_1848 = arith.divf %exp3A_1843, %div3A_1847 : vector<160x160xf32>
    %convert_element_type3A_1849 = arith.truncf %div3A_1848 : vector<160x160xf32> to vector<160x160xbf16>
    %dot_general3A_1850 = arith.constant dense<0.000000e+00> : vector<160x128xf32>
    %dot_general3A_1851 = tpu.matmul %convert_element_type3A_1849, %get3A_1787, %dot_general3A_1850 {dimension_numbers = #tpu.dot_dimension_numbers<[1], [0], [0], [1], [0, 0, 1, 1], [], []>, transpose_lhs_hint = false} : vector<160x160xbf16>, vector<160x128xbf16>, vector<160x128xf32> -> vector<160x128xf32>
    %reshape3A_1852 = vector.shape_cast %dot_general3A_1851 : vector<160x128xf32> to vector<8x20x128xf32>
    %transpose3A_1853 = tpu.transpose %reshape3A_1852, [1, 0, 2] : vector<8x20x128xf32> -> vector<20x8x128xf32>
    %swap3A_1854 = arith.constant 0 : index
    %swap3A_1855 = arith.index_cast %multiple_of3A_1784 : i32 to index
    %swap3A_1856 = arith.constant 0 : index
    %swap3A_1857 = vector.load %arg6[%swap3A_1854, %swap3A_1855, %swap3A_1856] : memref<20x256x128xf32, #tpu.memory_space<vmem>>, vector<20x8x128xf32>
    tpu.vector_store %arg6[%swap3A_1854, %swap3A_1855, %swap3A_1856], %transpose3A_1853 {strides = array<i32>} : memref<20x256x128xf32, #tpu.memory_space<vmem>>, vector<20x8x128xf32>,
    %scan3A_1858 = arith.constant 23 : i32
    %mul3A_1859 = arith.constant 160 : i32
    %mul3A_1860 = arith.muli %scan3A_1858, %mul3A_1859 : i32
    %multiple_of3A_1861 = tpu.assume_multiple %mul3A_1860, 160 : i32
    %mul3A_1862 = arith.constant 8 : i32
    %mul3A_1863 = arith.muli %scan3A_1858, %mul3A_1862 : i32
    %multiple_of3A_1864 = tpu.assume_multiple %mul3A_1863, 8 : i32
    %get3A_1865 = arith.index_cast %multiple_of3A_1861 : i32 to index
    %get3A_1866 = arith.constant 0 : index
    %get3A_1867 = vector.load %arg7[%get3A_1865, %get3A_1866] : memref<5120x128xbf16, #tpu.memory_space<vmem>>, vector<160x128xbf16>
    %get3A_1868 = arith.index_cast %multiple_of3A_1861 : i32 to index
    %get3A_1869 = arith.constant 0 : index
    %get3A_1870 = vector.load %arg8[%get3A_1868, %get3A_1869] : memref<5120x160xf32, #tpu.memory_space<vmem>>, vector<160x160xf32>
    %add3A_1871 = arith.addf %get3A_1870, %get3A_7 : vector<160x160xf32>
    %ge3A_1872 = arith.constant 9.950000e+01 : f32
    %ge3A_1873 = vector.broadcast %ge3A_1872 : f32 to vector<160x160xf32>
    %ge3A_1874 = arith.cmpf oge, %add3A_1871, %ge3A_1873 : vector<160x160xf32>
    %jit3A_1875 = arith.constant -6.000000e+02 : f32
    %jit3A_1876 = arith.constant -3.000000e+02 : f32
    %broadcast_in_dim3A_1877 = vector.broadcast %jit3A_1875 : f32 to vector<160x160xf32>
    %broadcast_in_dim3A_1878 = vector.broadcast %jit3A_1876 : f32 to vector<160x160xf32>
    %select_n3A_1879 = arith.select %ge3A_1874, %broadcast_in_dim3A_1877, %broadcast_in_dim3A_1878 : vector<160x160xi1>, vector<160x160xf32>
    %slice3A_1880 = vector.extract_strided_slice %convert_element_type3A {offsets = [0, 0], sizes = [1, 128], strides = [1, 1]} : vector<8x128xbf16> to vector<1x128xbf16>
    %mul3A_1881 = vector.broadcast %slice3A_1880 : vector<1x128xbf16> to vector<160x128xbf16>
    %mul3A_1882 = arith.mulf %get3A_1867, %mul3A_1881 : vector<160x128xbf16>
    %dot_general3A_1883 = arith.constant dense<0.000000e+00> : vector<160x160xf32>
    %dot_general3A_1884 = tpu.matmul %mul3A_1882, %get3A_1867, %dot_general3A_1883 {dimension_numbers = #tpu.dot_dimension_numbers<[1], [1], [0], [0], [0, 0, 1, 0], [], []>, transpose_lhs_hint = false} : vector<160x128xbf16>, vector<160x128xbf16>, vector<160x160xf32> -> vector<160x160xf32>
    %eq3A_1885 = arith.constant 1.000000e+00 : f32
    %eq3A_1886 = vector.broadcast %eq3A_1885 : f32 to vector<160x160xf32>
    %eq3A_1887 = arith.cmpf oeq, %add3A_1871, %eq3A_1886 : vector<160x160xf32>
    %select_n3A_1888 = arith.select %eq3A_1887, %dot_general3A_1884, %select_n3A_1879 : vector<160x160xi1>, vector<160x160xf32>
    %slice3A_1889 = vector.extract_strided_slice %convert_element_type3A {offsets = [1, 0], sizes = [1, 128], strides = [1, 1]} : vector<8x128xbf16> to vector<1x128xbf16>
    %mul3A_1890 = vector.broadcast %slice3A_1889 : vector<1x128xbf16> to vector<160x128xbf16>
    %mul3A_1891 = arith.mulf %get3A_1867, %mul3A_1890 : vector<160x128xbf16>
    %dot_general3A_1892 = arith.constant dense<0.000000e+00> : vector<160x160xf32>
    %dot_general3A_1893 = tpu.matmul %mul3A_1891, %get3A_1867, %dot_general3A_1892 {dimension_numbers = #tpu.dot_dimension_numbers<[1], [1], [0], [0], [0, 0, 1, 0], [], []>, transpose_lhs_hint = false} : vector<160x128xbf16>, vector<160x128xbf16>, vector<160x160xf32> -> vector<160x160xf32>
    %eq3A_1894 = arith.constant 2.000000e+00 : f32
    %eq3A_1895 = vector.broadcast %eq3A_1894 : f32 to vector<160x160xf32>
    %eq3A_1896 = arith.cmpf oeq, %add3A_1871, %eq3A_1895 : vector<160x160xf32>
    %select_n3A_1897 = arith.select %eq3A_1896, %dot_general3A_1893, %select_n3A_1888 : vector<160x160xi1>, vector<160x160xf32>
    %slice3A_1898 = vector.extract_strided_slice %convert_element_type3A {offsets = [2, 0], sizes = [1, 128], strides = [1, 1]} : vector<8x128xbf16> to vector<1x128xbf16>
    %mul3A_1899 = vector.broadcast %slice3A_1898 : vector<1x128xbf16> to vector<160x128xbf16>
    %mul3A_1900 = arith.mulf %get3A_1867, %mul3A_1899 : vector<160x128xbf16>
    %dot_general3A_1901 = arith.constant dense<0.000000e+00> : vector<160x160xf32>
    %dot_general3A_1902 = tpu.matmul %mul3A_1900, %get3A_1867, %dot_general3A_1901 {dimension_numbers = #tpu.dot_dimension_numbers<[1], [1], [0], [0], [0, 0, 1, 0], [], []>, transpose_lhs_hint = false} : vector<160x128xbf16>, vector<160x128xbf16>, vector<160x160xf32> -> vector<160x160xf32>
    %eq3A_1903 = arith.constant 3.000000e+00 : f32
    %eq3A_1904 = vector.broadcast %eq3A_1903 : f32 to vector<160x160xf32>
    %eq3A_1905 = arith.cmpf oeq, %add3A_1871, %eq3A_1904 : vector<160x160xf32>
    %select_n3A_1906 = arith.select %eq3A_1905, %dot_general3A_1902, %select_n3A_1897 : vector<160x160xi1>, vector<160x160xf32>
    %slice3A_1907 = vector.extract_strided_slice %convert_element_type3A {offsets = [3, 0], sizes = [1, 128], strides = [1, 1]} : vector<8x128xbf16> to vector<1x128xbf16>
    %mul3A_1908 = vector.broadcast %slice3A_1907 : vector<1x128xbf16> to vector<160x128xbf16>
    %mul3A_1909 = arith.mulf %get3A_1867, %mul3A_1908 : vector<160x128xbf16>
    %dot_general3A_1910 = arith.constant dense<0.000000e+00> : vector<160x160xf32>
    %dot_general3A_1911 = tpu.matmul %mul3A_1909, %get3A_1867, %dot_general3A_1910 {dimension_numbers = #tpu.dot_dimension_numbers<[1], [1], [0], [0], [0, 0, 1, 0], [], []>, transpose_lhs_hint = false} : vector<160x128xbf16>, vector<160x128xbf16>, vector<160x160xf32> -> vector<160x160xf32>
    %eq3A_1912 = arith.constant 4.000000e+00 : f32
    %eq3A_1913 = vector.broadcast %eq3A_1912 : f32 to vector<160x160xf32>
    %eq3A_1914 = arith.cmpf oeq, %add3A_1871, %eq3A_1913 : vector<160x160xf32>
    %select_n3A_1915 = arith.select %eq3A_1914, %dot_general3A_1911, %select_n3A_1906 : vector<160x160xi1>, vector<160x160xf32>
    %ge3A_1916 = arith.constant 0.000000e+00 : f32
    %ge3A_1917 = vector.broadcast %ge3A_1916 : f32 to vector<160x160xf32>
    %ge3A_1918 = arith.cmpf oge, %select_n3A_1915, %ge3A_1917 : vector<160x160xf32>
    %mul3A_1919 = arith.constant 2.000000e-01 : f32
    %mul3A_1920 = vector.broadcast %mul3A_1919 : f32 to vector<160x160xf32>
    %mul3A_1921 = arith.mulf %mul3A_1920, %select_n3A_1915 : vector<160x160xf32>
    %select_n3A_1922 = arith.select %ge3A_1918, %select_n3A_1915, %mul3A_1921 : vector<160x160xi1>, vector<160x160xf32>
    %exp3A_1923 = math.exp %select_n3A_1922 : vector<160x160xf32>
    %reduce_sum3A_1924 = arith.constant dense<0.000000e+00> : vector<160xf32>
    %reduce_sum3A_1925 = vector.multi_reduction <add>, %exp3A_1923, %reduce_sum3A_1924 [1] : vector<160x160xf32> to vector<160xf32>
    %broadcast_in_dim3A_1926 = vector.shape_cast %reduce_sum3A_1925 : vector<160xf32> to vector<160x1xf32>
    %div3A_1927 = vector.broadcast %broadcast_in_dim3A_1926 : vector<160x1xf32> to vector<160x160xf32>
    %div3A_1928 = arith.divf %exp3A_1923, %div3A_1927 : vector<160x160xf32>
    %convert_element_type3A_1929 = arith.truncf %div3A_1928 : vector<160x160xf32> to vector<160x160xbf16>
    %dot_general3A_1930 = arith.constant dense<0.000000e+00> : vector<160x128xf32>
    %dot_general3A_1931 = tpu.matmul %convert_element_type3A_1929, %get3A_1867, %dot_general3A_1930 {dimension_numbers = #tpu.dot_dimension_numbers<[1], [0], [0], [1], [0, 0, 1, 1], [], []>, transpose_lhs_hint = false} : vector<160x160xbf16>, vector<160x128xbf16>, vector<160x128xf32> -> vector<160x128xf32>
    %reshape3A_1932 = vector.shape_cast %dot_general3A_1931 : vector<160x128xf32> to vector<8x20x128xf32>
    %transpose3A_1933 = tpu.transpose %reshape3A_1932, [1, 0, 2] : vector<8x20x128xf32> -> vector<20x8x128xf32>
    %swap3A_1934 = arith.constant 0 : index
    %swap3A_1935 = arith.index_cast %multiple_of3A_1864 : i32 to index
    %swap3A_1936 = arith.constant 0 : index
    %swap3A_1937 = vector.load %arg6[%swap3A_1934, %swap3A_1935, %swap3A_1936] : memref<20x256x128xf32, #tpu.memory_space<vmem>>, vector<20x8x128xf32>
    tpu.vector_store %arg6[%swap3A_1934, %swap3A_1935, %swap3A_1936], %transpose3A_1933 {strides = array<i32>} : memref<20x256x128xf32, #tpu.memory_space<vmem>>, vector<20x8x128xf32>,
    %scan3A_1938 = arith.constant 24 : i32
    %mul3A_1939 = arith.constant 160 : i32
    %mul3A_1940 = arith.muli %scan3A_1938, %mul3A_1939 : i32
    %multiple_of3A_1941 = tpu.assume_multiple %mul3A_1940, 160 : i32
    %mul3A_1942 = arith.constant 8 : i32
    %mul3A_1943 = arith.muli %scan3A_1938, %mul3A_1942 : i32
    %multiple_of3A_1944 = tpu.assume_multiple %mul3A_1943, 8 : i32
    %get3A_1945 = arith.index_cast %multiple_of3A_1941 : i32 to index
    %get3A_1946 = arith.constant 0 : index
    %get3A_1947 = vector.load %arg7[%get3A_1945, %get3A_1946] : memref<5120x128xbf16, #tpu.memory_space<vmem>>, vector<160x128xbf16>
    %get3A_1948 = arith.index_cast %multiple_of3A_1941 : i32 to index
    %get3A_1949 = arith.constant 0 : index
    %get3A_1950 = vector.load %arg8[%get3A_1948, %get3A_1949] : memref<5120x160xf32, #tpu.memory_space<vmem>>, vector<160x160xf32>
    %add3A_1951 = arith.addf %get3A_1950, %get3A_7 : vector<160x160xf32>
    %ge3A_1952 = arith.constant 9.950000e+01 : f32
    %ge3A_1953 = vector.broadcast %ge3A_1952 : f32 to vector<160x160xf32>
    %ge3A_1954 = arith.cmpf oge, %add3A_1951, %ge3A_1953 : vector<160x160xf32>
    %jit3A_1955 = arith.constant -6.000000e+02 : f32
    %jit3A_1956 = arith.constant -3.000000e+02 : f32
    %broadcast_in_dim3A_1957 = vector.broadcast %jit3A_1955 : f32 to vector<160x160xf32>
    %broadcast_in_dim3A_1958 = vector.broadcast %jit3A_1956 : f32 to vector<160x160xf32>
    %select_n3A_1959 = arith.select %ge3A_1954, %broadcast_in_dim3A_1957, %broadcast_in_dim3A_1958 : vector<160x160xi1>, vector<160x160xf32>
    %slice3A_1960 = vector.extract_strided_slice %convert_element_type3A {offsets = [0, 0], sizes = [1, 128], strides = [1, 1]} : vector<8x128xbf16> to vector<1x128xbf16>
    %mul3A_1961 = vector.broadcast %slice3A_1960 : vector<1x128xbf16> to vector<160x128xbf16>
    %mul3A_1962 = arith.mulf %get3A_1947, %mul3A_1961 : vector<160x128xbf16>
    %dot_general3A_1963 = arith.constant dense<0.000000e+00> : vector<160x160xf32>
    %dot_general3A_1964 = tpu.matmul %mul3A_1962, %get3A_1947, %dot_general3A_1963 {dimension_numbers = #tpu.dot_dimension_numbers<[1], [1], [0], [0], [0, 0, 1, 0], [], []>, transpose_lhs_hint = false} : vector<160x128xbf16>, vector<160x128xbf16>, vector<160x160xf32> -> vector<160x160xf32>
    %eq3A_1965 = arith.constant 1.000000e+00 : f32
    %eq3A_1966 = vector.broadcast %eq3A_1965 : f32 to vector<160x160xf32>
    %eq3A_1967 = arith.cmpf oeq, %add3A_1951, %eq3A_1966 : vector<160x160xf32>
    %select_n3A_1968 = arith.select %eq3A_1967, %dot_general3A_1964, %select_n3A_1959 : vector<160x160xi1>, vector<160x160xf32>
    %slice3A_1969 = vector.extract_strided_slice %convert_element_type3A {offsets = [1, 0], sizes = [1, 128], strides = [1, 1]} : vector<8x128xbf16> to vector<1x128xbf16>
    %mul3A_1970 = vector.broadcast %slice3A_1969 : vector<1x128xbf16> to vector<160x128xbf16>
    %mul3A_1971 = arith.mulf %get3A_1947, %mul3A_1970 : vector<160x128xbf16>
    %dot_general3A_1972 = arith.constant dense<0.000000e+00> : vector<160x160xf32>
    %dot_general3A_1973 = tpu.matmul %mul3A_1971, %get3A_1947, %dot_general3A_1972 {dimension_numbers = #tpu.dot_dimension_numbers<[1], [1], [0], [0], [0, 0, 1, 0], [], []>, transpose_lhs_hint = false} : vector<160x128xbf16>, vector<160x128xbf16>, vector<160x160xf32> -> vector<160x160xf32>
    %eq3A_1974 = arith.constant 2.000000e+00 : f32
    %eq3A_1975 = vector.broadcast %eq3A_1974 : f32 to vector<160x160xf32>
    %eq3A_1976 = arith.cmpf oeq, %add3A_1951, %eq3A_1975 : vector<160x160xf32>
    %select_n3A_1977 = arith.select %eq3A_1976, %dot_general3A_1973, %select_n3A_1968 : vector<160x160xi1>, vector<160x160xf32>
    %slice3A_1978 = vector.extract_strided_slice %convert_element_type3A {offsets = [2, 0], sizes = [1, 128], strides = [1, 1]} : vector<8x128xbf16> to vector<1x128xbf16>
    %mul3A_1979 = vector.broadcast %slice3A_1978 : vector<1x128xbf16> to vector<160x128xbf16>
    %mul3A_1980 = arith.mulf %get3A_1947, %mul3A_1979 : vector<160x128xbf16>
    %dot_general3A_1981 = arith.constant dense<0.000000e+00> : vector<160x160xf32>
    %dot_general3A_1982 = tpu.matmul %mul3A_1980, %get3A_1947, %dot_general3A_1981 {dimension_numbers = #tpu.dot_dimension_numbers<[1], [1], [0], [0], [0, 0, 1, 0], [], []>, transpose_lhs_hint = false} : vector<160x128xbf16>, vector<160x128xbf16>, vector<160x160xf32> -> vector<160x160xf32>
    %eq3A_1983 = arith.constant 3.000000e+00 : f32
    %eq3A_1984 = vector.broadcast %eq3A_1983 : f32 to vector<160x160xf32>
    %eq3A_1985 = arith.cmpf oeq, %add3A_1951, %eq3A_1984 : vector<160x160xf32>
    %select_n3A_1986 = arith.select %eq3A_1985, %dot_general3A_1982, %select_n3A_1977 : vector<160x160xi1>, vector<160x160xf32>
    %slice3A_1987 = vector.extract_strided_slice %convert_element_type3A {offsets = [3, 0], sizes = [1, 128], strides = [1, 1]} : vector<8x128xbf16> to vector<1x128xbf16>
    %mul3A_1988 = vector.broadcast %slice3A_1987 : vector<1x128xbf16> to vector<160x128xbf16>
    %mul3A_1989 = arith.mulf %get3A_1947, %mul3A_1988 : vector<160x128xbf16>
    %dot_general3A_1990 = arith.constant dense<0.000000e+00> : vector<160x160xf32>
    %dot_general3A_1991 = tpu.matmul %mul3A_1989, %get3A_1947, %dot_general3A_1990 {dimension_numbers = #tpu.dot_dimension_numbers<[1], [1], [0], [0], [0, 0, 1, 0], [], []>, transpose_lhs_hint = false} : vector<160x128xbf16>, vector<160x128xbf16>, vector<160x160xf32> -> vector<160x160xf32>
    %eq3A_1992 = arith.constant 4.000000e+00 : f32
    %eq3A_1993 = vector.broadcast %eq3A_1992 : f32 to vector<160x160xf32>
    %eq3A_1994 = arith.cmpf oeq, %add3A_1951, %eq3A_1993 : vector<160x160xf32>
    %select_n3A_1995 = arith.select %eq3A_1994, %dot_general3A_1991, %select_n3A_1986 : vector<160x160xi1>, vector<160x160xf32>
    %ge3A_1996 = arith.constant 0.000000e+00 : f32
    %ge3A_1997 = vector.broadcast %ge3A_1996 : f32 to vector<160x160xf32>
    %ge3A_1998 = arith.cmpf oge, %select_n3A_1995, %ge3A_1997 : vector<160x160xf32>
    %mul3A_1999 = arith.constant 2.000000e-01 : f32
    %mul3A_2000 = vector.broadcast %mul3A_1999 : f32 to vector<160x160xf32>
    %mul3A_2001 = arith.mulf %mul3A_2000, %select_n3A_1995 : vector<160x160xf32>
    %select_n3A_2002 = arith.select %ge3A_1998, %select_n3A_1995, %mul3A_2001 : vector<160x160xi1>, vector<160x160xf32>
    %exp3A_2003 = math.exp %select_n3A_2002 : vector<160x160xf32>
    %reduce_sum3A_2004 = arith.constant dense<0.000000e+00> : vector<160xf32>
    %reduce_sum3A_2005 = vector.multi_reduction <add>, %exp3A_2003, %reduce_sum3A_2004 [1] : vector<160x160xf32> to vector<160xf32>
    %broadcast_in_dim3A_2006 = vector.shape_cast %reduce_sum3A_2005 : vector<160xf32> to vector<160x1xf32>
    %div3A_2007 = vector.broadcast %broadcast_in_dim3A_2006 : vector<160x1xf32> to vector<160x160xf32>
    %div3A_2008 = arith.divf %exp3A_2003, %div3A_2007 : vector<160x160xf32>
    %convert_element_type3A_2009 = arith.truncf %div3A_2008 : vector<160x160xf32> to vector<160x160xbf16>
    %dot_general3A_2010 = arith.constant dense<0.000000e+00> : vector<160x128xf32>
    %dot_general3A_2011 = tpu.matmul %convert_element_type3A_2009, %get3A_1947, %dot_general3A_2010 {dimension_numbers = #tpu.dot_dimension_numbers<[1], [0], [0], [1], [0, 0, 1, 1], [], []>, transpose_lhs_hint = false} : vector<160x160xbf16>, vector<160x128xbf16>, vector<160x128xf32> -> vector<160x128xf32>
    %reshape3A_2012 = vector.shape_cast %dot_general3A_2011 : vector<160x128xf32> to vector<8x20x128xf32>
    %transpose3A_2013 = tpu.transpose %reshape3A_2012, [1, 0, 2] : vector<8x20x128xf32> -> vector<20x8x128xf32>
    %swap3A_2014 = arith.constant 0 : index
    %swap3A_2015 = arith.index_cast %multiple_of3A_1944 : i32 to index
    %swap3A_2016 = arith.constant 0 : index
    %swap3A_2017 = vector.load %arg6[%swap3A_2014, %swap3A_2015, %swap3A_2016] : memref<20x256x128xf32, #tpu.memory_space<vmem>>, vector<20x8x128xf32>
    tpu.vector_store %arg6[%swap3A_2014, %swap3A_2015, %swap3A_2016], %transpose3A_2013 {strides = array<i32>} : memref<20x256x128xf32, #tpu.memory_space<vmem>>, vector<20x8x128xf32>,
    %scan3A_2018 = arith.constant 25 : i32
    %mul3A_2019 = arith.constant 160 : i32
    %mul3A_2020 = arith.muli %scan3A_2018, %mul3A_2019 : i32
    %multiple_of3A_2021 = tpu.assume_multiple %mul3A_2020, 160 : i32
    %mul3A_2022 = arith.constant 8 : i32
    %mul3A_2023 = arith.muli %scan3A_2018, %mul3A_2022 : i32
    %multiple_of3A_2024 = tpu.assume_multiple %mul3A_2023, 8 : i32
    %get3A_2025 = arith.index_cast %multiple_of3A_2021 : i32 to index
    %get3A_2026 = arith.constant 0 : index
    %get3A_2027 = vector.load %arg7[%get3A_2025, %get3A_2026] : memref<5120x128xbf16, #tpu.memory_space<vmem>>, vector<160x128xbf16>
    %get3A_2028 = arith.index_cast %multiple_of3A_2021 : i32 to index
    %get3A_2029 = arith.constant 0 : index
    %get3A_2030 = vector.load %arg8[%get3A_2028, %get3A_2029] : memref<5120x160xf32, #tpu.memory_space<vmem>>, vector<160x160xf32>
    %add3A_2031 = arith.addf %get3A_2030, %get3A_7 : vector<160x160xf32>
    %ge3A_2032 = arith.constant 9.950000e+01 : f32
    %ge3A_2033 = vector.broadcast %ge3A_2032 : f32 to vector<160x160xf32>
    %ge3A_2034 = arith.cmpf oge, %add3A_2031, %ge3A_2033 : vector<160x160xf32>
    %jit3A_2035 = arith.constant -6.000000e+02 : f32
    %jit3A_2036 = arith.constant -3.000000e+02 : f32
    %broadcast_in_dim3A_2037 = vector.broadcast %jit3A_2035 : f32 to vector<160x160xf32>
    %broadcast_in_dim3A_2038 = vector.broadcast %jit3A_2036 : f32 to vector<160x160xf32>
    %select_n3A_2039 = arith.select %ge3A_2034, %broadcast_in_dim3A_2037, %broadcast_in_dim3A_2038 : vector<160x160xi1>, vector<160x160xf32>
    %slice3A_2040 = vector.extract_strided_slice %convert_element_type3A {offsets = [0, 0], sizes = [1, 128], strides = [1, 1]} : vector<8x128xbf16> to vector<1x128xbf16>
    %mul3A_2041 = vector.broadcast %slice3A_2040 : vector<1x128xbf16> to vector<160x128xbf16>
    %mul3A_2042 = arith.mulf %get3A_2027, %mul3A_2041 : vector<160x128xbf16>
    %dot_general3A_2043 = arith.constant dense<0.000000e+00> : vector<160x160xf32>
    %dot_general3A_2044 = tpu.matmul %mul3A_2042, %get3A_2027, %dot_general3A_2043 {dimension_numbers = #tpu.dot_dimension_numbers<[1], [1], [0], [0], [0, 0, 1, 0], [], []>, transpose_lhs_hint = false} : vector<160x128xbf16>, vector<160x128xbf16>, vector<160x160xf32> -> vector<160x160xf32>
    %eq3A_2045 = arith.constant 1.000000e+00 : f32
    %eq3A_2046 = vector.broadcast %eq3A_2045 : f32 to vector<160x160xf32>
    %eq3A_2047 = arith.cmpf oeq, %add3A_2031, %eq3A_2046 : vector<160x160xf32>
    %select_n3A_2048 = arith.select %eq3A_2047, %dot_general3A_2044, %select_n3A_2039 : vector<160x160xi1>, vector<160x160xf32>
    %slice3A_2049 = vector.extract_strided_slice %convert_element_type3A {offsets = [1, 0], sizes = [1, 128], strides = [1, 1]} : vector<8x128xbf16> to vector<1x128xbf16>
    %mul3A_2050 = vector.broadcast %slice3A_2049 : vector<1x128xbf16> to vector<160x128xbf16>
    %mul3A_2051 = arith.mulf %get3A_2027, %mul3A_2050 : vector<160x128xbf16>
    %dot_general3A_2052 = arith.constant dense<0.000000e+00> : vector<160x160xf32>
    %dot_general3A_2053 = tpu.matmul %mul3A_2051, %get3A_2027, %dot_general3A_2052 {dimension_numbers = #tpu.dot_dimension_numbers<[1], [1], [0], [0], [0, 0, 1, 0], [], []>, transpose_lhs_hint = false} : vector<160x128xbf16>, vector<160x128xbf16>, vector<160x160xf32> -> vector<160x160xf32>
    %eq3A_2054 = arith.constant 2.000000e+00 : f32
    %eq3A_2055 = vector.broadcast %eq3A_2054 : f32 to vector<160x160xf32>
    %eq3A_2056 = arith.cmpf oeq, %add3A_2031, %eq3A_2055 : vector<160x160xf32>
    %select_n3A_2057 = arith.select %eq3A_2056, %dot_general3A_2053, %select_n3A_2048 : vector<160x160xi1>, vector<160x160xf32>
    %slice3A_2058 = vector.extract_strided_slice %convert_element_type3A {offsets = [2, 0], sizes = [1, 128], strides = [1, 1]} : vector<8x128xbf16> to vector<1x128xbf16>
    %mul3A_2059 = vector.broadcast %slice3A_2058 : vector<1x128xbf16> to vector<160x128xbf16>
    %mul3A_2060 = arith.mulf %get3A_2027, %mul3A_2059 : vector<160x128xbf16>
    %dot_general3A_2061 = arith.constant dense<0.000000e+00> : vector<160x160xf32>
    %dot_general3A_2062 = tpu.matmul %mul3A_2060, %get3A_2027, %dot_general3A_2061 {dimension_numbers = #tpu.dot_dimension_numbers<[1], [1], [0], [0], [0, 0, 1, 0], [], []>, transpose_lhs_hint = false} : vector<160x128xbf16>, vector<160x128xbf16>, vector<160x160xf32> -> vector<160x160xf32>
    %eq3A_2063 = arith.constant 3.000000e+00 : f32
    %eq3A_2064 = vector.broadcast %eq3A_2063 : f32 to vector<160x160xf32>
    %eq3A_2065 = arith.cmpf oeq, %add3A_2031, %eq3A_2064 : vector<160x160xf32>
    %select_n3A_2066 = arith.select %eq3A_2065, %dot_general3A_2062, %select_n3A_2057 : vector<160x160xi1>, vector<160x160xf32>
    %slice3A_2067 = vector.extract_strided_slice %convert_element_type3A {offsets = [3, 0], sizes = [1, 128], strides = [1, 1]} : vector<8x128xbf16> to vector<1x128xbf16>
    %mul3A_2068 = vector.broadcast %slice3A_2067 : vector<1x128xbf16> to vector<160x128xbf16>
    %mul3A_2069 = arith.mulf %get3A_2027, %mul3A_2068 : vector<160x128xbf16>
    %dot_general3A_2070 = arith.constant dense<0.000000e+00> : vector<160x160xf32>
    %dot_general3A_2071 = tpu.matmul %mul3A_2069, %get3A_2027, %dot_general3A_2070 {dimension_numbers = #tpu.dot_dimension_numbers<[1], [1], [0], [0], [0, 0, 1, 0], [], []>, transpose_lhs_hint = false} : vector<160x128xbf16>, vector<160x128xbf16>, vector<160x160xf32> -> vector<160x160xf32>
    %eq3A_2072 = arith.constant 4.000000e+00 : f32
    %eq3A_2073 = vector.broadcast %eq3A_2072 : f32 to vector<160x160xf32>
    %eq3A_2074 = arith.cmpf oeq, %add3A_2031, %eq3A_2073 : vector<160x160xf32>
    %select_n3A_2075 = arith.select %eq3A_2074, %dot_general3A_2071, %select_n3A_2066 : vector<160x160xi1>, vector<160x160xf32>
    %ge3A_2076 = arith.constant 0.000000e+00 : f32
    %ge3A_2077 = vector.broadcast %ge3A_2076 : f32 to vector<160x160xf32>
    %ge3A_2078 = arith.cmpf oge, %select_n3A_2075, %ge3A_2077 : vector<160x160xf32>
    %mul3A_2079 = arith.constant 2.000000e-01 : f32
    %mul3A_2080 = vector.broadcast %mul3A_2079 : f32 to vector<160x160xf32>
    %mul3A_2081 = arith.mulf %mul3A_2080, %select_n3A_2075 : vector<160x160xf32>
    %select_n3A_2082 = arith.select %ge3A_2078, %select_n3A_2075, %mul3A_2081 : vector<160x160xi1>, vector<160x160xf32>
    %exp3A_2083 = math.exp %select_n3A_2082 : vector<160x160xf32>
    %reduce_sum3A_2084 = arith.constant dense<0.000000e+00> : vector<160xf32>
    %reduce_sum3A_2085 = vector.multi_reduction <add>, %exp3A_2083, %reduce_sum3A_2084 [1] : vector<160x160xf32> to vector<160xf32>
    %broadcast_in_dim3A_2086 = vector.shape_cast %reduce_sum3A_2085 : vector<160xf32> to vector<160x1xf32>
    %div3A_2087 = vector.broadcast %broadcast_in_dim3A_2086 : vector<160x1xf32> to vector<160x160xf32>
    %div3A_2088 = arith.divf %exp3A_2083, %div3A_2087 : vector<160x160xf32>
    %convert_element_type3A_2089 = arith.truncf %div3A_2088 : vector<160x160xf32> to vector<160x160xbf16>
    %dot_general3A_2090 = arith.constant dense<0.000000e+00> : vector<160x128xf32>
    %dot_general3A_2091 = tpu.matmul %convert_element_type3A_2089, %get3A_2027, %dot_general3A_2090 {dimension_numbers = #tpu.dot_dimension_numbers<[1], [0], [0], [1], [0, 0, 1, 1], [], []>, transpose_lhs_hint = false} : vector<160x160xbf16>, vector<160x128xbf16>, vector<160x128xf32> -> vector<160x128xf32>
    %reshape3A_2092 = vector.shape_cast %dot_general3A_2091 : vector<160x128xf32> to vector<8x20x128xf32>
    %transpose3A_2093 = tpu.transpose %reshape3A_2092, [1, 0, 2] : vector<8x20x128xf32> -> vector<20x8x128xf32>
    %swap3A_2094 = arith.constant 0 : index
    %swap3A_2095 = arith.index_cast %multiple_of3A_2024 : i32 to index
    %swap3A_2096 = arith.constant 0 : index
    %swap3A_2097 = vector.load %arg6[%swap3A_2094, %swap3A_2095, %swap3A_2096] : memref<20x256x128xf32, #tpu.memory_space<vmem>>, vector<20x8x128xf32>
    tpu.vector_store %arg6[%swap3A_2094, %swap3A_2095, %swap3A_2096], %transpose3A_2093 {strides = array<i32>} : memref<20x256x128xf32, #tpu.memory_space<vmem>>, vector<20x8x128xf32>,
    %scan3A_2098 = arith.constant 26 : i32
    %mul3A_2099 = arith.constant 160 : i32
    %mul3A_2100 = arith.muli %scan3A_2098, %mul3A_2099 : i32
    %multiple_of3A_2101 = tpu.assume_multiple %mul3A_2100, 160 : i32
    %mul3A_2102 = arith.constant 8 : i32
    %mul3A_2103 = arith.muli %scan3A_2098, %mul3A_2102 : i32
    %multiple_of3A_2104 = tpu.assume_multiple %mul3A_2103, 8 : i32
    %get3A_2105 = arith.index_cast %multiple_of3A_2101 : i32 to index
    %get3A_2106 = arith.constant 0 : index
    %get3A_2107 = vector.load %arg7[%get3A_2105, %get3A_2106] : memref<5120x128xbf16, #tpu.memory_space<vmem>>, vector<160x128xbf16>
    %get3A_2108 = arith.index_cast %multiple_of3A_2101 : i32 to index
    %get3A_2109 = arith.constant 0 : index
    %get3A_2110 = vector.load %arg8[%get3A_2108, %get3A_2109] : memref<5120x160xf32, #tpu.memory_space<vmem>>, vector<160x160xf32>
    %add3A_2111 = arith.addf %get3A_2110, %get3A_7 : vector<160x160xf32>
    %ge3A_2112 = arith.constant 9.950000e+01 : f32
    %ge3A_2113 = vector.broadcast %ge3A_2112 : f32 to vector<160x160xf32>
    %ge3A_2114 = arith.cmpf oge, %add3A_2111, %ge3A_2113 : vector<160x160xf32>
    %jit3A_2115 = arith.constant -6.000000e+02 : f32
    %jit3A_2116 = arith.constant -3.000000e+02 : f32
    %broadcast_in_dim3A_2117 = vector.broadcast %jit3A_2115 : f32 to vector<160x160xf32>
    %broadcast_in_dim3A_2118 = vector.broadcast %jit3A_2116 : f32 to vector<160x160xf32>
    %select_n3A_2119 = arith.select %ge3A_2114, %broadcast_in_dim3A_2117, %broadcast_in_dim3A_2118 : vector<160x160xi1>, vector<160x160xf32>
    %slice3A_2120 = vector.extract_strided_slice %convert_element_type3A {offsets = [0, 0], sizes = [1, 128], strides = [1, 1]} : vector<8x128xbf16> to vector<1x128xbf16>
    %mul3A_2121 = vector.broadcast %slice3A_2120 : vector<1x128xbf16> to vector<160x128xbf16>
    %mul3A_2122 = arith.mulf %get3A_2107, %mul3A_2121 : vector<160x128xbf16>
    %dot_general3A_2123 = arith.constant dense<0.000000e+00> : vector<160x160xf32>
    %dot_general3A_2124 = tpu.matmul %mul3A_2122, %get3A_2107, %dot_general3A_2123 {dimension_numbers = #tpu.dot_dimension_numbers<[1], [1], [0], [0], [0, 0, 1, 0], [], []>, transpose_lhs_hint = false} : vector<160x128xbf16>, vector<160x128xbf16>, vector<160x160xf32> -> vector<160x160xf32>
    %eq3A_2125 = arith.constant 1.000000e+00 : f32
    %eq3A_2126 = vector.broadcast %eq3A_2125 : f32 to vector<160x160xf32>
    %eq3A_2127 = arith.cmpf oeq, %add3A_2111, %eq3A_2126 : vector<160x160xf32>
    %select_n3A_2128 = arith.select %eq3A_2127, %dot_general3A_2124, %select_n3A_2119 : vector<160x160xi1>, vector<160x160xf32>
    %slice3A_2129 = vector.extract_strided_slice %convert_element_type3A {offsets = [1, 0], sizes = [1, 128], strides = [1, 1]} : vector<8x128xbf16> to vector<1x128xbf16>
    %mul3A_2130 = vector.broadcast %slice3A_2129 : vector<1x128xbf16> to vector<160x128xbf16>
    %mul3A_2131 = arith.mulf %get3A_2107, %mul3A_2130 : vector<160x128xbf16>
    %dot_general3A_2132 = arith.constant dense<0.000000e+00> : vector<160x160xf32>
    %dot_general3A_2133 = tpu.matmul %mul3A_2131, %get3A_2107, %dot_general3A_2132 {dimension_numbers = #tpu.dot_dimension_numbers<[1], [1], [0], [0], [0, 0, 1, 0], [], []>, transpose_lhs_hint = false} : vector<160x128xbf16>, vector<160x128xbf16>, vector<160x160xf32> -> vector<160x160xf32>
    %eq3A_2134 = arith.constant 2.000000e+00 : f32
    %eq3A_2135 = vector.broadcast %eq3A_2134 : f32 to vector<160x160xf32>
    %eq3A_2136 = arith.cmpf oeq, %add3A_2111, %eq3A_2135 : vector<160x160xf32>
    %select_n3A_2137 = arith.select %eq3A_2136, %dot_general3A_2133, %select_n3A_2128 : vector<160x160xi1>, vector<160x160xf32>
    %slice3A_2138 = vector.extract_strided_slice %convert_element_type3A {offsets = [2, 0], sizes = [1, 128], strides = [1, 1]} : vector<8x128xbf16> to vector<1x128xbf16>
    %mul3A_2139 = vector.broadcast %slice3A_2138 : vector<1x128xbf16> to vector<160x128xbf16>
    %mul3A_2140 = arith.mulf %get3A_2107, %mul3A_2139 : vector<160x128xbf16>
    %dot_general3A_2141 = arith.constant dense<0.000000e+00> : vector<160x160xf32>
    %dot_general3A_2142 = tpu.matmul %mul3A_2140, %get3A_2107, %dot_general3A_2141 {dimension_numbers = #tpu.dot_dimension_numbers<[1], [1], [0], [0], [0, 0, 1, 0], [], []>, transpose_lhs_hint = false} : vector<160x128xbf16>, vector<160x128xbf16>, vector<160x160xf32> -> vector<160x160xf32>
    %eq3A_2143 = arith.constant 3.000000e+00 : f32
    %eq3A_2144 = vector.broadcast %eq3A_2143 : f32 to vector<160x160xf32>
    %eq3A_2145 = arith.cmpf oeq, %add3A_2111, %eq3A_2144 : vector<160x160xf32>
    %select_n3A_2146 = arith.select %eq3A_2145, %dot_general3A_2142, %select_n3A_2137 : vector<160x160xi1>, vector<160x160xf32>
    %slice3A_2147 = vector.extract_strided_slice %convert_element_type3A {offsets = [3, 0], sizes = [1, 128], strides = [1, 1]} : vector<8x128xbf16> to vector<1x128xbf16>
    %mul3A_2148 = vector.broadcast %slice3A_2147 : vector<1x128xbf16> to vector<160x128xbf16>
    %mul3A_2149 = arith.mulf %get3A_2107, %mul3A_2148 : vector<160x128xbf16>
    %dot_general3A_2150 = arith.constant dense<0.000000e+00> : vector<160x160xf32>
    %dot_general3A_2151 = tpu.matmul %mul3A_2149, %get3A_2107, %dot_general3A_2150 {dimension_numbers = #tpu.dot_dimension_numbers<[1], [1], [0], [0], [0, 0, 1, 0], [], []>, transpose_lhs_hint = false} : vector<160x128xbf16>, vector<160x128xbf16>, vector<160x160xf32> -> vector<160x160xf32>
    %eq3A_2152 = arith.constant 4.000000e+00 : f32
    %eq3A_2153 = vector.broadcast %eq3A_2152 : f32 to vector<160x160xf32>
    %eq3A_2154 = arith.cmpf oeq, %add3A_2111, %eq3A_2153 : vector<160x160xf32>
    %select_n3A_2155 = arith.select %eq3A_2154, %dot_general3A_2151, %select_n3A_2146 : vector<160x160xi1>, vector<160x160xf32>
    %ge3A_2156 = arith.constant 0.000000e+00 : f32
    %ge3A_2157 = vector.broadcast %ge3A_2156 : f32 to vector<160x160xf32>
    %ge3A_2158 = arith.cmpf oge, %select_n3A_2155, %ge3A_2157 : vector<160x160xf32>
    %mul3A_2159 = arith.constant 2.000000e-01 : f32
    %mul3A_2160 = vector.broadcast %mul3A_2159 : f32 to vector<160x160xf32>
    %mul3A_2161 = arith.mulf %mul3A_2160, %select_n3A_2155 : vector<160x160xf32>
    %select_n3A_2162 = arith.select %ge3A_2158, %select_n3A_2155, %mul3A_2161 : vector<160x160xi1>, vector<160x160xf32>
    %exp3A_2163 = math.exp %select_n3A_2162 : vector<160x160xf32>
    %reduce_sum3A_2164 = arith.constant dense<0.000000e+00> : vector<160xf32>
    %reduce_sum3A_2165 = vector.multi_reduction <add>, %exp3A_2163, %reduce_sum3A_2164 [1] : vector<160x160xf32> to vector<160xf32>
    %broadcast_in_dim3A_2166 = vector.shape_cast %reduce_sum3A_2165 : vector<160xf32> to vector<160x1xf32>
    %div3A_2167 = vector.broadcast %broadcast_in_dim3A_2166 : vector<160x1xf32> to vector<160x160xf32>
    %div3A_2168 = arith.divf %exp3A_2163, %div3A_2167 : vector<160x160xf32>
    %convert_element_type3A_2169 = arith.truncf %div3A_2168 : vector<160x160xf32> to vector<160x160xbf16>
    %dot_general3A_2170 = arith.constant dense<0.000000e+00> : vector<160x128xf32>
    %dot_general3A_2171 = tpu.matmul %convert_element_type3A_2169, %get3A_2107, %dot_general3A_2170 {dimension_numbers = #tpu.dot_dimension_numbers<[1], [0], [0], [1], [0, 0, 1, 1], [], []>, transpose_lhs_hint = false} : vector<160x160xbf16>, vector<160x128xbf16>, vector<160x128xf32> -> vector<160x128xf32>
    %reshape3A_2172 = vector.shape_cast %dot_general3A_2171 : vector<160x128xf32> to vector<8x20x128xf32>
    %transpose3A_2173 = tpu.transpose %reshape3A_2172, [1, 0, 2] : vector<8x20x128xf32> -> vector<20x8x128xf32>
    %swap3A_2174 = arith.constant 0 : index
    %swap3A_2175 = arith.index_cast %multiple_of3A_2104 : i32 to index
    %swap3A_2176 = arith.constant 0 : index
    %swap3A_2177 = vector.load %arg6[%swap3A_2174, %swap3A_2175, %swap3A_2176] : memref<20x256x128xf32, #tpu.memory_space<vmem>>, vector<20x8x128xf32>
    tpu.vector_store %arg6[%swap3A_2174, %swap3A_2175, %swap3A_2176], %transpose3A_2173 {strides = array<i32>} : memref<20x256x128xf32, #tpu.memory_space<vmem>>, vector<20x8x128xf32>,
    %scan3A_2178 = arith.constant 27 : i32
    %mul3A_2179 = arith.constant 160 : i32
    %mul3A_2180 = arith.muli %scan3A_2178, %mul3A_2179 : i32
    %multiple_of3A_2181 = tpu.assume_multiple %mul3A_2180, 160 : i32
    %mul3A_2182 = arith.constant 8 : i32
    %mul3A_2183 = arith.muli %scan3A_2178, %mul3A_2182 : i32
    %multiple_of3A_2184 = tpu.assume_multiple %mul3A_2183, 8 : i32
    %get3A_2185 = arith.index_cast %multiple_of3A_2181 : i32 to index
    %get3A_2186 = arith.constant 0 : index
    %get3A_2187 = vector.load %arg7[%get3A_2185, %get3A_2186] : memref<5120x128xbf16, #tpu.memory_space<vmem>>, vector<160x128xbf16>
    %get3A_2188 = arith.index_cast %multiple_of3A_2181 : i32 to index
    %get3A_2189 = arith.constant 0 : index
    %get3A_2190 = vector.load %arg8[%get3A_2188, %get3A_2189] : memref<5120x160xf32, #tpu.memory_space<vmem>>, vector<160x160xf32>
    %add3A_2191 = arith.addf %get3A_2190, %get3A_7 : vector<160x160xf32>
    %ge3A_2192 = arith.constant 9.950000e+01 : f32
    %ge3A_2193 = vector.broadcast %ge3A_2192 : f32 to vector<160x160xf32>
    %ge3A_2194 = arith.cmpf oge, %add3A_2191, %ge3A_2193 : vector<160x160xf32>
    %jit3A_2195 = arith.constant -6.000000e+02 : f32
    %jit3A_2196 = arith.constant -3.000000e+02 : f32
    %broadcast_in_dim3A_2197 = vector.broadcast %jit3A_2195 : f32 to vector<160x160xf32>
    %broadcast_in_dim3A_2198 = vector.broadcast %jit3A_2196 : f32 to vector<160x160xf32>
    %select_n3A_2199 = arith.select %ge3A_2194, %broadcast_in_dim3A_2197, %broadcast_in_dim3A_2198 : vector<160x160xi1>, vector<160x160xf32>
    %slice3A_2200 = vector.extract_strided_slice %convert_element_type3A {offsets = [0, 0], sizes = [1, 128], strides = [1, 1]} : vector<8x128xbf16> to vector<1x128xbf16>
    %mul3A_2201 = vector.broadcast %slice3A_2200 : vector<1x128xbf16> to vector<160x128xbf16>
    %mul3A_2202 = arith.mulf %get3A_2187, %mul3A_2201 : vector<160x128xbf16>
    %dot_general3A_2203 = arith.constant dense<0.000000e+00> : vector<160x160xf32>
    %dot_general3A_2204 = tpu.matmul %mul3A_2202, %get3A_2187, %dot_general3A_2203 {dimension_numbers = #tpu.dot_dimension_numbers<[1], [1], [0], [0], [0, 0, 1, 0], [], []>, transpose_lhs_hint = false} : vector<160x128xbf16>, vector<160x128xbf16>, vector<160x160xf32> -> vector<160x160xf32>
    %eq3A_2205 = arith.constant 1.000000e+00 : f32
    %eq3A_2206 = vector.broadcast %eq3A_2205 : f32 to vector<160x160xf32>
    %eq3A_2207 = arith.cmpf oeq, %add3A_2191, %eq3A_2206 : vector<160x160xf32>
    %select_n3A_2208 = arith.select %eq3A_2207, %dot_general3A_2204, %select_n3A_2199 : vector<160x160xi1>, vector<160x160xf32>
    %slice3A_2209 = vector.extract_strided_slice %convert_element_type3A {offsets = [1, 0], sizes = [1, 128], strides = [1, 1]} : vector<8x128xbf16> to vector<1x128xbf16>
    %mul3A_2210 = vector.broadcast %slice3A_2209 : vector<1x128xbf16> to vector<160x128xbf16>
    %mul3A_2211 = arith.mulf %get3A_2187, %mul3A_2210 : vector<160x128xbf16>
    %dot_general3A_2212 = arith.constant dense<0.000000e+00> : vector<160x160xf32>
    %dot_general3A_2213 = tpu.matmul %mul3A_2211, %get3A_2187, %dot_general3A_2212 {dimension_numbers = #tpu.dot_dimension_numbers<[1], [1], [0], [0], [0, 0, 1, 0], [], []>, transpose_lhs_hint = false} : vector<160x128xbf16>, vector<160x128xbf16>, vector<160x160xf32> -> vector<160x160xf32>
    %eq3A_2214 = arith.constant 2.000000e+00 : f32
    %eq3A_2215 = vector.broadcast %eq3A_2214 : f32 to vector<160x160xf32>
    %eq3A_2216 = arith.cmpf oeq, %add3A_2191, %eq3A_2215 : vector<160x160xf32>
    %select_n3A_2217 = arith.select %eq3A_2216, %dot_general3A_2213, %select_n3A_2208 : vector<160x160xi1>, vector<160x160xf32>
    %slice3A_2218 = vector.extract_strided_slice %convert_element_type3A {offsets = [2, 0], sizes = [1, 128], strides = [1, 1]} : vector<8x128xbf16> to vector<1x128xbf16>
    %mul3A_2219 = vector.broadcast %slice3A_2218 : vector<1x128xbf16> to vector<160x128xbf16>
    %mul3A_2220 = arith.mulf %get3A_2187, %mul3A_2219 : vector<160x128xbf16>
    %dot_general3A_2221 = arith.constant dense<0.000000e+00> : vector<160x160xf32>
    %dot_general3A_2222 = tpu.matmul %mul3A_2220, %get3A_2187, %dot_general3A_2221 {dimension_numbers = #tpu.dot_dimension_numbers<[1], [1], [0], [0], [0, 0, 1, 0], [], []>, transpose_lhs_hint = false} : vector<160x128xbf16>, vector<160x128xbf16>, vector<160x160xf32> -> vector<160x160xf32>
    %eq3A_2223 = arith.constant 3.000000e+00 : f32
    %eq3A_2224 = vector.broadcast %eq3A_2223 : f32 to vector<160x160xf32>
    %eq3A_2225 = arith.cmpf oeq, %add3A_2191, %eq3A_2224 : vector<160x160xf32>
    %select_n3A_2226 = arith.select %eq3A_2225, %dot_general3A_2222, %select_n3A_2217 : vector<160x160xi1>, vector<160x160xf32>
    %slice3A_2227 = vector.extract_strided_slice %convert_element_type3A {offsets = [3, 0], sizes = [1, 128], strides = [1, 1]} : vector<8x128xbf16> to vector<1x128xbf16>
    %mul3A_2228 = vector.broadcast %slice3A_2227 : vector<1x128xbf16> to vector<160x128xbf16>
    %mul3A_2229 = arith.mulf %get3A_2187, %mul3A_2228 : vector<160x128xbf16>
    %dot_general3A_2230 = arith.constant dense<0.000000e+00> : vector<160x160xf32>
    %dot_general3A_2231 = tpu.matmul %mul3A_2229, %get3A_2187, %dot_general3A_2230 {dimension_numbers = #tpu.dot_dimension_numbers<[1], [1], [0], [0], [0, 0, 1, 0], [], []>, transpose_lhs_hint = false} : vector<160x128xbf16>, vector<160x128xbf16>, vector<160x160xf32> -> vector<160x160xf32>
    %eq3A_2232 = arith.constant 4.000000e+00 : f32
    %eq3A_2233 = vector.broadcast %eq3A_2232 : f32 to vector<160x160xf32>
    %eq3A_2234 = arith.cmpf oeq, %add3A_2191, %eq3A_2233 : vector<160x160xf32>
    %select_n3A_2235 = arith.select %eq3A_2234, %dot_general3A_2231, %select_n3A_2226 : vector<160x160xi1>, vector<160x160xf32>
    %ge3A_2236 = arith.constant 0.000000e+00 : f32
    %ge3A_2237 = vector.broadcast %ge3A_2236 : f32 to vector<160x160xf32>
    %ge3A_2238 = arith.cmpf oge, %select_n3A_2235, %ge3A_2237 : vector<160x160xf32>
    %mul3A_2239 = arith.constant 2.000000e-01 : f32
    %mul3A_2240 = vector.broadcast %mul3A_2239 : f32 to vector<160x160xf32>
    %mul3A_2241 = arith.mulf %mul3A_2240, %select_n3A_2235 : vector<160x160xf32>
    %select_n3A_2242 = arith.select %ge3A_2238, %select_n3A_2235, %mul3A_2241 : vector<160x160xi1>, vector<160x160xf32>
    %exp3A_2243 = math.exp %select_n3A_2242 : vector<160x160xf32>
    %reduce_sum3A_2244 = arith.constant dense<0.000000e+00> : vector<160xf32>
    %reduce_sum3A_2245 = vector.multi_reduction <add>, %exp3A_2243, %reduce_sum3A_2244 [1] : vector<160x160xf32> to vector<160xf32>
    %broadcast_in_dim3A_2246 = vector.shape_cast %reduce_sum3A_2245 : vector<160xf32> to vector<160x1xf32>
    %div3A_2247 = vector.broadcast %broadcast_in_dim3A_2246 : vector<160x1xf32> to vector<160x160xf32>
    %div3A_2248 = arith.divf %exp3A_2243, %div3A_2247 : vector<160x160xf32>
    %convert_element_type3A_2249 = arith.truncf %div3A_2248 : vector<160x160xf32> to vector<160x160xbf16>
    %dot_general3A_2250 = arith.constant dense<0.000000e+00> : vector<160x128xf32>
    %dot_general3A_2251 = tpu.matmul %convert_element_type3A_2249, %get3A_2187, %dot_general3A_2250 {dimension_numbers = #tpu.dot_dimension_numbers<[1], [0], [0], [1], [0, 0, 1, 1], [], []>, transpose_lhs_hint = false} : vector<160x160xbf16>, vector<160x128xbf16>, vector<160x128xf32> -> vector<160x128xf32>
    %reshape3A_2252 = vector.shape_cast %dot_general3A_2251 : vector<160x128xf32> to vector<8x20x128xf32>
    %transpose3A_2253 = tpu.transpose %reshape3A_2252, [1, 0, 2] : vector<8x20x128xf32> -> vector<20x8x128xf32>
    %swap3A_2254 = arith.constant 0 : index
    %swap3A_2255 = arith.index_cast %multiple_of3A_2184 : i32 to index
    %swap3A_2256 = arith.constant 0 : index
    %swap3A_2257 = vector.load %arg6[%swap3A_2254, %swap3A_2255, %swap3A_2256] : memref<20x256x128xf32, #tpu.memory_space<vmem>>, vector<20x8x128xf32>
    tpu.vector_store %arg6[%swap3A_2254, %swap3A_2255, %swap3A_2256], %transpose3A_2253 {strides = array<i32>} : memref<20x256x128xf32, #tpu.memory_space<vmem>>, vector<20x8x128xf32>,
    %scan3A_2258 = arith.constant 28 : i32
    %mul3A_2259 = arith.constant 160 : i32
    %mul3A_2260 = arith.muli %scan3A_2258, %mul3A_2259 : i32
    %multiple_of3A_2261 = tpu.assume_multiple %mul3A_2260, 160 : i32
    %mul3A_2262 = arith.constant 8 : i32
    %mul3A_2263 = arith.muli %scan3A_2258, %mul3A_2262 : i32
    %multiple_of3A_2264 = tpu.assume_multiple %mul3A_2263, 8 : i32
    %get3A_2265 = arith.index_cast %multiple_of3A_2261 : i32 to index
    %get3A_2266 = arith.constant 0 : index
    %get3A_2267 = vector.load %arg7[%get3A_2265, %get3A_2266] : memref<5120x128xbf16, #tpu.memory_space<vmem>>, vector<160x128xbf16>
    %get3A_2268 = arith.index_cast %multiple_of3A_2261 : i32 to index
    %get3A_2269 = arith.constant 0 : index
    %get3A_2270 = vector.load %arg8[%get3A_2268, %get3A_2269] : memref<5120x160xf32, #tpu.memory_space<vmem>>, vector<160x160xf32>
    %add3A_2271 = arith.addf %get3A_2270, %get3A_7 : vector<160x160xf32>
    %ge3A_2272 = arith.constant 9.950000e+01 : f32
    %ge3A_2273 = vector.broadcast %ge3A_2272 : f32 to vector<160x160xf32>
    %ge3A_2274 = arith.cmpf oge, %add3A_2271, %ge3A_2273 : vector<160x160xf32>
    %jit3A_2275 = arith.constant -6.000000e+02 : f32
    %jit3A_2276 = arith.constant -3.000000e+02 : f32
    %broadcast_in_dim3A_2277 = vector.broadcast %jit3A_2275 : f32 to vector<160x160xf32>
    %broadcast_in_dim3A_2278 = vector.broadcast %jit3A_2276 : f32 to vector<160x160xf32>
    %select_n3A_2279 = arith.select %ge3A_2274, %broadcast_in_dim3A_2277, %broadcast_in_dim3A_2278 : vector<160x160xi1>, vector<160x160xf32>
    %slice3A_2280 = vector.extract_strided_slice %convert_element_type3A {offsets = [0, 0], sizes = [1, 128], strides = [1, 1]} : vector<8x128xbf16> to vector<1x128xbf16>
    %mul3A_2281 = vector.broadcast %slice3A_2280 : vector<1x128xbf16> to vector<160x128xbf16>
    %mul3A_2282 = arith.mulf %get3A_2267, %mul3A_2281 : vector<160x128xbf16>
    %dot_general3A_2283 = arith.constant dense<0.000000e+00> : vector<160x160xf32>
    %dot_general3A_2284 = tpu.matmul %mul3A_2282, %get3A_2267, %dot_general3A_2283 {dimension_numbers = #tpu.dot_dimension_numbers<[1], [1], [0], [0], [0, 0, 1, 0], [], []>, transpose_lhs_hint = false} : vector<160x128xbf16>, vector<160x128xbf16>, vector<160x160xf32> -> vector<160x160xf32>
    %eq3A_2285 = arith.constant 1.000000e+00 : f32
    %eq3A_2286 = vector.broadcast %eq3A_2285 : f32 to vector<160x160xf32>
    %eq3A_2287 = arith.cmpf oeq, %add3A_2271, %eq3A_2286 : vector<160x160xf32>
    %select_n3A_2288 = arith.select %eq3A_2287, %dot_general3A_2284, %select_n3A_2279 : vector<160x160xi1>, vector<160x160xf32>
    %slice3A_2289 = vector.extract_strided_slice %convert_element_type3A {offsets = [1, 0], sizes = [1, 128], strides = [1, 1]} : vector<8x128xbf16> to vector<1x128xbf16>
    %mul3A_2290 = vector.broadcast %slice3A_2289 : vector<1x128xbf16> to vector<160x128xbf16>
    %mul3A_2291 = arith.mulf %get3A_2267, %mul3A_2290 : vector<160x128xbf16>
    %dot_general3A_2292 = arith.constant dense<0.000000e+00> : vector<160x160xf32>
    %dot_general3A_2293 = tpu.matmul %mul3A_2291, %get3A_2267, %dot_general3A_2292 {dimension_numbers = #tpu.dot_dimension_numbers<[1], [1], [0], [0], [0, 0, 1, 0], [], []>, transpose_lhs_hint = false} : vector<160x128xbf16>, vector<160x128xbf16>, vector<160x160xf32> -> vector<160x160xf32>
    %eq3A_2294 = arith.constant 2.000000e+00 : f32
    %eq3A_2295 = vector.broadcast %eq3A_2294 : f32 to vector<160x160xf32>
    %eq3A_2296 = arith.cmpf oeq, %add3A_2271, %eq3A_2295 : vector<160x160xf32>
    %select_n3A_2297 = arith.select %eq3A_2296, %dot_general3A_2293, %select_n3A_2288 : vector<160x160xi1>, vector<160x160xf32>
    %slice3A_2298 = vector.extract_strided_slice %convert_element_type3A {offsets = [2, 0], sizes = [1, 128], strides = [1, 1]} : vector<8x128xbf16> to vector<1x128xbf16>
    %mul3A_2299 = vector.broadcast %slice3A_2298 : vector<1x128xbf16> to vector<160x128xbf16>
    %mul3A_2300 = arith.mulf %get3A_2267, %mul3A_2299 : vector<160x128xbf16>
    %dot_general3A_2301 = arith.constant dense<0.000000e+00> : vector<160x160xf32>
    %dot_general3A_2302 = tpu.matmul %mul3A_2300, %get3A_2267, %dot_general3A_2301 {dimension_numbers = #tpu.dot_dimension_numbers<[1], [1], [0], [0], [0, 0, 1, 0], [], []>, transpose_lhs_hint = false} : vector<160x128xbf16>, vector<160x128xbf16>, vector<160x160xf32> -> vector<160x160xf32>
    %eq3A_2303 = arith.constant 3.000000e+00 : f32
    %eq3A_2304 = vector.broadcast %eq3A_2303 : f32 to vector<160x160xf32>
    %eq3A_2305 = arith.cmpf oeq, %add3A_2271, %eq3A_2304 : vector<160x160xf32>
    %select_n3A_2306 = arith.select %eq3A_2305, %dot_general3A_2302, %select_n3A_2297 : vector<160x160xi1>, vector<160x160xf32>
    %slice3A_2307 = vector.extract_strided_slice %convert_element_type3A {offsets = [3, 0], sizes = [1, 128], strides = [1, 1]} : vector<8x128xbf16> to vector<1x128xbf16>
    %mul3A_2308 = vector.broadcast %slice3A_2307 : vector<1x128xbf16> to vector<160x128xbf16>
    %mul3A_2309 = arith.mulf %get3A_2267, %mul3A_2308 : vector<160x128xbf16>
    %dot_general3A_2310 = arith.constant dense<0.000000e+00> : vector<160x160xf32>
    %dot_general3A_2311 = tpu.matmul %mul3A_2309, %get3A_2267, %dot_general3A_2310 {dimension_numbers = #tpu.dot_dimension_numbers<[1], [1], [0], [0], [0, 0, 1, 0], [], []>, transpose_lhs_hint = false} : vector<160x128xbf16>, vector<160x128xbf16>, vector<160x160xf32> -> vector<160x160xf32>
    %eq3A_2312 = arith.constant 4.000000e+00 : f32
    %eq3A_2313 = vector.broadcast %eq3A_2312 : f32 to vector<160x160xf32>
    %eq3A_2314 = arith.cmpf oeq, %add3A_2271, %eq3A_2313 : vector<160x160xf32>
    %select_n3A_2315 = arith.select %eq3A_2314, %dot_general3A_2311, %select_n3A_2306 : vector<160x160xi1>, vector<160x160xf32>
    %ge3A_2316 = arith.constant 0.000000e+00 : f32
    %ge3A_2317 = vector.broadcast %ge3A_2316 : f32 to vector<160x160xf32>
    %ge3A_2318 = arith.cmpf oge, %select_n3A_2315, %ge3A_2317 : vector<160x160xf32>
    %mul3A_2319 = arith.constant 2.000000e-01 : f32
    %mul3A_2320 = vector.broadcast %mul3A_2319 : f32 to vector<160x160xf32>
    %mul3A_2321 = arith.mulf %mul3A_2320, %select_n3A_2315 : vector<160x160xf32>
    %select_n3A_2322 = arith.select %ge3A_2318, %select_n3A_2315, %mul3A_2321 : vector<160x160xi1>, vector<160x160xf32>
    %exp3A_2323 = math.exp %select_n3A_2322 : vector<160x160xf32>
    %reduce_sum3A_2324 = arith.constant dense<0.000000e+00> : vector<160xf32>
    %reduce_sum3A_2325 = vector.multi_reduction <add>, %exp3A_2323, %reduce_sum3A_2324 [1] : vector<160x160xf32> to vector<160xf32>
    %broadcast_in_dim3A_2326 = vector.shape_cast %reduce_sum3A_2325 : vector<160xf32> to vector<160x1xf32>
    %div3A_2327 = vector.broadcast %broadcast_in_dim3A_2326 : vector<160x1xf32> to vector<160x160xf32>
    %div3A_2328 = arith.divf %exp3A_2323, %div3A_2327 : vector<160x160xf32>
    %convert_element_type3A_2329 = arith.truncf %div3A_2328 : vector<160x160xf32> to vector<160x160xbf16>
    %dot_general3A_2330 = arith.constant dense<0.000000e+00> : vector<160x128xf32>
    %dot_general3A_2331 = tpu.matmul %convert_element_type3A_2329, %get3A_2267, %dot_general3A_2330 {dimension_numbers = #tpu.dot_dimension_numbers<[1], [0], [0], [1], [0, 0, 1, 1], [], []>, transpose_lhs_hint = false} : vector<160x160xbf16>, vector<160x128xbf16>, vector<160x128xf32> -> vector<160x128xf32>
    %reshape3A_2332 = vector.shape_cast %dot_general3A_2331 : vector<160x128xf32> to vector<8x20x128xf32>
    %transpose3A_2333 = tpu.transpose %reshape3A_2332, [1, 0, 2] : vector<8x20x128xf32> -> vector<20x8x128xf32>
    %swap3A_2334 = arith.constant 0 : index
    %swap3A_2335 = arith.index_cast %multiple_of3A_2264 : i32 to index
    %swap3A_2336 = arith.constant 0 : index
    %swap3A_2337 = vector.load %arg6[%swap3A_2334, %swap3A_2335, %swap3A_2336] : memref<20x256x128xf32, #tpu.memory_space<vmem>>, vector<20x8x128xf32>
    tpu.vector_store %arg6[%swap3A_2334, %swap3A_2335, %swap3A_2336], %transpose3A_2333 {strides = array<i32>} : memref<20x256x128xf32, #tpu.memory_space<vmem>>, vector<20x8x128xf32>,
    %scan3A_2338 = arith.constant 29 : i32
    %mul3A_2339 = arith.constant 160 : i32
    %mul3A_2340 = arith.muli %scan3A_2338, %mul3A_2339 : i32
    %multiple_of3A_2341 = tpu.assume_multiple %mul3A_2340, 160 : i32
    %mul3A_2342 = arith.constant 8 : i32
    %mul3A_2343 = arith.muli %scan3A_2338, %mul3A_2342 : i32
    %multiple_of3A_2344 = tpu.assume_multiple %mul3A_2343, 8 : i32
    %get3A_2345 = arith.index_cast %multiple_of3A_2341 : i32 to index
    %get3A_2346 = arith.constant 0 : index
    %get3A_2347 = vector.load %arg7[%get3A_2345, %get3A_2346] : memref<5120x128xbf16, #tpu.memory_space<vmem>>, vector<160x128xbf16>
    %get3A_2348 = arith.index_cast %multiple_of3A_2341 : i32 to index
    %get3A_2349 = arith.constant 0 : index
    %get3A_2350 = vector.load %arg8[%get3A_2348, %get3A_2349] : memref<5120x160xf32, #tpu.memory_space<vmem>>, vector<160x160xf32>
    %add3A_2351 = arith.addf %get3A_2350, %get3A_7 : vector<160x160xf32>
    %ge3A_2352 = arith.constant 9.950000e+01 : f32
    %ge3A_2353 = vector.broadcast %ge3A_2352 : f32 to vector<160x160xf32>
    %ge3A_2354 = arith.cmpf oge, %add3A_2351, %ge3A_2353 : vector<160x160xf32>
    %jit3A_2355 = arith.constant -6.000000e+02 : f32
    %jit3A_2356 = arith.constant -3.000000e+02 : f32
    %broadcast_in_dim3A_2357 = vector.broadcast %jit3A_2355 : f32 to vector<160x160xf32>
    %broadcast_in_dim3A_2358 = vector.broadcast %jit3A_2356 : f32 to vector<160x160xf32>
    %select_n3A_2359 = arith.select %ge3A_2354, %broadcast_in_dim3A_2357, %broadcast_in_dim3A_2358 : vector<160x160xi1>, vector<160x160xf32>
    %slice3A_2360 = vector.extract_strided_slice %convert_element_type3A {offsets = [0, 0], sizes = [1, 128], strides = [1, 1]} : vector<8x128xbf16> to vector<1x128xbf16>
    %mul3A_2361 = vector.broadcast %slice3A_2360 : vector<1x128xbf16> to vector<160x128xbf16>
    %mul3A_2362 = arith.mulf %get3A_2347, %mul3A_2361 : vector<160x128xbf16>
    %dot_general3A_2363 = arith.constant dense<0.000000e+00> : vector<160x160xf32>
    %dot_general3A_2364 = tpu.matmul %mul3A_2362, %get3A_2347, %dot_general3A_2363 {dimension_numbers = #tpu.dot_dimension_numbers<[1], [1], [0], [0], [0, 0, 1, 0], [], []>, transpose_lhs_hint = false} : vector<160x128xbf16>, vector<160x128xbf16>, vector<160x160xf32> -> vector<160x160xf32>
    %eq3A_2365 = arith.constant 1.000000e+00 : f32
    %eq3A_2366 = vector.broadcast %eq3A_2365 : f32 to vector<160x160xf32>
    %eq3A_2367 = arith.cmpf oeq, %add3A_2351, %eq3A_2366 : vector<160x160xf32>
    %select_n3A_2368 = arith.select %eq3A_2367, %dot_general3A_2364, %select_n3A_2359 : vector<160x160xi1>, vector<160x160xf32>
    %slice3A_2369 = vector.extract_strided_slice %convert_element_type3A {offsets = [1, 0], sizes = [1, 128], strides = [1, 1]} : vector<8x128xbf16> to vector<1x128xbf16>
    %mul3A_2370 = vector.broadcast %slice3A_2369 : vector<1x128xbf16> to vector<160x128xbf16>
    %mul3A_2371 = arith.mulf %get3A_2347, %mul3A_2370 : vector<160x128xbf16>
    %dot_general3A_2372 = arith.constant dense<0.000000e+00> : vector<160x160xf32>
    %dot_general3A_2373 = tpu.matmul %mul3A_2371, %get3A_2347, %dot_general3A_2372 {dimension_numbers = #tpu.dot_dimension_numbers<[1], [1], [0], [0], [0, 0, 1, 0], [], []>, transpose_lhs_hint = false} : vector<160x128xbf16>, vector<160x128xbf16>, vector<160x160xf32> -> vector<160x160xf32>
    %eq3A_2374 = arith.constant 2.000000e+00 : f32
    %eq3A_2375 = vector.broadcast %eq3A_2374 : f32 to vector<160x160xf32>
    %eq3A_2376 = arith.cmpf oeq, %add3A_2351, %eq3A_2375 : vector<160x160xf32>
    %select_n3A_2377 = arith.select %eq3A_2376, %dot_general3A_2373, %select_n3A_2368 : vector<160x160xi1>, vector<160x160xf32>
    %slice3A_2378 = vector.extract_strided_slice %convert_element_type3A {offsets = [2, 0], sizes = [1, 128], strides = [1, 1]} : vector<8x128xbf16> to vector<1x128xbf16>
    %mul3A_2379 = vector.broadcast %slice3A_2378 : vector<1x128xbf16> to vector<160x128xbf16>
    %mul3A_2380 = arith.mulf %get3A_2347, %mul3A_2379 : vector<160x128xbf16>
    %dot_general3A_2381 = arith.constant dense<0.000000e+00> : vector<160x160xf32>
    %dot_general3A_2382 = tpu.matmul %mul3A_2380, %get3A_2347, %dot_general3A_2381 {dimension_numbers = #tpu.dot_dimension_numbers<[1], [1], [0], [0], [0, 0, 1, 0], [], []>, transpose_lhs_hint = false} : vector<160x128xbf16>, vector<160x128xbf16>, vector<160x160xf32> -> vector<160x160xf32>
    %eq3A_2383 = arith.constant 3.000000e+00 : f32
    %eq3A_2384 = vector.broadcast %eq3A_2383 : f32 to vector<160x160xf32>
    %eq3A_2385 = arith.cmpf oeq, %add3A_2351, %eq3A_2384 : vector<160x160xf32>
    %select_n3A_2386 = arith.select %eq3A_2385, %dot_general3A_2382, %select_n3A_2377 : vector<160x160xi1>, vector<160x160xf32>
    %slice3A_2387 = vector.extract_strided_slice %convert_element_type3A {offsets = [3, 0], sizes = [1, 128], strides = [1, 1]} : vector<8x128xbf16> to vector<1x128xbf16>
    %mul3A_2388 = vector.broadcast %slice3A_2387 : vector<1x128xbf16> to vector<160x128xbf16>
    %mul3A_2389 = arith.mulf %get3A_2347, %mul3A_2388 : vector<160x128xbf16>
    %dot_general3A_2390 = arith.constant dense<0.000000e+00> : vector<160x160xf32>
    %dot_general3A_2391 = tpu.matmul %mul3A_2389, %get3A_2347, %dot_general3A_2390 {dimension_numbers = #tpu.dot_dimension_numbers<[1], [1], [0], [0], [0, 0, 1, 0], [], []>, transpose_lhs_hint = false} : vector<160x128xbf16>, vector<160x128xbf16>, vector<160x160xf32> -> vector<160x160xf32>
    %eq3A_2392 = arith.constant 4.000000e+00 : f32
    %eq3A_2393 = vector.broadcast %eq3A_2392 : f32 to vector<160x160xf32>
    %eq3A_2394 = arith.cmpf oeq, %add3A_2351, %eq3A_2393 : vector<160x160xf32>
    %select_n3A_2395 = arith.select %eq3A_2394, %dot_general3A_2391, %select_n3A_2386 : vector<160x160xi1>, vector<160x160xf32>
    %ge3A_2396 = arith.constant 0.000000e+00 : f32
    %ge3A_2397 = vector.broadcast %ge3A_2396 : f32 to vector<160x160xf32>
    %ge3A_2398 = arith.cmpf oge, %select_n3A_2395, %ge3A_2397 : vector<160x160xf32>
    %mul3A_2399 = arith.constant 2.000000e-01 : f32
    %mul3A_2400 = vector.broadcast %mul3A_2399 : f32 to vector<160x160xf32>
    %mul3A_2401 = arith.mulf %mul3A_2400, %select_n3A_2395 : vector<160x160xf32>
    %select_n3A_2402 = arith.select %ge3A_2398, %select_n3A_2395, %mul3A_2401 : vector<160x160xi1>, vector<160x160xf32>
    %exp3A_2403 = math.exp %select_n3A_2402 : vector<160x160xf32>
    %reduce_sum3A_2404 = arith.constant dense<0.000000e+00> : vector<160xf32>
    %reduce_sum3A_2405 = vector.multi_reduction <add>, %exp3A_2403, %reduce_sum3A_2404 [1] : vector<160x160xf32> to vector<160xf32>
    %broadcast_in_dim3A_2406 = vector.shape_cast %reduce_sum3A_2405 : vector<160xf32> to vector<160x1xf32>
    %div3A_2407 = vector.broadcast %broadcast_in_dim3A_2406 : vector<160x1xf32> to vector<160x160xf32>
    %div3A_2408 = arith.divf %exp3A_2403, %div3A_2407 : vector<160x160xf32>
    %convert_element_type3A_2409 = arith.truncf %div3A_2408 : vector<160x160xf32> to vector<160x160xbf16>
    %dot_general3A_2410 = arith.constant dense<0.000000e+00> : vector<160x128xf32>
    %dot_general3A_2411 = tpu.matmul %convert_element_type3A_2409, %get3A_2347, %dot_general3A_2410 {dimension_numbers = #tpu.dot_dimension_numbers<[1], [0], [0], [1], [0, 0, 1, 1], [], []>, transpose_lhs_hint = false} : vector<160x160xbf16>, vector<160x128xbf16>, vector<160x128xf32> -> vector<160x128xf32>
    %reshape3A_2412 = vector.shape_cast %dot_general3A_2411 : vector<160x128xf32> to vector<8x20x128xf32>
    %transpose3A_2413 = tpu.transpose %reshape3A_2412, [1, 0, 2] : vector<8x20x128xf32> -> vector<20x8x128xf32>
    %swap3A_2414 = arith.constant 0 : index
    %swap3A_2415 = arith.index_cast %multiple_of3A_2344 : i32 to index
    %swap3A_2416 = arith.constant 0 : index
    %swap3A_2417 = vector.load %arg6[%swap3A_2414, %swap3A_2415, %swap3A_2416] : memref<20x256x128xf32, #tpu.memory_space<vmem>>, vector<20x8x128xf32>
    tpu.vector_store %arg6[%swap3A_2414, %swap3A_2415, %swap3A_2416], %transpose3A_2413 {strides = array<i32>} : memref<20x256x128xf32, #tpu.memory_space<vmem>>, vector<20x8x128xf32>,
    %scan3A_2418 = arith.constant 30 : i32
    %mul3A_2419 = arith.constant 160 : i32
    %mul3A_2420 = arith.muli %scan3A_2418, %mul3A_2419 : i32
    %multiple_of3A_2421 = tpu.assume_multiple %mul3A_2420, 160 : i32
    %mul3A_2422 = arith.constant 8 : i32
    %mul3A_2423 = arith.muli %scan3A_2418, %mul3A_2422 : i32
    %multiple_of3A_2424 = tpu.assume_multiple %mul3A_2423, 8 : i32
    %get3A_2425 = arith.index_cast %multiple_of3A_2421 : i32 to index
    %get3A_2426 = arith.constant 0 : index
    %get3A_2427 = vector.load %arg7[%get3A_2425, %get3A_2426] : memref<5120x128xbf16, #tpu.memory_space<vmem>>, vector<160x128xbf16>
    %get3A_2428 = arith.index_cast %multiple_of3A_2421 : i32 to index
    %get3A_2429 = arith.constant 0 : index
    %get3A_2430 = vector.load %arg8[%get3A_2428, %get3A_2429] : memref<5120x160xf32, #tpu.memory_space<vmem>>, vector<160x160xf32>
    %add3A_2431 = arith.addf %get3A_2430, %get3A_7 : vector<160x160xf32>
    %ge3A_2432 = arith.constant 9.950000e+01 : f32
    %ge3A_2433 = vector.broadcast %ge3A_2432 : f32 to vector<160x160xf32>
    %ge3A_2434 = arith.cmpf oge, %add3A_2431, %ge3A_2433 : vector<160x160xf32>
    %jit3A_2435 = arith.constant -6.000000e+02 : f32
    %jit3A_2436 = arith.constant -3.000000e+02 : f32
    %broadcast_in_dim3A_2437 = vector.broadcast %jit3A_2435 : f32 to vector<160x160xf32>
    %broadcast_in_dim3A_2438 = vector.broadcast %jit3A_2436 : f32 to vector<160x160xf32>
    %select_n3A_2439 = arith.select %ge3A_2434, %broadcast_in_dim3A_2437, %broadcast_in_dim3A_2438 : vector<160x160xi1>, vector<160x160xf32>
    %slice3A_2440 = vector.extract_strided_slice %convert_element_type3A {offsets = [0, 0], sizes = [1, 128], strides = [1, 1]} : vector<8x128xbf16> to vector<1x128xbf16>
    %mul3A_2441 = vector.broadcast %slice3A_2440 : vector<1x128xbf16> to vector<160x128xbf16>
    %mul3A_2442 = arith.mulf %get3A_2427, %mul3A_2441 : vector<160x128xbf16>
    %dot_general3A_2443 = arith.constant dense<0.000000e+00> : vector<160x160xf32>
    %dot_general3A_2444 = tpu.matmul %mul3A_2442, %get3A_2427, %dot_general3A_2443 {dimension_numbers = #tpu.dot_dimension_numbers<[1], [1], [0], [0], [0, 0, 1, 0], [], []>, transpose_lhs_hint = false} : vector<160x128xbf16>, vector<160x128xbf16>, vector<160x160xf32> -> vector<160x160xf32>
    %eq3A_2445 = arith.constant 1.000000e+00 : f32
    %eq3A_2446 = vector.broadcast %eq3A_2445 : f32 to vector<160x160xf32>
    %eq3A_2447 = arith.cmpf oeq, %add3A_2431, %eq3A_2446 : vector<160x160xf32>
    %select_n3A_2448 = arith.select %eq3A_2447, %dot_general3A_2444, %select_n3A_2439 : vector<160x160xi1>, vector<160x160xf32>
    %slice3A_2449 = vector.extract_strided_slice %convert_element_type3A {offsets = [1, 0], sizes = [1, 128], strides = [1, 1]} : vector<8x128xbf16> to vector<1x128xbf16>
    %mul3A_2450 = vector.broadcast %slice3A_2449 : vector<1x128xbf16> to vector<160x128xbf16>
    %mul3A_2451 = arith.mulf %get3A_2427, %mul3A_2450 : vector<160x128xbf16>
    %dot_general3A_2452 = arith.constant dense<0.000000e+00> : vector<160x160xf32>
    %dot_general3A_2453 = tpu.matmul %mul3A_2451, %get3A_2427, %dot_general3A_2452 {dimension_numbers = #tpu.dot_dimension_numbers<[1], [1], [0], [0], [0, 0, 1, 0], [], []>, transpose_lhs_hint = false} : vector<160x128xbf16>, vector<160x128xbf16>, vector<160x160xf32> -> vector<160x160xf32>
    %eq3A_2454 = arith.constant 2.000000e+00 : f32
    %eq3A_2455 = vector.broadcast %eq3A_2454 : f32 to vector<160x160xf32>
    %eq3A_2456 = arith.cmpf oeq, %add3A_2431, %eq3A_2455 : vector<160x160xf32>
    %select_n3A_2457 = arith.select %eq3A_2456, %dot_general3A_2453, %select_n3A_2448 : vector<160x160xi1>, vector<160x160xf32>
    %slice3A_2458 = vector.extract_strided_slice %convert_element_type3A {offsets = [2, 0], sizes = [1, 128], strides = [1, 1]} : vector<8x128xbf16> to vector<1x128xbf16>
    %mul3A_2459 = vector.broadcast %slice3A_2458 : vector<1x128xbf16> to vector<160x128xbf16>
    %mul3A_2460 = arith.mulf %get3A_2427, %mul3A_2459 : vector<160x128xbf16>
    %dot_general3A_2461 = arith.constant dense<0.000000e+00> : vector<160x160xf32>
    %dot_general3A_2462 = tpu.matmul %mul3A_2460, %get3A_2427, %dot_general3A_2461 {dimension_numbers = #tpu.dot_dimension_numbers<[1], [1], [0], [0], [0, 0, 1, 0], [], []>, transpose_lhs_hint = false} : vector<160x128xbf16>, vector<160x128xbf16>, vector<160x160xf32> -> vector<160x160xf32>
    %eq3A_2463 = arith.constant 3.000000e+00 : f32
    %eq3A_2464 = vector.broadcast %eq3A_2463 : f32 to vector<160x160xf32>
    %eq3A_2465 = arith.cmpf oeq, %add3A_2431, %eq3A_2464 : vector<160x160xf32>
    %select_n3A_2466 = arith.select %eq3A_2465, %dot_general3A_2462, %select_n3A_2457 : vector<160x160xi1>, vector<160x160xf32>
    %slice3A_2467 = vector.extract_strided_slice %convert_element_type3A {offsets = [3, 0], sizes = [1, 128], strides = [1, 1]} : vector<8x128xbf16> to vector<1x128xbf16>
    %mul3A_2468 = vector.broadcast %slice3A_2467 : vector<1x128xbf16> to vector<160x128xbf16>
    %mul3A_2469 = arith.mulf %get3A_2427, %mul3A_2468 : vector<160x128xbf16>
    %dot_general3A_2470 = arith.constant dense<0.000000e+00> : vector<160x160xf32>
    %dot_general3A_2471 = tpu.matmul %mul3A_2469, %get3A_2427, %dot_general3A_2470 {dimension_numbers = #tpu.dot_dimension_numbers<[1], [1], [0], [0], [0, 0, 1, 0], [], []>, transpose_lhs_hint = false} : vector<160x128xbf16>, vector<160x128xbf16>, vector<160x160xf32> -> vector<160x160xf32>
    %eq3A_2472 = arith.constant 4.000000e+00 : f32
    %eq3A_2473 = vector.broadcast %eq3A_2472 : f32 to vector<160x160xf32>
    %eq3A_2474 = arith.cmpf oeq, %add3A_2431, %eq3A_2473 : vector<160x160xf32>
    %select_n3A_2475 = arith.select %eq3A_2474, %dot_general3A_2471, %select_n3A_2466 : vector<160x160xi1>, vector<160x160xf32>
    %ge3A_2476 = arith.constant 0.000000e+00 : f32
    %ge3A_2477 = vector.broadcast %ge3A_2476 : f32 to vector<160x160xf32>
    %ge3A_2478 = arith.cmpf oge, %select_n3A_2475, %ge3A_2477 : vector<160x160xf32>
    %mul3A_2479 = arith.constant 2.000000e-01 : f32
    %mul3A_2480 = vector.broadcast %mul3A_2479 : f32 to vector<160x160xf32>
    %mul3A_2481 = arith.mulf %mul3A_2480, %select_n3A_2475 : vector<160x160xf32>
    %select_n3A_2482 = arith.select %ge3A_2478, %select_n3A_2475, %mul3A_2481 : vector<160x160xi1>, vector<160x160xf32>
    %exp3A_2483 = math.exp %select_n3A_2482 : vector<160x160xf32>
    %reduce_sum3A_2484 = arith.constant dense<0.000000e+00> : vector<160xf32>
    %reduce_sum3A_2485 = vector.multi_reduction <add>, %exp3A_2483, %reduce_sum3A_2484 [1] : vector<160x160xf32> to vector<160xf32>
    %broadcast_in_dim3A_2486 = vector.shape_cast %reduce_sum3A_2485 : vector<160xf32> to vector<160x1xf32>
    %div3A_2487 = vector.broadcast %broadcast_in_dim3A_2486 : vector<160x1xf32> to vector<160x160xf32>
    %div3A_2488 = arith.divf %exp3A_2483, %div3A_2487 : vector<160x160xf32>
    %convert_element_type3A_2489 = arith.truncf %div3A_2488 : vector<160x160xf32> to vector<160x160xbf16>
    %dot_general3A_2490 = arith.constant dense<0.000000e+00> : vector<160x128xf32>
    %dot_general3A_2491 = tpu.matmul %convert_element_type3A_2489, %get3A_2427, %dot_general3A_2490 {dimension_numbers = #tpu.dot_dimension_numbers<[1], [0], [0], [1], [0, 0, 1, 1], [], []>, transpose_lhs_hint = false} : vector<160x160xbf16>, vector<160x128xbf16>, vector<160x128xf32> -> vector<160x128xf32>
    %reshape3A_2492 = vector.shape_cast %dot_general3A_2491 : vector<160x128xf32> to vector<8x20x128xf32>
    %transpose3A_2493 = tpu.transpose %reshape3A_2492, [1, 0, 2] : vector<8x20x128xf32> -> vector<20x8x128xf32>
    %swap3A_2494 = arith.constant 0 : index
    %swap3A_2495 = arith.index_cast %multiple_of3A_2424 : i32 to index
    %swap3A_2496 = arith.constant 0 : index
    %swap3A_2497 = vector.load %arg6[%swap3A_2494, %swap3A_2495, %swap3A_2496] : memref<20x256x128xf32, #tpu.memory_space<vmem>>, vector<20x8x128xf32>
    tpu.vector_store %arg6[%swap3A_2494, %swap3A_2495, %swap3A_2496], %transpose3A_2493 {strides = array<i32>} : memref<20x256x128xf32, #tpu.memory_space<vmem>>, vector<20x8x128xf32>,
    %scan3A_2498 = arith.constant 31 : i32
    %mul3A_2499 = arith.constant 160 : i32
    %mul3A_2500 = arith.muli %scan3A_2498, %mul3A_2499 : i32
    %multiple_of3A_2501 = tpu.assume_multiple %mul3A_2500, 160 : i32
    %mul3A_2502 = arith.constant 8 : i32
    %mul3A_2503 = arith.muli %scan3A_2498, %mul3A_2502 : i32
    %multiple_of3A_2504 = tpu.assume_multiple %mul3A_2503, 8 : i32
    %get3A_2505 = arith.index_cast %multiple_of3A_2501 : i32 to index
    %get3A_2506 = arith.constant 0 : index
    %get3A_2507 = vector.load %arg7[%get3A_2505, %get3A_2506] : memref<5120x128xbf16, #tpu.memory_space<vmem>>, vector<160x128xbf16>
    %get3A_2508 = arith.index_cast %multiple_of3A_2501 : i32 to index
    %get3A_2509 = arith.constant 0 : index
    %get3A_2510 = vector.load %arg8[%get3A_2508, %get3A_2509] : memref<5120x160xf32, #tpu.memory_space<vmem>>, vector<160x160xf32>
    %add3A_2511 = arith.addf %get3A_2510, %get3A_7 : vector<160x160xf32>
    %ge3A_2512 = arith.constant 9.950000e+01 : f32
    %ge3A_2513 = vector.broadcast %ge3A_2512 : f32 to vector<160x160xf32>
    %ge3A_2514 = arith.cmpf oge, %add3A_2511, %ge3A_2513 : vector<160x160xf32>
    %jit3A_2515 = arith.constant -6.000000e+02 : f32
    %jit3A_2516 = arith.constant -3.000000e+02 : f32
    %broadcast_in_dim3A_2517 = vector.broadcast %jit3A_2515 : f32 to vector<160x160xf32>
    %broadcast_in_dim3A_2518 = vector.broadcast %jit3A_2516 : f32 to vector<160x160xf32>
    %select_n3A_2519 = arith.select %ge3A_2514, %broadcast_in_dim3A_2517, %broadcast_in_dim3A_2518 : vector<160x160xi1>, vector<160x160xf32>
    %slice3A_2520 = vector.extract_strided_slice %convert_element_type3A {offsets = [0, 0], sizes = [1, 128], strides = [1, 1]} : vector<8x128xbf16> to vector<1x128xbf16>
    %mul3A_2521 = vector.broadcast %slice3A_2520 : vector<1x128xbf16> to vector<160x128xbf16>
    %mul3A_2522 = arith.mulf %get3A_2507, %mul3A_2521 : vector<160x128xbf16>
    %dot_general3A_2523 = arith.constant dense<0.000000e+00> : vector<160x160xf32>
    %dot_general3A_2524 = tpu.matmul %mul3A_2522, %get3A_2507, %dot_general3A_2523 {dimension_numbers = #tpu.dot_dimension_numbers<[1], [1], [0], [0], [0, 0, 1, 0], [], []>, transpose_lhs_hint = false} : vector<160x128xbf16>, vector<160x128xbf16>, vector<160x160xf32> -> vector<160x160xf32>
    %eq3A_2525 = arith.constant 1.000000e+00 : f32
    %eq3A_2526 = vector.broadcast %eq3A_2525 : f32 to vector<160x160xf32>
    %eq3A_2527 = arith.cmpf oeq, %add3A_2511, %eq3A_2526 : vector<160x160xf32>
    %select_n3A_2528 = arith.select %eq3A_2527, %dot_general3A_2524, %select_n3A_2519 : vector<160x160xi1>, vector<160x160xf32>
    %slice3A_2529 = vector.extract_strided_slice %convert_element_type3A {offsets = [1, 0], sizes = [1, 128], strides = [1, 1]} : vector<8x128xbf16> to vector<1x128xbf16>
    %mul3A_2530 = vector.broadcast %slice3A_2529 : vector<1x128xbf16> to vector<160x128xbf16>
    %mul3A_2531 = arith.mulf %get3A_2507, %mul3A_2530 : vector<160x128xbf16>
    %dot_general3A_2532 = arith.constant dense<0.000000e+00> : vector<160x160xf32>
    %dot_general3A_2533 = tpu.matmul %mul3A_2531, %get3A_2507, %dot_general3A_2532 {dimension_numbers = #tpu.dot_dimension_numbers<[1], [1], [0], [0], [0, 0, 1, 0], [], []>, transpose_lhs_hint = false} : vector<160x128xbf16>, vector<160x128xbf16>, vector<160x160xf32> -> vector<160x160xf32>
    %eq3A_2534 = arith.constant 2.000000e+00 : f32
    %eq3A_2535 = vector.broadcast %eq3A_2534 : f32 to vector<160x160xf32>
    %eq3A_2536 = arith.cmpf oeq, %add3A_2511, %eq3A_2535 : vector<160x160xf32>
    %select_n3A_2537 = arith.select %eq3A_2536, %dot_general3A_2533, %select_n3A_2528 : vector<160x160xi1>, vector<160x160xf32>
    %slice3A_2538 = vector.extract_strided_slice %convert_element_type3A {offsets = [2, 0], sizes = [1, 128], strides = [1, 1]} : vector<8x128xbf16> to vector<1x128xbf16>
    %mul3A_2539 = vector.broadcast %slice3A_2538 : vector<1x128xbf16> to vector<160x128xbf16>
    %mul3A_2540 = arith.mulf %get3A_2507, %mul3A_2539 : vector<160x128xbf16>
    %dot_general3A_2541 = arith.constant dense<0.000000e+00> : vector<160x160xf32>
    %dot_general3A_2542 = tpu.matmul %mul3A_2540, %get3A_2507, %dot_general3A_2541 {dimension_numbers = #tpu.dot_dimension_numbers<[1], [1], [0], [0], [0, 0, 1, 0], [], []>, transpose_lhs_hint = false} : vector<160x128xbf16>, vector<160x128xbf16>, vector<160x160xf32> -> vector<160x160xf32>
    %eq3A_2543 = arith.constant 3.000000e+00 : f32
    %eq3A_2544 = vector.broadcast %eq3A_2543 : f32 to vector<160x160xf32>
    %eq3A_2545 = arith.cmpf oeq, %add3A_2511, %eq3A_2544 : vector<160x160xf32>
    %select_n3A_2546 = arith.select %eq3A_2545, %dot_general3A_2542, %select_n3A_2537 : vector<160x160xi1>, vector<160x160xf32>
    %slice3A_2547 = vector.extract_strided_slice %convert_element_type3A {offsets = [3, 0], sizes = [1, 128], strides = [1, 1]} : vector<8x128xbf16> to vector<1x128xbf16>
    %mul3A_2548 = vector.broadcast %slice3A_2547 : vector<1x128xbf16> to vector<160x128xbf16>
    %mul3A_2549 = arith.mulf %get3A_2507, %mul3A_2548 : vector<160x128xbf16>
    %dot_general3A_2550 = arith.constant dense<0.000000e+00> : vector<160x160xf32>
    %dot_general3A_2551 = tpu.matmul %mul3A_2549, %get3A_2507, %dot_general3A_2550 {dimension_numbers = #tpu.dot_dimension_numbers<[1], [1], [0], [0], [0, 0, 1, 0], [], []>, transpose_lhs_hint = false} : vector<160x128xbf16>, vector<160x128xbf16>, vector<160x160xf32> -> vector<160x160xf32>
    %eq3A_2552 = arith.constant 4.000000e+00 : f32
    %eq3A_2553 = vector.broadcast %eq3A_2552 : f32 to vector<160x160xf32>
    %eq3A_2554 = arith.cmpf oeq, %add3A_2511, %eq3A_2553 : vector<160x160xf32>
    %select_n3A_2555 = arith.select %eq3A_2554, %dot_general3A_2551, %select_n3A_2546 : vector<160x160xi1>, vector<160x160xf32>
    %ge3A_2556 = arith.constant 0.000000e+00 : f32
    %ge3A_2557 = vector.broadcast %ge3A_2556 : f32 to vector<160x160xf32>
    %ge3A_2558 = arith.cmpf oge, %select_n3A_2555, %ge3A_2557 : vector<160x160xf32>
    %mul3A_2559 = arith.constant 2.000000e-01 : f32
    %mul3A_2560 = vector.broadcast %mul3A_2559 : f32 to vector<160x160xf32>
    %mul3A_2561 = arith.mulf %mul3A_2560, %select_n3A_2555 : vector<160x160xf32>
    %select_n3A_2562 = arith.select %ge3A_2558, %select_n3A_2555, %mul3A_2561 : vector<160x160xi1>, vector<160x160xf32>
    %exp3A_2563 = math.exp %select_n3A_2562 : vector<160x160xf32>
    %reduce_sum3A_2564 = arith.constant dense<0.000000e+00> : vector<160xf32>
    %reduce_sum3A_2565 = vector.multi_reduction <add>, %exp3A_2563, %reduce_sum3A_2564 [1] : vector<160x160xf32> to vector<160xf32>
    %broadcast_in_dim3A_2566 = vector.shape_cast %reduce_sum3A_2565 : vector<160xf32> to vector<160x1xf32>
    %div3A_2567 = vector.broadcast %broadcast_in_dim3A_2566 : vector<160x1xf32> to vector<160x160xf32>
    %div3A_2568 = arith.divf %exp3A_2563, %div3A_2567 : vector<160x160xf32>
    %convert_element_type3A_2569 = arith.truncf %div3A_2568 : vector<160x160xf32> to vector<160x160xbf16>
    %dot_general3A_2570 = arith.constant dense<0.000000e+00> : vector<160x128xf32>
    %dot_general3A_2571 = tpu.matmul %convert_element_type3A_2569, %get3A_2507, %dot_general3A_2570 {dimension_numbers = #tpu.dot_dimension_numbers<[1], [0], [0], [1], [0, 0, 1, 1], [], []>, transpose_lhs_hint = false} : vector<160x160xbf16>, vector<160x128xbf16>, vector<160x128xf32> -> vector<160x128xf32>
    %reshape3A_2572 = vector.shape_cast %dot_general3A_2571 : vector<160x128xf32> to vector<8x20x128xf32>
    %transpose3A_2573 = tpu.transpose %reshape3A_2572, [1, 0, 2] : vector<8x20x128xf32> -> vector<20x8x128xf32>
    %swap3A_2574 = arith.constant 0 : index
    %swap3A_2575 = arith.index_cast %multiple_of3A_2504 : i32 to index
    %swap3A_2576 = arith.constant 0 : index
    %swap3A_2577 = vector.load %arg6[%swap3A_2574, %swap3A_2575, %swap3A_2576] : memref<20x256x128xf32, #tpu.memory_space<vmem>>, vector<20x8x128xf32>
    tpu.vector_store %arg6[%swap3A_2574, %swap3A_2575, %swap3A_2576], %transpose3A_2573 {strides = array<i32>} : memref<20x256x128xf32, #tpu.memory_space<vmem>>, vector<20x8x128xf32>,
    %scan3A_2578 = arith.constant 32 : i32
    return
  }
  func.func @transform_0(%arg0: i32) -> (i32, i32) {
    %c0_i32 = arith.constant 0 : i32
    %c0_i32_0 = arith.constant 0 : i32
    return %arg0, %c0_i32 : i32, i32
  }
  func.func @transform_1(%arg0: i32) -> (i32, i32, i32) {
    %c0_i32 = arith.constant 0 : i32
    %c0_i32_0 = arith.constant 0 : i32
    %c0_i32_1 = arith.constant 0 : i32
    return %arg0, %c0_i32, %c0_i32_0 : i32, i32, i32
  }
  func.func @transform_2(%arg0: i32) -> (i32, i32) {
    %c0_i32 = arith.constant 0 : i32
    %c0_i32_0 = arith.constant 0 : i32
    %c0_i32_1 = arith.constant 0 : i32
    return %c0_i32, %c0_i32_0 : i32, i32
  }
  func.func @transform_3(%arg0: i32) -> (i32, i32) {
    %c0_i32 = arith.constant 0 : i32
    %c0_i32_0 = arith.constant 0 : i32
    %c0_i32_1 = arith.constant 0 : i32
    return %c0_i32, %c0_i32_0 : i32, i32
  }
  func.func @transform_4(%arg0: i32) -> (i32, i32) {
    %c0_i32 = arith.constant 0 : i32
    %c0_i32_0 = arith.constant 0 : i32
    %c0_i32_1 = arith.constant 0 : i32
    return %c0_i32, %c0_i32_0 : i32, i32
  }
  func.func @transform_5(%arg0: i32) -> (i32, i32, i32) {
    %c0_i32 = arith.constant 0 : i32
    %c0_i32_0 = arith.constant 0 : i32
    %c0_i32_1 = arith.constant 0 : i32
    return %c0_i32, %arg0, %c0_i32_0 : i32, i32, i32
  }
}

</mosaic_0001>

<sc_bundles>
// kernel: kernel.4.cloned.1.call-start
scs
__scs_entry_jumppad:
0x0: {  	(pc) =	sbr.rel $0x88, $3  }
0x1: {  	(tag) =	ssettag $0x0;
	lr =	simm.s32 $0x1  }
0x2: {  	[smem:$0x3F9A] =	sst lr;
	_ =	strace $0xD0000000  }
0x3: {  	_ = 	snop  }
0x4: {  	_ = 	snop  }
0x5: {  	_ = 	snop  }
0x6: {  	_ = 	snop  }
0x7: {  	_ = 	snop  }
__scs_overlays_trampoline_lowered:
0x8: {  	[smem:$0x3FA9] =	sst s0  }
0x9: {  	[smem:$0x3FAA] =	sst s1  }
0xa: {  	[smem:$0x3FAB] =	sst s2  }
0xb: {  	[smem:$0x3FAC] =	sst s3  }
0xc: {  	[smem:$0x3FAD] =	sst s4  }
0xd: {  	[smem:$0x3FAE] =	sst s5  }
0xe: {  	[smem:$0x3FAF] =	sst s6  }
0xf: {  	[smem:$0x3FB0] =	sst s7  }
0x10: {  	[smem:$0x3FB1] =	sst s8  }
0x11: {  	[smem:$0x3FB2] =	sst s9;
	s0 =	simm.s32 @!p0 $0x0  }
0x12: {  	s1 =	sld [smem:$0x3F98];
	s0 =	simm.s32 @p0 $0x1  }
0x13: {  	[smem:$0x3FB3] =	sst s0;
	s0 =	simm.s32 @!p1 $0x0  }
0x14: {  	s2 =	sld [smem:$0x3F97];
	s0 =	simm.s32 @p1 $0x1  }
0x15: {  	[smem:$0x3FB4] =	sst s0;
	s0 =	simm.s32 @!p2 $0x0  }
0x16: {  	s3 =	sld [smem:$0x3FDB];
	s0 =	simm.s32 @p2 $0x1  }
0x17: {  	s4 =	simm.s32 $0x1BF5;
	[smem:$0x3FB6] =	sst s0  }
0x18: {  	s0 =	sld [smem:$0x3F99];
	_ =	swait.ge [sflag:s4], $0x0  }
0x19: {  	s7 =	sld [smem:$0x3F9A]  }
0x1a: {  	s8 =	sadd.s32 $0xFFFFE003, lr  }
0x1b: {  	s9 =	sadd.s32 $0xFFFFFEF7, lr;
	s5 =	simm.s32 $0xFFFFFFFF;
	p2 =	slt.u32 s8, $0xFFFFF086  }
0x1c: {  	p1 =	slt.u32 s9, $0xF7A;
	s5 =	simm.s32 @!p2 $0x0  }
0x1d: {  	s5 =	simm.s32 @p1 $0x1;
	p0 =	seq.s32 s7, s2  }
0x1e: {  	s7 =	smul.u32 @!p0 $0xF7A, s2;
	p2 =	seq.s32 @!p0 s5, $0x0  }
0x1f: {  	s9 =	smul.u32 $0xF7A, s1;
	s8 =	simm.s32 @!p0 $0x1BF5;
	p2 =	por !p2, p0  }
0x20: {  	[sflag:s8] =	ssyncset.s32 @!p0 $0xFFFFF086;
	s6 =	sadd.s32 @!p0 s3, s7;
	s7 =	simm.s32 @!p0 $0x108  }
0x21: {  	s3 =	sadd.s32 s3, s9;
	s6 =	sadd.s32 @!p0 $0x88, s6;
	s7 =	simm.s32 @p2 $0x1082  }
0x22: {  	[simem:s7], [sflag:s8] =	dma.local @!p0 [hbm:s6], $0xF7A  }
0x23: {  	s9 =	sor.u32 $0xD0000000, s2;
	s6 =	simm.s32 $0x108;
	_ =	swait.ge @!p0 [sflag:s8], $0x0  }
0x24: {  	s3 =	sadd.s32 $0x88, s3;
	s6 =	simm.s32 @!p1 $0x1082;
	[sflag:s4] =	ssyncset.s32 $0xFFFFF086  }
0x25: {  	[simem:s6], [sflag:s4] =	dma.local [hbm:s3], $0xF7A  }
0x26: {  	[smem:$0x3F9A] =	sst s1;
	(tag) =	ssettag s2;
	_ =	strace s9  }
0x27: {  	s1 =	sld [smem:$0x3FAA]  }
0x28: {  	s2 =	sld [smem:$0x3FAB]  }
0x29: {  	s4 =	sld [smem:$0x3FAD]  }
0x2a: {  	p0 =	seq.s32 s5, $0x0;
	s5 =	sld [smem:$0x3FAE]  }
0x2b: {  	s6 =	sld [smem:$0x3FAF]  }
0x2c: {  	s7 =	sld [smem:$0x3FB0]  }
0x2d: {  	s3 =	simm.s32 $0x108;
	s8 =	sld [smem:$0x3FB1]  }
0x2e: {  	s3 =	simm.s32 @!p0 $0x1082;
	s9 =	sld [smem:$0x3FB2]  }
0x2f: {  	lr =	sadd.s32 s0, s3;
	s0 =	sld [smem:$0x3FA9]  }
0x30: {  	s3 =	sld [smem:$0x3FAC]  }
0x31: {  	[smem:$0x3FB5] =	sst s10  }
0x32: {  	s10 =	sld [smem:$0x3FB3];
	_ =	sdelay $0x3  }
0x33: {  	p0 =	seq.s32 s10, $0x1;
	s10 =	sld [smem:$0x3FB5];
	_ =	sdelay $0x3  }
0x34: {  	[smem:$0x3FB5] =	sst s10  }
0x35: {  	s10 =	sld [smem:$0x3FB4];
	_ =	sdelay $0x3  }
0x36: {  	p1 =	seq.s32 s10, $0x1;
	s10 =	sld [smem:$0x3FB5];
	_ =	sdelay $0x3  }
0x37: {  	[smem:$0x3FB5] =	sst s10  }
0x38: {  	s10 =	sld [smem:$0x3FB6]  }
0x39: {  	_ = 	snop;
	(pc) =	sbr.ind lr, $3  }
0x3a: {  	_ = 	snop  }
0x3b: {  	_ = 	snop  }
0x3c: {  	p2 =	seq.s32 s10, $0x1;
	s10 =	sld [smem:$0x3FB5]  }
0x3d: {  	_ =	shalt  }
0x3e: {  	_ =	shalt  }
0x3f: {  	_ =	shalt  }
0x40: {  	_ =	shalt  }
0x41: {  	_ =	shalt  }
0x42: {  	_ =	shalt  }
0x43: {  	_ =	shalt  }
0x44: {  	_ =	shalt  }
0x45: {  	_ =	shalt  }
0x46: {  	_ =	shalt  }
0x47: {  	_ =	shalt  }
0x48: {  	_ =	shalt  }
0x49: {  	_ =	shalt  }
0x4a: {  	_ =	shalt  }
0x4b: {  	_ =	shalt  }
0x4c: {  	_ =	shalt  }
0x4d: {  	_ =	shalt  }
0x4e: {  	_ =	shalt  }
0x4f: {  	_ =	shalt  }
0x50: {  	_ =	shalt  }
0x51: {  	_ =	shalt  }
0x52: {  	_ =	shalt  }
0x53: {  	_ =	shalt  }
0x54: {  	_ =	shalt  }
0x55: {  	_ =	shalt  }
0x56: {  	_ =	shalt  }
0x57: {  	_ =	shalt  }
0x58: {  	_ =	shalt  }
0x59: {  	_ =	shalt  }
0x5a: {  	_ =	shalt  }
0x5b: {  	_ =	shalt  }
0x5c: {  	_ =	shalt  }
0x5d: {  	_ =	shalt  }
0x5e: {  	_ =	shalt  }
0x5f: {  	_ =	shalt  }
0x60: {  	_ =	shalt  }
0x61: {  	_ =	shalt  }
0x62: {  	_ =	shalt  }
0x63: {  	_ =	shalt  }
0x64: {  	_ =	shalt  }
0x65: {  	_ =	shalt  }
0x66: {  	_ =	shalt  }
0x67: {  	_ =	shalt  }
0x68: {  	_ =	shalt  }
0x69: {  	_ =	shalt  }
0x6a: {  	_ =	shalt  }
0x6b: {  	_ =	shalt  }
0x6c: {  	_ =	shalt  }
0x6d: {  	_ =	shalt  }
0x6e: {  	_ =	shalt  }
0x6f: {  	_ =	shalt  }
0x70: {  	_ =	shalt  }
0x71: {  	_ =	shalt  }
0x72: {  	_ =	shalt  }
0x73: {  	_ =	shalt  }
0x74: {  	_ =	shalt  }
0x75: {  	_ =	shalt  }
0x76: {  	_ =	shalt  }
0x77: {  	_ =	shalt  }
0x78: {  	_ =	shalt  }
0x79: {  	_ =	shalt  }
0x7a: {  	_ =	shalt  }
0x7b: {  	_ =	shalt  }
0x7c: {  	_ =	shalt  }
0x7d: {  	_ =	shalt  }
0x7e: {  	_ =	shalt  }
0x7f: {  	_ =	shalt  }
0x80: {  	_ =	shalt  }
0x81: {  	_ =	shalt  }
0x82: {  	_ =	shalt  }
0x83: {  	_ =	shalt  }
0x84: {  	_ =	shalt  }
0x85: {  	_ =	shalt  }
0x86: {  	_ =	shalt  }
0x87: {  	_ =	shalt  }
.Lfunc_end0:
.L_simem_size_0:
called_computation_lowered:
.L_overlay_start_0:
0x88: {  	s2 =	sld [smem:$0x3FD9]  }
0x89: {  	s3 =	sld [smem:$0x3FFE];
	_ =	sdelay $0x1  }
0x8a: {  	s1 =	srdreg.scid  }
0x8b: {  	s0 =	sand.u32 $0x1, s1  }
0x8c: {  	s17 =	sshll.u32 s0, $0xA;
	s2 =	sadd.s32 s3, s2  }
0x8d: {  	s2 =	sadd.s32 s2, s17  }
0x8e: {  	[smem:$0x3FC1] =	sst s2  }
0x8f: {  	_ = 	snop  }
0x90: {  	s2 =	sld [smem:$0x3FC7]  }
0x91: {  	s18 =	sld [smem:$0x3FD0];
	(tm) =	ssettm $0x1  }
0x92: {  	s4 =	sld [smem:$0x3FFB];
	_ =	sdelay $0x3  }
0x93: {  	_ =	strace s4  }
0x94: {  	s4 =	sld [smem:$0x3FFC];
	_ =	sdelay $0x3  }
0x95: {  	_ =	strace s4  }
0x96: {  	s4 =	sld [smem:$0x3FFD];
	_ =	sdelay $0x3  }
0x97: {  	_ =	strace s4  }
0x98: {  	_ =	strace $0x8FFFFFFF  }
0x99: {  	s19 =	sld [smem:$0x3FDB];
	_ =	sdelay $0x1  }
0x9a: {  	s5 =	simm.s32 $_scs_section_size  }
0x9b: {  	s6 =	simm.s32 $_size__tile_overlayer_lowered;
	s7 =	simm.s32 $_tile_overlayer_lowered  }
0x9c: {  	s22 =	simm.s32 $0x1BFF;
	s21 =	sshll.u32 s7, $0x1;
	s4 =	sadd.s32 s5, s19  }
0x9d: {  	s8 =	simm.s32 $0x0;
	s20 =	sshll.u32 s6, $0x1;
	s6 =	sadd.s32 s21, s4  }
0x9e: {  	[timem:s8], [sflag:s22] =	dma.local [hbm:s6], s20  }
0x9f: {  	_ =	swait.ge [sflag:s22], s20  }
0xa0: {  	s5 =	ssub.s32 $0x0, s20;
	[sflag:s22] =	ssyncset.done $0x0  }
0xa1: {  	[sflag:s22] =	ssyncadd.s32 s5;
	_ =	sdelay $0x1  }
0xa2: {  	s23 =	simm.s32 $0x1B8B  }
0xa3: {  	_ =	swait.ge [sflag:s23], $0x1  }
0xa4: {  	[sflag:s23] =	ssyncset.done $0x0  }
0xa5: {  	s25 =	simm.s32 $0x1B8E;
	s24 =	sld [smem:$0x3FFE];
	[sflag:s23] =	ssyncadd.s32 $0xFFFFFFFF  }
0xa6: {  	s26 =	simm.s32 $execute0_lowered;
	[smem:$0x3FD2] =	sst s25  }
0xa7: {  	s6 =	sshll.u32 s26, $0x1;
	_ =	strace $0x80000046;
	[dreg:$0x1] =	wrdreg $0xFFFFFFFF  }
0xa8: {  	s28 =	simm.s32 $_size_execute0_lowered;
	s4 =	sadd.s32 s4, s6;
	[dreg:$0x0] =	wrdreg $0x0  }
0xa9: {  	s6 =	sshll.u32 s28, $0x1;
	[dreg:$0x2] =	wrdreg s4  }
0xaa: {  	[dreg:$0x3] =	wrdreg s6  }
0xab: {  	[dreg:$0x4] =	wrdreg $0xC0  }
0xac: {  	_ =	task [dreg:s8], $0x5FFFF  }
0xad: {  	[dreg:$0x1] =	wrdreg $0xFFFFFFFF  }
0xae: {  	[dreg:$0x0] =	wrdreg $0x60  }
0xaf: {  	[dreg:$0x2] =	wrdreg s24  }
0xb0: {  	[dreg:$0x3] =	wrdreg s2  }
0xb1: {  	[dreg:$0x4] =	wrdreg s18  }
0xb2: {  	[dreg:$0x5] =	wrdreg $0x9  }
0xb3: {  	_ =	task.clear_ibuf [dreg:s8], $0x6FFFF;
	_ =	strace $0x90000046  }
0xb4: {  	s29 =	simm.s32 $0x9;
	_ =	strace $0x80000048  }
0xb5: {  	_ =	swait.ge [sflag:s29], $0x1  }
0xb6: {  	[sflag:s29] =	ssyncadd.s32 $0xFFFFFFFF  }
0xb7: {  	_ =	strace $0x90000048  }
0xb8: {  	_ =	sfence  }
0xb9: {  	s30 =	sld [smem:$0x0];
	_ =	sdelay $0x2  }
0xba: {  	s31 =	sshll.u32 s1, $0xD;
	s1 =	sshrl.u32 s1, $0x2  }
0xbb: {  	s3 =	sand.u32 $0x4000, s31;
	s1 =	sadd.s32 s1, s30  }
0xbc: {  	s0 =	sor.u32 s3, s0;
	s1 =	sshll.u32 s1, $0x11  }
0xbd: {  	s0 =	sor.u32 s1, s0  }
0xbe: {  	s0 =	sadd.s32 $0x8F2B, s0  }
0xbf: {  	[sflag:s0] =	ssyncadd.remote.s32 $0x1  }
0xc0: {  	_ =	sfence.sel $0xFFFF  }
0xc1: {  	[dreg:$0x0] =	wrdreg $0xFFFFFFFF;
	(pc) =	sbr.abs _section_cstart, $3  }
0xc2: {  	[dreg:$0x1] =	wrdreg $0xFFFFFFFF  }
0xc3: {  	_ =	task.clear_ibuf [dreg:s8], $0x2FFFF;
	_ =	strace $0x9FFFFFFF  }
0xc4: {  	(tm) =	ssettm $0x7FFFFFFF  }
0xc5: {  	_ =	shalt  }
tec
execute0_lowered:
.L_overlay_start_1:
0x0: {  	(tag) =	ssettag $0x1  }
0x1: {  	s1 =	srdreg.scid;
	s0 =	stileid.u32  }
0x2: {  	s4 =	rddreg [dreg:$0x0];
	s16 =	sand.u32 $0x1, s1;
	s30 =	sshll.u32 s0, $0x1  }
0x3: {  	s2 =	rddreg [dreg:$0x1];
	s17 =	sor.u32 s16, s30  }
0x4: {  	s18 =	rddreg [dreg:$0x2];
	s5 =	smul.u32 $0x50, s17  }
0x5: {  	s3 =	simm.s32 $0x0;
	s1 =	rddreg [dreg:$0x3]  }
0x6: {  	[smem:$0x7FF] =	sst s3;
	s4 =	sadd.s32 s5, s4  }
0x7: {  	_ =	strace $0x80000047;
	s5 =	sadd.s32 $0x1000, s4;
	s4 =	simm.s32 $0x2  }
0x8: {  	[tilespmem:s3], [sflag:$0x2] =	stream.linear.gather [hbm4b:s5+s3], $0x280, $0x38;
	[tilespmem:$0x14280] =	vst v63  }
0x9: {  	_ =	swait.ge [sflag:s4], $0x280  }
0xa: {  	[sflag:s4] =	ssyncset.done $0x0  }
0xb: {  	s6 =	simm.s32 $0x80;
	s7 =	simm.s32 $0x280;
	[sflag:s4] =	ssyncadd.s32 $0xFFFFFD80  }
0xc: {  	[tilespmem:s7], [sflag:$0x1] =	stream.indirect.gather [hbm4b:s2+s6], $0x80, s3, s6, $0xb8;
	[tilespmem:$0x14280] =	vst v63  }
0xd: {  	s8 =	simm.s32 $0x4280  }
0xe: {  	[tilespmem:s8], [sflag:$0x1] =	stream.indirect.gather [hbm4b:s2+s6], $0x80, s6, s6, $0xb8;
	[tilespmem:$0x14280] =	vst v63  }
0xf: {  	s9 =	simm.s32 $0x100;
	s10 =	simm.s32 $0x8280  }
0x10: {  	[tilespmem:s10], [sflag:$0x1] =	stream.indirect.gather [hbm4b:s2+s6], $0x80, s9, s6, $0xb8;
	[tilespmem:$0x14280] =	vst v63  }
0x11: {  	s11 =	simm.s32 $0x180;
	s12 =	simm.s32 $0xC280  }
0x12: {  	[tilespmem:s12], [sflag:$0x1] =	stream.indirect.gather [hbm4b:s2+s6], $0x80, s11, s6, $0xb8;
	[tilespmem:$0x14280] =	vst v63  }
0x13: {  	s13 =	simm.s32 $0x200;
	s14 =	simm.s32 $0x10280;
	s15 =	simm.s32 $0x1  }
0x14: {  	[tilespmem:s14], [sflag:$0x1] =	stream.indirect.gather [hbm4b:s2+s6], $0x80, s13, s6, $0xb8;
	[tilespmem:$0x14280] =	vst v63  }
0x15: {  	_ =	swait.ge [sflag:s15], $0x4000  }
0x16: {  	[sflag:s15] =	ssyncset.done $0x0  }
0x17: {  	[sflag:s15] =	ssyncadd.s32 $0xFFFFC000  }
0x18: {  	_ =	swait.ge [sflag:s15], $0x4000  }
0x19: {  	[sflag:s15] =	ssyncset.done $0x0  }
0x1a: {  	[sflag:s15] =	ssyncadd.s32 $0xFFFFC000  }
0x1b: {  	_ =	swait.ge [sflag:s15], $0x4000  }
0x1c: {  	[sflag:s15] =	ssyncset.done $0x0  }
0x1d: {  	s16 =	ssub.s32 $0x2, s16;
	[sflag:s15] =	ssyncadd.s32 $0xFFFFC000  }
0x1e: {  	s19 =	sshrl.u32 s16, $0x1;
	_ =	swait.ge [sflag:s15], $0x4000  }
0x1f: {  	s19 =	ssub.s32 s16, s19;
	[sflag:s15] =	ssyncset.done $0x0  }
0x20: {  	s31 =	smax.u32 s19, $0x1;
	[sflag:s15] =	ssyncadd.s32 $0xFFFFC000  }
0x21: {  	s17 =	smul.u32 $0x2800, s17;
	p0 =	sne.s32 s31, $0x1;
	_ =	swait.ge [sflag:s15], $0x4000  }
.Ltmp0:
0x22: {  	[sflag:s15] =	ssyncset.done $0x0;
	(pc) =	sbr.rel @!p0 .LBB2_2-.Ltmp0, $4  }
0x23: {  	s16 =	sadd.s32 s18, s17;
	[sflag:s15] =	ssyncadd.s32 $0xFFFFC000  }
0x24: {  	[hbm4b:s16+s3] =	stream.linear.scatter [tilespmem:s7], [sflag:$0x2], $0x14000, $0x38;
	[tilespmem:$0x14280] =	vst v63  }
0x25: {  	_ =	swait.ge [sflag:s4], $0x14000  }
0x26: {  	s17 =	sadd.s32 $0xFFFFFFFF, s31;
	[sflag:s4] =	ssyncset.done $0x0  }
.LBB2_1:
0x27: {  	p0 =	sne.s32 s17, $0x1;
	s17 =	sadd.s32 $0xFFFFFFFF, s17;
	[sflag:s4] =	ssyncadd.s32 $0xFFFEC000  }
0x28: {  	[tilespmem:s3], [sflag:$0x2] =	stream.linear.gather [hbm4b:s5+s3], $0x280, $0x38;
	[tilespmem:$0x14280] =	vst v63  }
0x29: {  	_ =	swait.ge [sflag:s4], $0x280  }
0x2a: {  	[sflag:s4] =	ssyncset.done $0x0  }
0x2b: {  	[sflag:s4] =	ssyncadd.s32 $0xFFFFFD80  }
0x2c: {  	[tilespmem:s7], [sflag:$0x1] =	stream.indirect.gather [hbm4b:s2+s6], $0x80, s3, s6, $0xb8;
	[tilespmem:$0x14280] =	vst v63  }
0x2d: {  	_ = 	snop  }
0x2e: {  	[tilespmem:s8], [sflag:$0x1] =	stream.indirect.gather [hbm4b:s2+s6], $0x80, s6, s6, $0xb8;
	[tilespmem:$0x14280] =	vst v63  }
0x2f: {  	_ = 	snop  }
0x30: {  	[tilespmem:s10], [sflag:$0x1] =	stream.indirect.gather [hbm4b:s2+s6], $0x80, s9, s6, $0xb8;
	[tilespmem:$0x14280] =	vst v63  }
0x31: {  	_ = 	snop  }
0x32: {  	[tilespmem:s12], [sflag:$0x1] =	stream.indirect.gather [hbm4b:s2+s6], $0x80, s11, s6, $0xb8;
	[tilespmem:$0x14280] =	vst v63  }
0x33: {  	_ = 	snop  }
0x34: {  	[tilespmem:s14], [sflag:$0x1] =	stream.indirect.gather [hbm4b:s2+s6], $0x80, s13, s6, $0xb8;
	[tilespmem:$0x14280] =	vst v63  }
0x35: {  	_ =	swait.ge [sflag:s15], $0x4000  }
0x36: {  	[sflag:s15] =	ssyncset.done $0x0  }
0x37: {  	[sflag:s15] =	ssyncadd.s32 $0xFFFFC000  }
0x38: {  	_ =	swait.ge [sflag:s15], $0x4000  }
0x39: {  	[sflag:s15] =	ssyncset.done $0x0  }
0x3a: {  	[sflag:s15] =	ssyncadd.s32 $0xFFFFC000  }
0x3b: {  	_ =	swait.ge [sflag:s15], $0x4000  }
0x3c: {  	[sflag:s15] =	ssyncset.done $0x0  }
0x3d: {  	[sflag:s15] =	ssyncadd.s32 $0xFFFFC000  }
0x3e: {  	_ =	swait.ge [sflag:s15], $0x4000  }
0x3f: {  	[sflag:s15] =	ssyncset.done $0x0  }
0x40: {  	[sflag:s15] =	ssyncadd.s32 $0xFFFFC000  }
0x41: {  	_ =	swait.ge [sflag:s15], $0x4000  }
.Ltmp1:
0x42: {  	[sflag:s15] =	ssyncset.done $0x0;
	(pc) =	sbr.rel @p0 .LBB2_1-.Ltmp1, $4  }
0x43: {  	[sflag:s15] =	ssyncadd.s32 $0xFFFFC000  }
0x44: {  	[hbm4b:s16+s3] =	stream.linear.scatter [tilespmem:s7], [sflag:$0x2], $0x14000, $0x38;
	[tilespmem:$0x14280] =	vst v63  }
0x45: {  	_ =	swait.ge [sflag:s4], $0x14000  }
0x46: {  	[sflag:s4] =	ssyncset.done $0x0  }
.LBB2_2:
0x47: {  	[sflag:s4] =	ssyncadd.s32 $0xFFFEC000  }
0x48: {  	_ =	sfence.sel $0x180000  }
0x49: {  	[bflag:$0x0] =	sbarrier.arrive $0xFFFF  }
0x4a: {  	p0 =	sne.s32 s0, $0x0;
	_ =	strace $0x90000047  }
0x4b: {  	s0 =	sadd.s32 @!p0 $0x100000, s1;
	[bflag:$0x2] =	sbarrier.arrive $0xFFFF  }
0x4c: {  	[sflag:s0] =	ssyncadd.tile.s32 @!p0 $0x1;
	_ =	shalt  }
.Lfunc_end2:
_tile_overlayer_lowered:
.L_overlay_start_2:
0x4d: {  	(tag) =	ssettag $0x2  }
0x4e: {  	s0 =	rddreg [dreg:$0x0];
	s2 =	stileid.u32  }
0x4f: {  	s1 =	rddreg [dreg:$0x1];
	p0 =	sne.s32 s2, $0x0  }
0x50: {  	s3 =	rddreg [dreg:$0x2];
	[bflag:$0x3] =	sbarrier.arrive $0xFFFF;
	s2 =	simm.s32 @!p0 $0x1C02  }
0x51: {  	[timem:s3], [sflag:s2] =	dma.local @!p0 [hbm:s0], s1  }
0x52: {  	s0 =	simm.s32 @!p0 $0x2  }
0x53: {  	_ =	swait.ge @!p0 [sflag:s0], s1  }
0x54: {  	s1 =	ssub.s32 @!p0 $0x0, s1;
	[sflag:s0] =	ssyncset.done @!p0 $0x0  }
0x55: {  	[sflag:s0] =	ssyncadd.s32 @!p0 s1  }
0x56: {  	[bflag:$0x3] =	sbarrier.arrive $0xFFFF  }
0x57: {  	_ =	shalt  }

</sc_bundles>
